<compile_context>
chip_gen: v7x
topology: tpu7x:2x2x1
jax: 0.10.2.dev20260603
libtpu: 0.0.44.dev20260713+nightly
codegen_flags: <defaults>
</compile_context>

<pallas_src>
import functools

import jax
import jax.numpy as jnp
from jax import lax
from jax.experimental import pallas as pl
from jax.experimental.pallas import tpu as pltpu
from jax.experimental.pallas import tpu_sc as plsc

N = 10000
NP = 10240
E = 320000
D = 128
HALF = 64
P = 16384

N_CORES = 2
N_SUB = 16
ROWS_PER_SUB = NP // N_SUB

EDGES_PER_SUB = E // N_SUB
AGG_CHUNK = 400
AGG_CHUNKS = EDGES_PER_SUB // AGG_CHUNK

DEG_W = 16
EDGES_PER_TILE = E // (N_CORES * N_SUB)
DEG_CHUNK = 1000
DEG_CHUNKS = EDGES_PER_TILE // DEG_CHUNK

GIDX = 4 * P
GROWS_PER_TILE = GIDX // (N_CORES * N_SUB)
G_CHUNK = 512
G_CHUNKS = GROWS_PER_TILE // G_CHUNK

_MESH = plsc.VectorSubcoreMesh(core_axis_name="c", subcore_axis_name="s")


def _zero_rows(ref, nrows, width):
    zv = jnp.zeros((16,), jnp.float32)

    def body(i, _):
        for j in range(width // 16):
            ref[i, pl.ds(j * 16, 16)] = zv
        return 0

    lax.fori_loop(0, nrows, body, 0)


@functools.partial(
    pl.kernel,
    out_type=jax.ShapeDtypeStruct((N_CORES, NP, HALF), jnp.float32),
    mesh=_MESH,
    scratch_types=[
        pltpu.VMEM_SHARED((NP, HALF), jnp.float32),
        pltpu.VMEM_SHARED((NP, HALF), jnp.float32),
        pltpu.VMEM((AGG_CHUNK,), jnp.int32),
        pltpu.VMEM((AGG_CHUNK,), jnp.int32),
        pltpu.VMEM((AGG_CHUNK, HALF), jnp.float32),
        pltpu.SemaphoreType.DMA,
    ],
    compiler_params=pltpu.CompilerParams(use_tc_tiling_on_sc=False),
)
def _sc_aggregate(hT, src, dst, out, table, accum, srcv, dstv, msgs, sem):
    c = lax.axis_index("c")
    s = lax.axis_index("s")
    r0 = s * ROWS_PER_SUB

    pltpu.sync_copy(hT.at[c, pl.ds(r0, ROWS_PER_SUB)],
                    table.at[pl.ds(r0, ROWS_PER_SUB)])
    _zero_rows(msgs, AGG_CHUNK, HALF)
    off = 0
    while off < ROWS_PER_SUB:
        nb = min(AGG_CHUNK, ROWS_PER_SUB - off)
        pltpu.sync_copy(msgs.at[pl.ds(0, nb)],
                        accum.at[pl.ds(r0 + off, nb)])
        off += nb
    plsc.subcore_barrier()

    base = s * EDGES_PER_SUB

    def chunk(k, _):
        off = base + k * AGG_CHUNK
        pltpu.sync_copy(src.at[pl.ds(off, AGG_CHUNK)], srcv)
        pltpu.sync_copy(dst.at[pl.ds(off, AGG_CHUNK)], dstv)
        pltpu.async_copy(table.at[srcv], msgs, sem).wait()
        pltpu.sync_copy(msgs, accum.at[dstv], add=True)
        return 0

    lax.fori_loop(0, AGG_CHUNKS, chunk, 0)
    plsc.subcore_barrier()
    pltpu.sync_copy(accum.at[pl.ds(r0, ROWS_PER_SUB)],
                    out.at[c, pl.ds(r0, ROWS_PER_SUB)])


@functools.partial(
    pl.kernel,
    out_type=jax.ShapeDtypeStruct((N_CORES, NP, DEG_W), jnp.float32),
    mesh=_MESH,
    scratch_types=[
        pltpu.VMEM_SHARED((NP, DEG_W), jnp.float32),
        pltpu.VMEM((DEG_CHUNK, DEG_W), jnp.float32),
        pltpu.VMEM((DEG_CHUNK,), jnp.int32),
    ],
    compiler_params=pltpu.CompilerParams(use_tc_tiling_on_sc=False),
)
def _sc_degree(dst, out, accum, buf, dstv):
    c = lax.axis_index("c")
    s = lax.axis_index("s")
    r0 = s * ROWS_PER_SUB

    _zero_rows(buf, DEG_CHUNK, DEG_W)
    pltpu.sync_copy(buf.at[pl.ds(0, ROWS_PER_SUB)],
                    accum.at[pl.ds(r0, ROWS_PER_SUB)])

    ov = jnp.ones((16,), jnp.float32)

    def fill(i, _):
        buf[i, :] = ov
        return 0

    lax.fori_loop(0, DEG_CHUNK, fill, 0)
    plsc.subcore_barrier()

    base = (s * N_CORES + c) * EDGES_PER_TILE

    def chunk(k, _):
        pltpu.sync_copy(dst.at[pl.ds(base + k * DEG_CHUNK, DEG_CHUNK)], dstv)
        pltpu.sync_copy(buf, accum.at[dstv], add=True)
        return 0

    lax.fori_loop(0, DEG_CHUNKS, chunk, 0)
    plsc.subcore_barrier()
    pltpu.sync_copy(accum.at[pl.ds(r0, ROWS_PER_SUB)],
                    out.at[c, pl.ds(r0, ROWS_PER_SUB)])


@functools.partial(
    pl.kernel,
    out_type=jax.ShapeDtypeStruct((GIDX, D), jnp.float32),
    mesh=_MESH,
    scratch_types=[
        pltpu.VMEM((GROWS_PER_TILE,), jnp.int32),
        pltpu.VMEM((G_CHUNK, D), jnp.float32),
        pltpu.SemaphoreType.DMA,
    ],
    compiler_params=pltpu.CompilerParams(use_tc_tiling_on_sc=False),
)
def _sc_gather(h, idx, out, idxv, rows, sem):
    c = lax.axis_index("c")
    s = lax.axis_index("s")
    base = (s * N_CORES + c) * GROWS_PER_TILE
    pltpu.sync_copy(idx.at[pl.ds(base, GROWS_PER_TILE)], idxv)
    for k in range(G_CHUNKS):
        pltpu.async_copy(h.at[idxv.at[pl.ds(k * G_CHUNK, G_CHUNK)]],
                         rows, sem).wait()
        pltpu.sync_copy(rows, out.at[pl.ds(base + k * G_CHUNK, G_CHUNK)])


def _dense_body(relu, h_ref, agg_ref, deg_ref, ws_ref, wn_ref, b_ref, o_ref):
    deg = deg_ref[0, :, 0:1] + deg_ref[1, :, 0:1]
    inv = 1.0 / jnp.maximum(deg, 1.0)
    y = (jnp.dot(h_ref[...], ws_ref[...], preferred_element_type=jnp.float32)
         + jnp.dot(agg_ref[...], wn_ref[...],
                   preferred_element_type=jnp.float32) * inv
         + b_ref[...])
    o_ref[...] = jnp.maximum(y, 0.0) if relu else y


def _tc_dense(h, agg, deg2, ws, wn, b, relu):
    bm = 1000
    return pl.pallas_call(
        functools.partial(_dense_body, relu),
        grid=(N // bm,),
        in_specs=[
            pl.BlockSpec((bm, D), lambda i: (i, 0)),
            pl.BlockSpec((bm, D), lambda i: (i, 0)),
            pl.BlockSpec((N_CORES, bm, DEG_W), lambda i: (0, i, 0)),
            pl.BlockSpec((D, D), lambda i: (0, 0)),
            pl.BlockSpec((D, D), lambda i: (0, 0)),
            pl.BlockSpec((1, D), lambda i: (0, 0)),
        ],
        out_specs=pl.BlockSpec((bm, D), lambda i: (i, 0)),
        out_shape=jax.ShapeDtypeStruct((N, D), jnp.float32),
    )(h, agg, deg2, ws, wn, b.reshape(1, D))


def _mlp_body(a_ref, b_ref, w1, b1, w2, b2, w3, b3, o_ref):
    t = a_ref[...] * b_ref[...]
    t = jnp.maximum(jnp.dot(t, w1[...], preferred_element_type=jnp.float32)
                    + b1[...], 0.0)
    t = jnp.maximum(jnp.dot(t, w2[...], preferred_element_type=jnp.float32)
                    + b2[...], 0.0)
    o_ref[...] = (jnp.dot(t, w3[...], preferred_element_type=jnp.float32)
                  + b3[...])


def _tc_mlp(a, b, p1w, p1b, p2w, p2b, p3w_pad, p3b_pad):
    bm = 1024
    wspec = pl.BlockSpec((D, D), lambda i: (0, 0))
    bspec = pl.BlockSpec((1, D), lambda i: (0, 0))
    return pl.pallas_call(
        _mlp_body,
        grid=(P // bm,),
        in_specs=[pl.BlockSpec((bm, D), lambda i: (i, 0)),
                  pl.BlockSpec((bm, D), lambda i: (i, 0)),
                  wspec, bspec, wspec, bspec, wspec, bspec],
        out_specs=pl.BlockSpec((bm, D), lambda i: (i, 0)),
        out_shape=jax.ShapeDtypeStruct((P, D), jnp.float32),
    )(a, b, p1w, p1b.reshape(1, D), p2w, p2b.reshape(1, D), p3w_pad, p3b_pad)


def kernel(x, edge_index, pos_edge_index, neg_edge_index,
           W_self1, W_neigh1, b1, W_self2, W_neigh2, b2,
           W_self3, W_neigh3, b3,
           P1_W, P1_b, P2_W, P2_b, P3_W, P3_b):
    src = edge_index[0].astype(jnp.int32)
    dst = edge_index[1].astype(jnp.int32)

    deg2 = _sc_degree(dst)[:, :N, :]

    h = x
    for ws, wn, b, relu in ((W_self1, W_neigh1, b1, True),
                            (W_self2, W_neigh2, b2, True),
                            (W_self3, W_neigh3, b3, False)):
        hp = jnp.pad(h, ((0, NP - N), (0, 0)))
        hT = jnp.transpose(hp.reshape(NP, N_CORES, HALF), (1, 0, 2))
        aggT = _sc_aggregate(hT, src, dst)
        agg = jnp.transpose(aggT, (1, 0, 2)).reshape(NP, D)[:N]
        h = _tc_dense(h, agg, deg2, ws, wn, b, relu)

    idx4 = jnp.concatenate([pos_edge_index[0], pos_edge_index[1],
                            neg_edge_index[0], neg_edge_index[1]]).astype(jnp.int32)
    g = _sc_gather(h, idx4)

    p3w_pad = jnp.pad(P3_W, ((0, 0), (0, D - 1)))
    p3b_pad = jnp.pad(P3_b, (0, D - 1)).reshape(1, D)
    out_pos = _tc_mlp(g[0:P], g[P:2 * P], P1_W, P1_b, P2_W, P2_b,
                      p3w_pad, p3b_pad)
    out_neg = _tc_mlp(g[2 * P:3 * P], g[3 * P:4 * P], P1_W, P1_b,
                      P2_W, P2_b, p3w_pad, p3b_pad)
    return (out_pos[:, 0:1], out_neg[:, 0:1])

# --- scband reference (transcript-rebuilt; emitter-appended) ---
"""Pipeline reference for scband-sage-3590592659701 (READ-ONLY COPY).

The authoritative reference and input builder live on the scoring server;
editing this copy changes nothing except your own understanding.
"""

import jax, jax.numpy as jnp
import numpy as np

N_NODES = 10000
N_EDGES = 320000
D_IN = 128
D_HID = 128
N_PAIRS = 16384


def _sage_layer(h, src, dst, W_self, W_neigh, b, num_nodes):
    msg = h[src]
    agg = jax.ops.segment_sum(msg, dst, num_segments=num_nodes)
    deg = jax.ops.segment_sum(jnp.ones((src.shape[0],), h.dtype), dst, num_segments=num_nodes)
    h_neigh = agg / jnp.maximum(deg, 1.0)[:, None]
    return h @ W_self + h_neigh @ W_neigh + b


def _predictor(h, P1_W, P1_b, P2_W, P2_b, P3_W, P3_b):
    h = jax.nn.relu(h @ P1_W + P1_b)
    h = jax.nn.relu(h @ P2_W + P2_b)
    return h @ P3_W + P3_b


def setup_inputs(seed: int = 0) -> dict:
    key = jax.random.key(seed)
    ks = jax.random.split(key, 24)
    inp = {}
    inp['x'] = jax.random.normal(ks[0], (N_NODES, D_IN), dtype=jnp.float32)
    inp['edge_index'] = jax.random.randint(ks[1], (2, N_EDGES), 0, N_NODES, dtype=jnp.int64)
    inp['pos_edge_index'] = jax.random.randint(ks[2], (2, N_PAIRS), 0, N_NODES, dtype=jnp.int64)
    inp['neg_edge_index'] = jax.random.randint(ks[3], (2, N_PAIRS), 0, N_NODES, dtype=jnp.int64)
    dims = [(D_IN, D_HID), (D_HID, D_HID), (D_HID, D_HID)]
    for l, (di, do) in enumerate(dims, start=1):
        inp['W_self%d' % l] = jax.random.normal(ks[3 + 3 * l], (di, do), dtype=jnp.float32) * 0.05
        inp['W_neigh%d' % l] = jax.random.normal(ks[4 + 3 * l], (di, do), dtype=jnp.float32) * 0.05
        inp['b%d' % l] = jnp.zeros((do,), dtype=jnp.float32)
    inp['P1_W'] = jax.random.normal(ks[16], (D_HID, D_HID), dtype=jnp.float32) * 0.05
    inp['P1_b'] = jnp.zeros((D_HID,), dtype=jnp.float32)
    inp['P2_W'] = jax.random.normal(ks[17], (D_HID, D_HID), dtype=jnp.float32) * 0.05
    inp['P2_b'] = jnp.zeros((D_HID,), dtype=jnp.float32)
    inp['P3_W'] = jax.random.normal(ks[18], (D_HID, 1), dtype=jnp.float32) * 0.05
    inp['P3_b'] = jnp.zeros((1,), dtype=jnp.float32)
    return inp


def reference(x, edge_index, pos_edge_index, neg_edge_index,
              W_self1, W_neigh1, b1, W_self2, W_neigh2, b2, W_self3, W_neigh3, b3,
              P1_W, P1_b, P2_W, P2_b, P3_W, P3_b):
    num_nodes = x.shape[0]
    src, dst = edge_index[0], edge_index[1]
    h = _sage_layer(x, src, dst, W_self1, W_neigh1, b1, num_nodes)
    h = jax.nn.relu(h)
    h = _sage_layer(h, src, dst, W_self2, W_neigh2, b2, num_nodes)
    h = jax.nn.relu(h)
    h = _sage_layer(h, src, dst, W_self3, W_neigh3, b3, num_nodes)
    h_pos = _predictor(h[pos_edge_index[0]] * h[pos_edge_index[1]], P1_W, P1_b, P2_W, P2_b, P3_W, P3_b)
    h_neg = _predictor(h[neg_edge_index[0]] * h[neg_edge_index[1]], P1_W, P1_b, P2_W, P2_b, P3_W, P3_b)
    return (h_pos, h_neg)

if __name__ == "__main__":
    import jax
    _d = setup_inputs()
    print(jax.jit(kernel)(*tuple(_d.values())))

</pallas_src>

<mosaic_0001>
#map = affine_map<(d0, d1) -> (0)>
#map1 = affine_map<(d0, d1) -> (0, 0, 0)>
module attributes {stable_mosaic.version = 14 : i64} {
  func.func @_sc_degree(%arg0: i32, %arg1: i32, %arg2: memref<320000xi32, #tpu.memory_space<hbm>>, %arg3: memref<2x10240x16xf32, #tpu.memory_space<hbm>>, %arg4: memref<10240x16xf32, #tpu.memory_space<vmem_shared>>, %arg5: memref<1000x16xf32, #tpu.memory_space<vmem>>, %arg6: memref<1000xi32, #tpu.memory_space<vmem>>) attributes {dimension_semantics = [#tpu.dimension_semantics<core_parallel>, #tpu.dimension_semantics<subcore_parallel>], iteration_bounds = array<i64: 2, 16>, scalar_prefetch = 0 : i64, scratch_operands = 3 : i64, tpu.core_type = #tpu.core_type<sc_vector_subcore>, window_params = [{transform_indices = #map}, {transform_indices = #map1}]} {
    %mul3A = arith.constant 640 : i32
    %mul3A_0 = arith.muli %arg1, %mul3A : i32
    %broadcast_in_dim3A = arith.constant 0.000000e+00 : f32
    %broadcast_in_dim3A_1 = vector.broadcast %broadcast_in_dim3A : f32 to vector<16xf32>
    %scan3A = arith.constant 0 : i32
    %scan3A_2 = arith.constant 0 : i32
    %scan3A_3 = arith.constant 1000 : i32
    %scan3A_4 = arith.addi %scan3A_2, %scan3A_3 : i32
    %scan3A_5 = arith.constant 1 : i32
    %scan3A_6 = scf.for %scan3A_29 = %scan3A_2 to %scan3A_4 step %scan3A_5 iter_args(%scan3A_30 = %scan3A) -> (i32)  : i32 {
      %swap3A = arith.index_cast %scan3A_29 : i32 to index
      %swap3A_31 = arith.constant 0 : index
      %swap3A_32 = tpu.vector_load %arg5[%swap3A, %swap3A_31] {strides = array<i32>} : memref<1000x16xf32, #tpu.memory_space<vmem>>, vector<1x16xf32>,
      %swap3A_33 = vector.shape_cast %swap3A_32 : vector<1x16xf32> to vector<16xf32>
      %swap3A_34 = vector.shape_cast %broadcast_in_dim3A_1 : vector<16xf32> to vector<1x16xf32>
      tpu.vector_store %arg5[%swap3A, %swap3A_31], %swap3A_34 {strides = array<i32>} : memref<1000x16xf32, #tpu.memory_space<vmem>>, vector<1x16xf32>,
      %scan3A_35 = arith.constant 0 : i32
      scf.yield %scan3A_35 : i32
    }
    %scan3A_7 = arith.constant 1000 : i32
    "tpu.region"() ({
      %run_scoped3A = tpu.sem_alloc : memref<!tpu.dma_semaphore, #tpu.memory_space<semaphore_mem>>
      %dma_start3A = arith.constant 0 : i32
      %dma_start3A_29 = arith.constant 0 : i32
      %dma_start3A_30 = tpu.memref_slice %arg5[%dma_start3A, %dma_start3A_29] : memref<1000x16xf32, #tpu.memory_space<vmem>> -> memref<640x16xf32, #tpu.memory_space<vmem>>
      %dma_start3A_31 = arith.constant 0 : i32
      %dma_start3A_32 = tpu.memref_slice %arg4[%mul3A_0, %dma_start3A_31] : memref<10240x16xf32, #tpu.memory_space<vmem_shared>> -> memref<640x16xf32, #tpu.memory_space<vmem_shared>>
      %dma_start3A_33 = arith.constant 0 : i32
      %dma_start3A_34 = tpu.memref_slice %arg4[%mul3A_0, %dma_start3A_33] : memref<10240x16xf32, #tpu.memory_space<vmem_shared>> -> memref<640x16xf32, #tpu.memory_space<vmem_shared>>
      %dma_start3A_35 = arith.constant 0 : i32
      %dma_start3A_36 = arith.constant 0 : i32
      %dma_start3A_37 = tpu.memref_slice %arg5[%dma_start3A_35, %dma_start3A_36] : memref<1000x16xf32, #tpu.memory_space<vmem>> -> memref<640x16xf32, #tpu.memory_space<vmem>>
      tpu.enqueue_dma source(%dma_start3A_37 : memref<640x16xf32, #tpu.memory_space<vmem>>) target(%dma_start3A_34 : memref<640x16xf32, #tpu.memory_space<vmem_shared>>) target_semaphore(%run_scoped3A : memref<!tpu.dma_semaphore, #tpu.memory_space<semaphore_mem>>)
      %dma_wait3A = arith.constant 0 : i32
      %dma_wait3A_38 = arith.constant 0 : i32
      %dma_wait3A_39 = tpu.memref_slice %arg5[%dma_wait3A, %dma_wait3A_38] : memref<1000x16xf32, #tpu.memory_space<vmem>> -> memref<640x16xf32, #tpu.memory_space<vmem>>
      %dma_wait3A_40 = arith.constant 0 : i32
      %dma_wait3A_41 = tpu.memref_slice %arg4[%mul3A_0, %dma_wait3A_40] : memref<10240x16xf32, #tpu.memory_space<vmem_shared>> -> memref<640x16xf32, #tpu.memory_space<vmem_shared>>
      %dma_wait3A_42 = arith.constant 0 : i32
      %dma_wait3A_43 = tpu.memref_slice %arg4[%mul3A_0, %dma_wait3A_42] : memref<10240x16xf32, #tpu.memory_space<vmem_shared>> -> memref<640x16xf32, #tpu.memory_space<vmem_shared>>
      %dma_wait3A_44 = arith.constant 0 : i32
      %dma_wait3A_45 = arith.constant 0 : i32
      %dma_wait3A_46 = tpu.memref_slice %arg5[%dma_wait3A_44, %dma_wait3A_45] : memref<1000x16xf32, #tpu.memory_space<vmem>> -> memref<640x16xf32, #tpu.memory_space<vmem>>
      tpu.wait_dma2 semaphore(%run_scoped3A : memref<!tpu.dma_semaphore, #tpu.memory_space<semaphore_mem>>) src(%dma_wait3A_46 : memref<640x16xf32, #tpu.memory_space<vmem>>) dst(%dma_wait3A_43 : memref<640x16xf32, #tpu.memory_space<vmem_shared>>)
      tpu.yield
    }) : () -> ()
    %broadcast_in_dim3A_8 = arith.constant 1.000000e+00 : f32
    %broadcast_in_dim3A_9 = vector.broadcast %broadcast_in_dim3A_8 : f32 to vector<16xf32>
    %scan3A_10 = arith.constant 0 : i32
    %scan3A_11 = arith.constant 0 : i32
    %scan3A_12 = arith.constant 1000 : i32
    %scan3A_13 = arith.addi %scan3A_11, %scan3A_12 : i32
    %scan3A_14 = arith.constant 1 : i32
    %scan3A_15 = scf.for %scan3A_29 = %scan3A_11 to %scan3A_13 step %scan3A_14 iter_args(%scan3A_30 = %scan3A_10) -> (i32)  : i32 {
      %swap3A = arith.index_cast %scan3A_29 : i32 to index
      %swap3A_31 = arith.constant 0 : index
      %swap3A_32 = tpu.vector_load %arg5[%swap3A, %swap3A_31] {strides = array<i32>} : memref<1000x16xf32, #tpu.memory_space<vmem>>, vector<1x16xf32>,
      %swap3A_33 = vector.shape_cast %swap3A_32 : vector<1x16xf32> to vector<16xf32>
      %swap3A_34 = vector.shape_cast %broadcast_in_dim3A_9 : vector<16xf32> to vector<1x16xf32>
      tpu.vector_store %arg5[%swap3A, %swap3A_31], %swap3A_34 {strides = array<i32>} : memref<1000x16xf32, #tpu.memory_space<vmem>>, vector<1x16xf32>,
      %scan3A_35 = arith.constant 0 : i32
      scf.yield %scan3A_35 : i32
    }
    %scan3A_16 = arith.constant 1000 : i32
    %barrier3A = arith.constant 0 : index
    tpu.barrier barrier_id(%barrier3A)
    %mul3A_17 = arith.constant 2 : i32
    %mul3A_18 = arith.muli %arg1, %mul3A_17 : i32
    %add3A = arith.addi %mul3A_18, %arg0 : i32
    %mul3A_19 = arith.constant 10000 : i32
    %mul3A_20 = arith.muli %add3A, %mul3A_19 : i32
    %scan3A_21 = arith.constant 0 : i32
    %scan3A_22 = arith.constant 0 : i32
    %scan3A_23 = arith.constant 10 : i32
    %scan3A_24 = arith.addi %scan3A_22, %scan3A_23 : i32
    %scan3A_25 = arith.constant 1 : i32
    %scan3A_26 = scf.for %scan3A_29 = %scan3A_22 to %scan3A_24 step %scan3A_25 iter_args(%scan3A_30 = %scan3A_21) -> (i32)  : i32 {
      %mul3A_31 = arith.constant 1000 : i32
      %mul3A_32 = arith.muli %scan3A_29, %mul3A_31 : i32
      %add3A_33 = arith.addi %mul3A_20, %mul3A_32 : i32
      "tpu.region"() ({
        %run_scoped3A = tpu.sem_alloc : memref<!tpu.dma_semaphore, #tpu.memory_space<semaphore_mem>>
        %dma_start3A = tpu.memref_slice %arg2[%add3A_33] : memref<320000xi32, #tpu.memory_space<hbm>> -> memref<1000xi32, #tpu.memory_space<hbm>>
        %dma_start3A_35 = tpu.memref_slice %arg2[%add3A_33] : memref<320000xi32, #tpu.memory_space<hbm>> -> memref<1000xi32, #tpu.memory_space<hbm>>
        tpu.enqueue_dma source(%dma_start3A_35 : memref<1000xi32, #tpu.memory_space<hbm>>) target(%arg6 : memref<1000xi32, #tpu.memory_space<vmem>>) target_semaphore(%run_scoped3A : memref<!tpu.dma_semaphore, #tpu.memory_space<semaphore_mem>>)
        %dma_wait3A = tpu.memref_slice %arg2[%add3A_33] : memref<320000xi32, #tpu.memory_space<hbm>> -> memref<1000xi32, #tpu.memory_space<hbm>>
        %dma_wait3A_36 = tpu.memref_slice %arg2[%add3A_33] : memref<320000xi32, #tpu.memory_space<hbm>> -> memref<1000xi32, #tpu.memory_space<hbm>>
        tpu.wait_dma2 semaphore(%run_scoped3A : memref<!tpu.dma_semaphore, #tpu.memory_space<semaphore_mem>>) src(%dma_wait3A_36 : memref<1000xi32, #tpu.memory_space<hbm>>) dst(%arg6 : memref<1000xi32, #tpu.memory_space<vmem>>)
        tpu.yield
      }) : () -> ()
      "tpu.region"() ({
        %run_scoped3A = tpu.sem_alloc : memref<!tpu.dma_semaphore, #tpu.memory_space<semaphore_mem>>
        %dma_start3A = arith.constant 0 : i32
        %dma_start3A_35 = arith.constant 0 : i32
        %dma_start3A_36 = tpu.memref_slice %arg4[%dma_start3A, %dma_start3A_35] : memref<10240x16xf32, #tpu.memory_space<vmem_shared>> -> memref<10240x16xf32, #tpu.memory_space<vmem_shared>>
        tpu.enqueue_indirect_dma source(%arg5 : memref<1000x16xf32, #tpu.memory_space<vmem>>) target(%dma_start3A_36 : memref<10240x16xf32, #tpu.memory_space<vmem_shared>>) offsets(%arg6 : memref<1000xi32, #tpu.memory_space<vmem>>) semaphore(%run_scoped3A : memref<!tpu.dma_semaphore, #tpu.memory_space<semaphore_mem>>) {add = true}
        %dma_wait3A = arith.constant 0 : i32
        %dma_wait3A_37 = arith.constant 0 : i32
        %dma_wait3A_38 = tpu.memref_slice %arg4[%dma_wait3A, %dma_wait3A_37] : memref<10240x16xf32, #tpu.memory_space<vmem_shared>> -> memref<10240x16xf32, #tpu.memory_space<vmem_shared>>
        tpu.wait_indirect_dma semaphore(%run_scoped3A : memref<!tpu.dma_semaphore, #tpu.memory_space<semaphore_mem>>) src(%arg5 : memref<1000x16xf32, #tpu.memory_space<vmem>>) dst(%dma_wait3A_38 : memref<10240x16xf32, #tpu.memory_space<vmem_shared>>)
        tpu.yield
      }) : () -> ()
      %scan3A_34 = arith.constant 0 : i32
      scf.yield %scan3A_34 : i32
    }
    %scan3A_27 = arith.constant 10 : i32
    %barrier3A_28 = arith.constant 0 : index
    tpu.barrier barrier_id(%barrier3A_28)
    "tpu.region"() ({
      %run_scoped3A = tpu.sem_alloc : memref<!tpu.dma_semaphore, #tpu.memory_space<semaphore_mem>>
      %dma_start3A = arith.constant 0 : i32
      %dma_start3A_29 = tpu.memref_slice %arg3[%arg0, %mul3A_0, %dma_start3A] : memref<2x10240x16xf32, #tpu.memory_space<hbm>> -> memref<1x640x16xf32, #tpu.memory_space<hbm>>
      %dma_start3A_30 = tpu.memref_squeeze %dma_start3A_29 : memref<1x640x16xf32, #tpu.memory_space<hbm>> -> memref<640x16xf32, #tpu.memory_space<hbm>>
      %dma_start3A_31 = arith.constant 0 : i32
      %dma_start3A_32 = tpu.memref_slice %arg4[%mul3A_0, %dma_start3A_31] : memref<10240x16xf32, #tpu.memory_space<vmem_shared>> -> memref<640x16xf32, #tpu.memory_space<vmem_shared>>
      tpu.enqueue_dma source(%dma_start3A_32 : memref<640x16xf32, #tpu.memory_space<vmem_shared>>) target(%dma_start3A_30 : memref<640x16xf32, #tpu.memory_space<hbm>>) target_semaphore(%run_scoped3A : memref<!tpu.dma_semaphore, #tpu.memory_space<semaphore_mem>>)
      %dma_wait3A = arith.constant 0 : i32
      %dma_wait3A_33 = tpu.memref_slice %arg3[%arg0, %mul3A_0, %dma_wait3A] : memref<2x10240x16xf32, #tpu.memory_space<hbm>> -> memref<1x640x16xf32, #tpu.memory_space<hbm>>
      %dma_wait3A_34 = tpu.memref_squeeze %dma_wait3A_33 : memref<1x640x16xf32, #tpu.memory_space<hbm>> -> memref<640x16xf32, #tpu.memory_space<hbm>>
      %dma_wait3A_35 = arith.constant 0 : i32
      %dma_wait3A_36 = tpu.memref_slice %arg4[%mul3A_0, %dma_wait3A_35] : memref<10240x16xf32, #tpu.memory_space<vmem_shared>> -> memref<640x16xf32, #tpu.memory_space<vmem_shared>>
      tpu.wait_dma2 semaphore(%run_scoped3A : memref<!tpu.dma_semaphore, #tpu.memory_space<semaphore_mem>>) src(%dma_wait3A_36 : memref<640x16xf32, #tpu.memory_space<vmem_shared>>) dst(%dma_wait3A_34 : memref<640x16xf32, #tpu.memory_space<hbm>>)
      tpu.yield
    }) : () -> ()
    return
  }
}

#map = affine_map<(d0, d1) -> (0, 0, 0)>
#map1 = affine_map<(d0, d1) -> (0)>
module attributes {stable_mosaic.version = 14 : i64} {
  func.func @_sc_aggregate(%arg0: i32, %arg1: i32, %arg2: memref<2x10240x64xf32, #tpu.memory_space<hbm>>, %arg3: memref<320000xi32, #tpu.memory_space<hbm>>, %arg4: memref<320000xi32, #tpu.memory_space<hbm>>, %arg5: memref<2x10240x64xf32, #tpu.memory_space<hbm>>, %arg6: memref<10240x64xf32, #tpu.memory_space<vmem_shared>>, %arg7: memref<10240x64xf32, #tpu.memory_space<vmem_shared>>, %arg8: memref<400xi32, #tpu.memory_space<vmem>>, %arg9: memref<400xi32, #tpu.memory_space<vmem>>, %arg10: memref<400x64xf32, #tpu.memory_space<vmem>>, %arg11: memref<!tpu.dma_semaphore, #tpu.memory_space<semaphore_mem>>) attributes {dimension_semantics = [#tpu.dimension_semantics<core_parallel>, #tpu.dimension_semantics<subcore_parallel>], iteration_bounds = array<i64: 2, 16>, scalar_prefetch = 0 : i64, scratch_operands = 6 : i64, tpu.core_type = #tpu.core_type<sc_vector_subcore>, window_params = [{transform_indices = #map}, {transform_indices = #map1}, {transform_indices = #map1}, {transform_indices = #map}]} {
    %mul3A = arith.constant 640 : i32
    %mul3A_0 = arith.muli %arg1, %mul3A : i32
    "tpu.region"() ({
      %run_scoped3A = tpu.sem_alloc : memref<!tpu.dma_semaphore, #tpu.memory_space<semaphore_mem>>
      %dma_start3A = arith.constant 0 : i32
      %dma_start3A_21 = tpu.memref_slice %arg6[%mul3A_0, %dma_start3A] : memref<10240x64xf32, #tpu.memory_space<vmem_shared>> -> memref<640x64xf32, #tpu.memory_space<vmem_shared>>
      %dma_start3A_22 = arith.constant 0 : i32
      %dma_start3A_23 = tpu.memref_slice %arg2[%arg0, %mul3A_0, %dma_start3A_22] : memref<2x10240x64xf32, #tpu.memory_space<hbm>> -> memref<1x640x64xf32, #tpu.memory_space<hbm>>
      %dma_start3A_24 = tpu.memref_squeeze %dma_start3A_23 : memref<1x640x64xf32, #tpu.memory_space<hbm>> -> memref<640x64xf32, #tpu.memory_space<hbm>>
      tpu.enqueue_dma source(%dma_start3A_24 : memref<640x64xf32, #tpu.memory_space<hbm>>) target(%dma_start3A_21 : memref<640x64xf32, #tpu.memory_space<vmem_shared>>) target_semaphore(%run_scoped3A : memref<!tpu.dma_semaphore, #tpu.memory_space<semaphore_mem>>)
      %dma_wait3A = arith.constant 0 : i32
      %dma_wait3A_25 = tpu.memref_slice %arg6[%mul3A_0, %dma_wait3A] : memref<10240x64xf32, #tpu.memory_space<vmem_shared>> -> memref<640x64xf32, #tpu.memory_space<vmem_shared>>
      %dma_wait3A_26 = arith.constant 0 : i32
      %dma_wait3A_27 = tpu.memref_slice %arg2[%arg0, %mul3A_0, %dma_wait3A_26] : memref<2x10240x64xf32, #tpu.memory_space<hbm>> -> memref<1x640x64xf32, #tpu.memory_space<hbm>>
      %dma_wait3A_28 = tpu.memref_squeeze %dma_wait3A_27 : memref<1x640x64xf32, #tpu.memory_space<hbm>> -> memref<640x64xf32, #tpu.memory_space<hbm>>
      tpu.wait_dma2 semaphore(%run_scoped3A : memref<!tpu.dma_semaphore, #tpu.memory_space<semaphore_mem>>) src(%dma_wait3A_28 : memref<640x64xf32, #tpu.memory_space<hbm>>) dst(%dma_wait3A_25 : memref<640x64xf32, #tpu.memory_space<vmem_shared>>)
      tpu.yield
    }) : () -> ()
    %broadcast_in_dim3A = arith.constant 0.000000e+00 : f32
    %broadcast_in_dim3A_1 = vector.broadcast %broadcast_in_dim3A : f32 to vector<16xf32>
    %scan3A = arith.constant 0 : i32
    %scan3A_2 = arith.constant 0 : i32
    %scan3A_3 = arith.constant 400 : i32
    %scan3A_4 = arith.addi %scan3A_2, %scan3A_3 : i32
    %scan3A_5 = arith.constant 1 : i32
    %scan3A_6 = scf.for %scan3A_21 = %scan3A_2 to %scan3A_4 step %scan3A_5 iter_args(%scan3A_22 = %scan3A) -> (i32)  : i32 {
      %swap3A = arith.index_cast %scan3A_21 : i32 to index
      %swap3A_23 = arith.constant 0 : index
      %swap3A_24 = tpu.vector_load %arg10[%swap3A, %swap3A_23] {strides = array<i32>} : memref<400x64xf32, #tpu.memory_space<vmem>>, vector<1x16xf32>,
      %swap3A_25 = vector.shape_cast %swap3A_24 : vector<1x16xf32> to vector<16xf32>
      %swap3A_26 = vector.shape_cast %broadcast_in_dim3A_1 : vector<16xf32> to vector<1x16xf32>
      tpu.vector_store %arg10[%swap3A, %swap3A_23], %swap3A_26 {strides = array<i32>} : memref<400x64xf32, #tpu.memory_space<vmem>>, vector<1x16xf32>,
      %swap3A_27 = arith.index_cast %scan3A_21 : i32 to index
      %swap3A_28 = arith.constant 16 : index
      %swap3A_29 = tpu.vector_load %arg10[%swap3A_27, %swap3A_28] {strides = array<i32>} : memref<400x64xf32, #tpu.memory_space<vmem>>, vector<1x16xf32>,
      %swap3A_30 = vector.shape_cast %swap3A_29 : vector<1x16xf32> to vector<16xf32>
      %swap3A_31 = vector.shape_cast %broadcast_in_dim3A_1 : vector<16xf32> to vector<1x16xf32>
      tpu.vector_store %arg10[%swap3A_27, %swap3A_28], %swap3A_31 {strides = array<i32>} : memref<400x64xf32, #tpu.memory_space<vmem>>, vector<1x16xf32>,
      %swap3A_32 = arith.index_cast %scan3A_21 : i32 to index
      %swap3A_33 = arith.constant 32 : index
      %swap3A_34 = tpu.vector_load %arg10[%swap3A_32, %swap3A_33] {strides = array<i32>} : memref<400x64xf32, #tpu.memory_space<vmem>>, vector<1x16xf32>,
      %swap3A_35 = vector.shape_cast %swap3A_34 : vector<1x16xf32> to vector<16xf32>
      %swap3A_36 = vector.shape_cast %broadcast_in_dim3A_1 : vector<16xf32> to vector<1x16xf32>
      tpu.vector_store %arg10[%swap3A_32, %swap3A_33], %swap3A_36 {strides = array<i32>} : memref<400x64xf32, #tpu.memory_space<vmem>>, vector<1x16xf32>,
      %swap3A_37 = arith.index_cast %scan3A_21 : i32 to index
      %swap3A_38 = arith.constant 48 : index
      %swap3A_39 = tpu.vector_load %arg10[%swap3A_37, %swap3A_38] {strides = array<i32>} : memref<400x64xf32, #tpu.memory_space<vmem>>, vector<1x16xf32>,
      %swap3A_40 = vector.shape_cast %swap3A_39 : vector<1x16xf32> to vector<16xf32>
      %swap3A_41 = vector.shape_cast %broadcast_in_dim3A_1 : vector<16xf32> to vector<1x16xf32>
      tpu.vector_store %arg10[%swap3A_37, %swap3A_38], %swap3A_41 {strides = array<i32>} : memref<400x64xf32, #tpu.memory_space<vmem>>, vector<1x16xf32>,
      %scan3A_42 = arith.constant 0 : i32
      scf.yield %scan3A_42 : i32
    }
    %scan3A_7 = arith.constant 400 : i32
    %add3A = arith.constant 0 : i32
    %add3A_8 = arith.addi %mul3A_0, %add3A : i32
    "tpu.region"() ({
      %run_scoped3A = tpu.sem_alloc : memref<!tpu.dma_semaphore, #tpu.memory_space<semaphore_mem>>
      %dma_start3A = arith.constant 0 : i32
      %dma_start3A_21 = arith.constant 0 : i32
      %dma_start3A_22 = tpu.memref_slice %arg10[%dma_start3A, %dma_start3A_21] : memref<400x64xf32, #tpu.memory_space<vmem>> -> memref<400x64xf32, #tpu.memory_space<vmem>>
      %dma_start3A_23 = arith.constant 0 : i32
      %dma_start3A_24 = tpu.memref_slice %arg7[%add3A_8, %dma_start3A_23] : memref<10240x64xf32, #tpu.memory_space<vmem_shared>> -> memref<400x64xf32, #tpu.memory_space<vmem_shared>>
      %dma_start3A_25 = arith.constant 0 : i32
      %dma_start3A_26 = tpu.memref_slice %arg7[%add3A_8, %dma_start3A_25] : memref<10240x64xf32, #tpu.memory_space<vmem_shared>> -> memref<400x64xf32, #tpu.memory_space<vmem_shared>>
      %dma_start3A_27 = arith.constant 0 : i32
      %dma_start3A_28 = arith.constant 0 : i32
      %dma_start3A_29 = tpu.memref_slice %arg10[%dma_start3A_27, %dma_start3A_28] : memref<400x64xf32, #tpu.memory_space<vmem>> -> memref<400x64xf32, #tpu.memory_space<vmem>>
      tpu.enqueue_dma source(%dma_start3A_29 : memref<400x64xf32, #tpu.memory_space<vmem>>) target(%dma_start3A_26 : memref<400x64xf32, #tpu.memory_space<vmem_shared>>) target_semaphore(%run_scoped3A : memref<!tpu.dma_semaphore, #tpu.memory_space<semaphore_mem>>)
      %dma_wait3A = arith.constant 0 : i32
      %dma_wait3A_30 = arith.constant 0 : i32
      %dma_wait3A_31 = tpu.memref_slice %arg10[%dma_wait3A, %dma_wait3A_30] : memref<400x64xf32, #tpu.memory_space<vmem>> -> memref<400x64xf32, #tpu.memory_space<vmem>>
      %dma_wait3A_32 = arith.constant 0 : i32
      %dma_wait3A_33 = tpu.memref_slice %arg7[%add3A_8, %dma_wait3A_32] : memref<10240x64xf32, #tpu.memory_space<vmem_shared>> -> memref<400x64xf32, #tpu.memory_space<vmem_shared>>
      %dma_wait3A_34 = arith.constant 0 : i32
      %dma_wait3A_35 = tpu.memref_slice %arg7[%add3A_8, %dma_wait3A_34] : memref<10240x64xf32, #tpu.memory_space<vmem_shared>> -> memref<400x64xf32, #tpu.memory_space<vmem_shared>>
      %dma_wait3A_36 = arith.constant 0 : i32
      %dma_wait3A_37 = arith.constant 0 : i32
      %dma_wait3A_38 = tpu.memref_slice %arg10[%dma_wait3A_36, %dma_wait3A_37] : memref<400x64xf32, #tpu.memory_space<vmem>> -> memref<400x64xf32, #tpu.memory_space<vmem>>
      tpu.wait_dma2 semaphore(%run_scoped3A : memref<!tpu.dma_semaphore, #tpu.memory_space<semaphore_mem>>) src(%dma_wait3A_38 : memref<400x64xf32, #tpu.memory_space<vmem>>) dst(%dma_wait3A_35 : memref<400x64xf32, #tpu.memory_space<vmem_shared>>)
      tpu.yield
    }) : () -> ()
    %add3A_9 = arith.constant 400 : i32
    %add3A_10 = arith.addi %mul3A_0, %add3A_9 : i32
    "tpu.region"() ({
      %run_scoped3A = tpu.sem_alloc : memref<!tpu.dma_semaphore, #tpu.memory_space<semaphore_mem>>
      %dma_start3A = arith.constant 0 : i32
      %dma_start3A_21 = arith.constant 0 : i32
      %dma_start3A_22 = tpu.memref_slice %arg10[%dma_start3A, %dma_start3A_21] : memref<400x64xf32, #tpu.memory_space<vmem>> -> memref<240x64xf32, #tpu.memory_space<vmem>>
      %dma_start3A_23 = arith.constant 0 : i32
      %dma_start3A_24 = tpu.memref_slice %arg7[%add3A_10, %dma_start3A_23] : memref<10240x64xf32, #tpu.memory_space<vmem_shared>> -> memref<240x64xf32, #tpu.memory_space<vmem_shared>>
      %dma_start3A_25 = arith.constant 0 : i32
      %dma_start3A_26 = tpu.memref_slice %arg7[%add3A_10, %dma_start3A_25] : memref<10240x64xf32, #tpu.memory_space<vmem_shared>> -> memref<240x64xf32, #tpu.memory_space<vmem_shared>>
      %dma_start3A_27 = arith.constant 0 : i32
      %dma_start3A_28 = arith.constant 0 : i32
      %dma_start3A_29 = tpu.memref_slice %arg10[%dma_start3A_27, %dma_start3A_28] : memref<400x64xf32, #tpu.memory_space<vmem>> -> memref<240x64xf32, #tpu.memory_space<vmem>>
      tpu.enqueue_dma source(%dma_start3A_29 : memref<240x64xf32, #tpu.memory_space<vmem>>) target(%dma_start3A_26 : memref<240x64xf32, #tpu.memory_space<vmem_shared>>) target_semaphore(%run_scoped3A : memref<!tpu.dma_semaphore, #tpu.memory_space<semaphore_mem>>)
      %dma_wait3A = arith.constant 0 : i32
      %dma_wait3A_30 = arith.constant 0 : i32
      %dma_wait3A_31 = tpu.memref_slice %arg10[%dma_wait3A, %dma_wait3A_30] : memref<400x64xf32, #tpu.memory_space<vmem>> -> memref<240x64xf32, #tpu.memory_space<vmem>>
      %dma_wait3A_32 = arith.constant 0 : i32
      %dma_wait3A_33 = tpu.memref_slice %arg7[%add3A_10, %dma_wait3A_32] : memref<10240x64xf32, #tpu.memory_space<vmem_shared>> -> memref<240x64xf32, #tpu.memory_space<vmem_shared>>
      %dma_wait3A_34 = arith.constant 0 : i32
      %dma_wait3A_35 = tpu.memref_slice %arg7[%add3A_10, %dma_wait3A_34] : memref<10240x64xf32, #tpu.memory_space<vmem_shared>> -> memref<240x64xf32, #tpu.memory_space<vmem_shared>>
      %dma_wait3A_36 = arith.constant 0 : i32
      %dma_wait3A_37 = arith.constant 0 : i32
      %dma_wait3A_38 = tpu.memref_slice %arg10[%dma_wait3A_36, %dma_wait3A_37] : memref<400x64xf32, #tpu.memory_space<vmem>> -> memref<240x64xf32, #tpu.memory_space<vmem>>
      tpu.wait_dma2 semaphore(%run_scoped3A : memref<!tpu.dma_semaphore, #tpu.memory_space<semaphore_mem>>) src(%dma_wait3A_38 : memref<240x64xf32, #tpu.memory_space<vmem>>) dst(%dma_wait3A_35 : memref<240x64xf32, #tpu.memory_space<vmem_shared>>)
      tpu.yield
    }) : () -> ()
    %barrier3A = arith.constant 0 : index
    tpu.barrier barrier_id(%barrier3A)
    %mul3A_11 = arith.constant 20000 : i32
    %mul3A_12 = arith.muli %arg1, %mul3A_11 : i32
    %scan3A_13 = arith.constant 0 : i32
    %scan3A_14 = arith.constant 0 : i32
    %scan3A_15 = arith.constant 50 : i32
    %scan3A_16 = arith.addi %scan3A_14, %scan3A_15 : i32
    %scan3A_17 = arith.constant 1 : i32
    %scan3A_18 = scf.for %scan3A_21 = %scan3A_14 to %scan3A_16 step %scan3A_17 iter_args(%scan3A_22 = %scan3A_13) -> (i32)  : i32 {
      %mul3A_23 = arith.constant 400 : i32
      %mul3A_24 = arith.muli %scan3A_21, %mul3A_23 : i32
      %add3A_25 = arith.addi %mul3A_12, %mul3A_24 : i32
      "tpu.region"() ({
        %run_scoped3A = tpu.sem_alloc : memref<!tpu.dma_semaphore, #tpu.memory_space<semaphore_mem>>
        %dma_start3A_31 = tpu.memref_slice %arg3[%add3A_25] : memref<320000xi32, #tpu.memory_space<hbm>> -> memref<400xi32, #tpu.memory_space<hbm>>
        %dma_start3A_32 = tpu.memref_slice %arg3[%add3A_25] : memref<320000xi32, #tpu.memory_space<hbm>> -> memref<400xi32, #tpu.memory_space<hbm>>
        tpu.enqueue_dma source(%dma_start3A_32 : memref<400xi32, #tpu.memory_space<hbm>>) target(%arg8 : memref<400xi32, #tpu.memory_space<vmem>>) target_semaphore(%run_scoped3A : memref<!tpu.dma_semaphore, #tpu.memory_space<semaphore_mem>>)
        %dma_wait3A_33 = tpu.memref_slice %arg3[%add3A_25] : memref<320000xi32, #tpu.memory_space<hbm>> -> memref<400xi32, #tpu.memory_space<hbm>>
        %dma_wait3A_34 = tpu.memref_slice %arg3[%add3A_25] : memref<320000xi32, #tpu.memory_space<hbm>> -> memref<400xi32, #tpu.memory_space<hbm>>
        tpu.wait_dma2 semaphore(%run_scoped3A : memref<!tpu.dma_semaphore, #tpu.memory_space<semaphore_mem>>) src(%dma_wait3A_34 : memref<400xi32, #tpu.memory_space<hbm>>) dst(%arg8 : memref<400xi32, #tpu.memory_space<vmem>>)
        tpu.yield
      }) : () -> ()
      "tpu.region"() ({
        %run_scoped3A = tpu.sem_alloc : memref<!tpu.dma_semaphore, #tpu.memory_space<semaphore_mem>>
        %dma_start3A_31 = tpu.memref_slice %arg4[%add3A_25] : memref<320000xi32, #tpu.memory_space<hbm>> -> memref<400xi32, #tpu.memory_space<hbm>>
        %dma_start3A_32 = tpu.memref_slice %arg4[%add3A_25] : memref<320000xi32, #tpu.memory_space<hbm>> -> memref<400xi32, #tpu.memory_space<hbm>>
        tpu.enqueue_dma source(%dma_start3A_32 : memref<400xi32, #tpu.memory_space<hbm>>) target(%arg9 : memref<400xi32, #tpu.memory_space<vmem>>) target_semaphore(%run_scoped3A : memref<!tpu.dma_semaphore, #tpu.memory_space<semaphore_mem>>)
        %dma_wait3A_33 = tpu.memref_slice %arg4[%add3A_25] : memref<320000xi32, #tpu.memory_space<hbm>> -> memref<400xi32, #tpu.memory_space<hbm>>
        %dma_wait3A_34 = tpu.memref_slice %arg4[%add3A_25] : memref<320000xi32, #tpu.memory_space<hbm>> -> memref<400xi32, #tpu.memory_space<hbm>>
        tpu.wait_dma2 semaphore(%run_scoped3A : memref<!tpu.dma_semaphore, #tpu.memory_space<semaphore_mem>>) src(%dma_wait3A_34 : memref<400xi32, #tpu.memory_space<hbm>>) dst(%arg9 : memref<400xi32, #tpu.memory_space<vmem>>)
        tpu.yield
      }) : () -> ()
      %dma_start3A = arith.constant 0 : i32
      %dma_start3A_26 = arith.constant 0 : i32
      %dma_start3A_27 = tpu.memref_slice %arg6[%dma_start3A, %dma_start3A_26] : memref<10240x64xf32, #tpu.memory_space<vmem_shared>> -> memref<10240x64xf32, #tpu.memory_space<vmem_shared>>
      tpu.enqueue_indirect_dma source(%dma_start3A_27 : memref<10240x64xf32, #tpu.memory_space<vmem_shared>>) target(%arg10 : memref<400x64xf32, #tpu.memory_space<vmem>>) offsets(%arg8 : memref<400xi32, #tpu.memory_space<vmem>>) semaphore(%arg11 : memref<!tpu.dma_semaphore, #tpu.memory_space<semaphore_mem>>)
      %dma_wait3A = arith.constant 0 : i32
      %dma_wait3A_28 = arith.constant 0 : i32
      %dma_wait3A_29 = tpu.memref_slice %arg6[%dma_wait3A, %dma_wait3A_28] : memref<10240x64xf32, #tpu.memory_space<vmem_shared>> -> memref<10240x64xf32, #tpu.memory_space<vmem_shared>>
      tpu.wait_indirect_dma semaphore(%arg11 : memref<!tpu.dma_semaphore, #tpu.memory_space<semaphore_mem>>) src(%dma_wait3A_29 : memref<10240x64xf32, #tpu.memory_space<vmem_shared>>) dst(%arg10 : memref<400x64xf32, #tpu.memory_space<vmem>>)
      "tpu.region"() ({
        %run_scoped3A = tpu.sem_alloc : memref<!tpu.dma_semaphore, #tpu.memory_space<semaphore_mem>>
        %dma_start3A_31 = arith.constant 0 : i32
        %dma_start3A_32 = arith.constant 0 : i32
        %dma_start3A_33 = tpu.memref_slice %arg7[%dma_start3A_31, %dma_start3A_32] : memref<10240x64xf32, #tpu.memory_space<vmem_shared>> -> memref<10240x64xf32, #tpu.memory_space<vmem_shared>>
        tpu.enqueue_indirect_dma source(%arg10 : memref<400x64xf32, #tpu.memory_space<vmem>>) target(%dma_start3A_33 : memref<10240x64xf32, #tpu.memory_space<vmem_shared>>) offsets(%arg9 : memref<400xi32, #tpu.memory_space<vmem>>) semaphore(%run_scoped3A : memref<!tpu.dma_semaphore, #tpu.memory_space<semaphore_mem>>) {add = true}
        %dma_wait3A_34 = arith.constant 0 : i32
        %dma_wait3A_35 = arith.constant 0 : i32
        %dma_wait3A_36 = tpu.memref_slice %arg7[%dma_wait3A_34, %dma_wait3A_35] : memref<10240x64xf32, #tpu.memory_space<vmem_shared>> -> memref<10240x64xf32, #tpu.memory_space<vmem_shared>>
        tpu.wait_indirect_dma semaphore(%run_scoped3A : memref<!tpu.dma_semaphore, #tpu.memory_space<semaphore_mem>>) src(%arg10 : memref<400x64xf32, #tpu.memory_space<vmem>>) dst(%dma_wait3A_36 : memref<10240x64xf32, #tpu.memory_space<vmem_shared>>)
        tpu.yield
      }) : () -> ()
      %scan3A_30 = arith.constant 0 : i32
      scf.yield %scan3A_30 : i32
    }
    %scan3A_19 = arith.constant 50 : i32
    %barrier3A_20 = arith.constant 0 : index
    tpu.barrier barrier_id(%barrier3A_20)
    "tpu.region"() ({
      %run_scoped3A = tpu.sem_alloc : memref<!tpu.dma_semaphore, #tpu.memory_space<semaphore_mem>>
      %dma_start3A = arith.constant 0 : i32
      %dma_start3A_21 = tpu.memref_slice %arg5[%arg0, %mul3A_0, %dma_start3A] : memref<2x10240x64xf32, #tpu.memory_space<hbm>> -> memref<1x640x64xf32, #tpu.memory_space<hbm>>
      %dma_start3A_22 = tpu.memref_squeeze %dma_start3A_21 : memref<1x640x64xf32, #tpu.memory_space<hbm>> -> memref<640x64xf32, #tpu.memory_space<hbm>>
      %dma_start3A_23 = arith.constant 0 : i32
      %dma_start3A_24 = tpu.memref_slice %arg7[%mul3A_0, %dma_start3A_23] : memref<10240x64xf32, #tpu.memory_space<vmem_shared>> -> memref<640x64xf32, #tpu.memory_space<vmem_shared>>
      tpu.enqueue_dma source(%dma_start3A_24 : memref<640x64xf32, #tpu.memory_space<vmem_shared>>) target(%dma_start3A_22 : memref<640x64xf32, #tpu.memory_space<hbm>>) target_semaphore(%run_scoped3A : memref<!tpu.dma_semaphore, #tpu.memory_space<semaphore_mem>>)
      %dma_wait3A = arith.constant 0 : i32
      %dma_wait3A_25 = tpu.memref_slice %arg5[%arg0, %mul3A_0, %dma_wait3A] : memref<2x10240x64xf32, #tpu.memory_space<hbm>> -> memref<1x640x64xf32, #tpu.memory_space<hbm>>
      %dma_wait3A_26 = tpu.memref_squeeze %dma_wait3A_25 : memref<1x640x64xf32, #tpu.memory_space<hbm>> -> memref<640x64xf32, #tpu.memory_space<hbm>>
      %dma_wait3A_27 = arith.constant 0 : i32
      %dma_wait3A_28 = tpu.memref_slice %arg7[%mul3A_0, %dma_wait3A_27] : memref<10240x64xf32, #tpu.memory_space<vmem_shared>> -> memref<640x64xf32, #tpu.memory_space<vmem_shared>>
      tpu.wait_dma2 semaphore(%run_scoped3A : memref<!tpu.dma_semaphore, #tpu.memory_space<semaphore_mem>>) src(%dma_wait3A_28 : memref<640x64xf32, #tpu.memory_space<vmem_shared>>) dst(%dma_wait3A_26 : memref<640x64xf32, #tpu.memory_space<hbm>>)
      tpu.yield
    }) : () -> ()
    return
  }
}

#map = affine_map<(d0, d1) -> (0, 0, 0)>
#map1 = affine_map<(d0, d1) -> (0)>
module attributes {stable_mosaic.version = 14 : i64} {
  func.func @_sc_aggregate(%arg0: i32, %arg1: i32, %arg2: memref<2x10240x64xf32, #tpu.memory_space<hbm>>, %arg3: memref<320000xi32, #tpu.memory_space<hbm>>, %arg4: memref<320000xi32, #tpu.memory_space<hbm>>, %arg5: memref<2x10240x64xf32, #tpu.memory_space<hbm>>, %arg6: memref<10240x64xf32, #tpu.memory_space<vmem_shared>>, %arg7: memref<10240x64xf32, #tpu.memory_space<vmem_shared>>, %arg8: memref<400xi32, #tpu.memory_space<vmem>>, %arg9: memref<400xi32, #tpu.memory_space<vmem>>, %arg10: memref<400x64xf32, #tpu.memory_space<vmem>>, %arg11: memref<!tpu.dma_semaphore, #tpu.memory_space<semaphore_mem>>) attributes {dimension_semantics = [#tpu.dimension_semantics<core_parallel>, #tpu.dimension_semantics<subcore_parallel>], iteration_bounds = array<i64: 2, 16>, scalar_prefetch = 0 : i64, scratch_operands = 6 : i64, tpu.core_type = #tpu.core_type<sc_vector_subcore>, window_params = [{transform_indices = #map}, {transform_indices = #map1}, {transform_indices = #map1}, {transform_indices = #map}]} {
    %mul3A = arith.constant 640 : i32
    %mul3A_0 = arith.muli %arg1, %mul3A : i32
    "tpu.region"() ({
      %run_scoped3A = tpu.sem_alloc : memref<!tpu.dma_semaphore, #tpu.memory_space<semaphore_mem>>
      %dma_start3A = arith.constant 0 : i32
      %dma_start3A_21 = tpu.memref_slice %arg6[%mul3A_0, %dma_start3A] : memref<10240x64xf32, #tpu.memory_space<vmem_shared>> -> memref<640x64xf32, #tpu.memory_space<vmem_shared>>
      %dma_start3A_22 = arith.constant 0 : i32
      %dma_start3A_23 = tpu.memref_slice %arg2[%arg0, %mul3A_0, %dma_start3A_22] : memref<2x10240x64xf32, #tpu.memory_space<hbm>> -> memref<1x640x64xf32, #tpu.memory_space<hbm>>
      %dma_start3A_24 = tpu.memref_squeeze %dma_start3A_23 : memref<1x640x64xf32, #tpu.memory_space<hbm>> -> memref<640x64xf32, #tpu.memory_space<hbm>>
      tpu.enqueue_dma source(%dma_start3A_24 : memref<640x64xf32, #tpu.memory_space<hbm>>) target(%dma_start3A_21 : memref<640x64xf32, #tpu.memory_space<vmem_shared>>) target_semaphore(%run_scoped3A : memref<!tpu.dma_semaphore, #tpu.memory_space<semaphore_mem>>)
      %dma_wait3A = arith.constant 0 : i32
      %dma_wait3A_25 = tpu.memref_slice %arg6[%mul3A_0, %dma_wait3A] : memref<10240x64xf32, #tpu.memory_space<vmem_shared>> -> memref<640x64xf32, #tpu.memory_space<vmem_shared>>
      %dma_wait3A_26 = arith.constant 0 : i32
      %dma_wait3A_27 = tpu.memref_slice %arg2[%arg0, %mul3A_0, %dma_wait3A_26] : memref<2x10240x64xf32, #tpu.memory_space<hbm>> -> memref<1x640x64xf32, #tpu.memory_space<hbm>>
      %dma_wait3A_28 = tpu.memref_squeeze %dma_wait3A_27 : memref<1x640x64xf32, #tpu.memory_space<hbm>> -> memref<640x64xf32, #tpu.memory_space<hbm>>
      tpu.wait_dma2 semaphore(%run_scoped3A : memref<!tpu.dma_semaphore, #tpu.memory_space<semaphore_mem>>) src(%dma_wait3A_28 : memref<640x64xf32, #tpu.memory_space<hbm>>) dst(%dma_wait3A_25 : memref<640x64xf32, #tpu.memory_space<vmem_shared>>)
      tpu.yield
    }) : () -> ()
    %broadcast_in_dim3A = arith.constant 0.000000e+00 : f32
    %broadcast_in_dim3A_1 = vector.broadcast %broadcast_in_dim3A : f32 to vector<16xf32>
    %scan3A = arith.constant 0 : i32
    %scan3A_2 = arith.constant 0 : i32
    %scan3A_3 = arith.constant 400 : i32
    %scan3A_4 = arith.addi %scan3A_2, %scan3A_3 : i32
    %scan3A_5 = arith.constant 1 : i32
    %scan3A_6 = scf.for %scan3A_21 = %scan3A_2 to %scan3A_4 step %scan3A_5 iter_args(%scan3A_22 = %scan3A) -> (i32)  : i32 {
      %swap3A = arith.index_cast %scan3A_21 : i32 to index
      %swap3A_23 = arith.constant 0 : index
      %swap3A_24 = tpu.vector_load %arg10[%swap3A, %swap3A_23] {strides = array<i32>} : memref<400x64xf32, #tpu.memory_space<vmem>>, vector<1x16xf32>,
      %swap3A_25 = vector.shape_cast %swap3A_24 : vector<1x16xf32> to vector<16xf32>
      %swap3A_26 = vector.shape_cast %broadcast_in_dim3A_1 : vector<16xf32> to vector<1x16xf32>
      tpu.vector_store %arg10[%swap3A, %swap3A_23], %swap3A_26 {strides = array<i32>} : memref<400x64xf32, #tpu.memory_space<vmem>>, vector<1x16xf32>,
      %swap3A_27 = arith.index_cast %scan3A_21 : i32 to index
      %swap3A_28 = arith.constant 16 : index
      %swap3A_29 = tpu.vector_load %arg10[%swap3A_27, %swap3A_28] {strides = array<i32>} : memref<400x64xf32, #tpu.memory_space<vmem>>, vector<1x16xf32>,
      %swap3A_30 = vector.shape_cast %swap3A_29 : vector<1x16xf32> to vector<16xf32>
      %swap3A_31 = vector.shape_cast %broadcast_in_dim3A_1 : vector<16xf32> to vector<1x16xf32>
      tpu.vector_store %arg10[%swap3A_27, %swap3A_28], %swap3A_31 {strides = array<i32>} : memref<400x64xf32, #tpu.memory_space<vmem>>, vector<1x16xf32>,
      %swap3A_32 = arith.index_cast %scan3A_21 : i32 to index
      %swap3A_33 = arith.constant 32 : index
      %swap3A_34 = tpu.vector_load %arg10[%swap3A_32, %swap3A_33] {strides = array<i32>} : memref<400x64xf32, #tpu.memory_space<vmem>>, vector<1x16xf32>,
      %swap3A_35 = vector.shape_cast %swap3A_34 : vector<1x16xf32> to vector<16xf32>
      %swap3A_36 = vector.shape_cast %broadcast_in_dim3A_1 : vector<16xf32> to vector<1x16xf32>
      tpu.vector_store %arg10[%swap3A_32, %swap3A_33], %swap3A_36 {strides = array<i32>} : memref<400x64xf32, #tpu.memory_space<vmem>>, vector<1x16xf32>,
      %swap3A_37 = arith.index_cast %scan3A_21 : i32 to index
      %swap3A_38 = arith.constant 48 : index
      %swap3A_39 = tpu.vector_load %arg10[%swap3A_37, %swap3A_38] {strides = array<i32>} : memref<400x64xf32, #tpu.memory_space<vmem>>, vector<1x16xf32>,
      %swap3A_40 = vector.shape_cast %swap3A_39 : vector<1x16xf32> to vector<16xf32>
      %swap3A_41 = vector.shape_cast %broadcast_in_dim3A_1 : vector<16xf32> to vector<1x16xf32>
      tpu.vector_store %arg10[%swap3A_37, %swap3A_38], %swap3A_41 {strides = array<i32>} : memref<400x64xf32, #tpu.memory_space<vmem>>, vector<1x16xf32>,
      %scan3A_42 = arith.constant 0 : i32
      scf.yield %scan3A_42 : i32
    }
    %scan3A_7 = arith.constant 400 : i32
    %add3A = arith.constant 0 : i32
    %add3A_8 = arith.addi %mul3A_0, %add3A : i32
    "tpu.region"() ({
      %run_scoped3A = tpu.sem_alloc : memref<!tpu.dma_semaphore, #tpu.memory_space<semaphore_mem>>
      %dma_start3A = arith.constant 0 : i32
      %dma_start3A_21 = arith.constant 0 : i32
      %dma_start3A_22 = tpu.memref_slice %arg10[%dma_start3A, %dma_start3A_21] : memref<400x64xf32, #tpu.memory_space<vmem>> -> memref<400x64xf32, #tpu.memory_space<vmem>>
      %dma_start3A_23 = arith.constant 0 : i32
      %dma_start3A_24 = tpu.memref_slice %arg7[%add3A_8, %dma_start3A_23] : memref<10240x64xf32, #tpu.memory_space<vmem_shared>> -> memref<400x64xf32, #tpu.memory_space<vmem_shared>>
      %dma_start3A_25 = arith.constant 0 : i32
      %dma_start3A_26 = tpu.memref_slice %arg7[%add3A_8, %dma_start3A_25] : memref<10240x64xf32, #tpu.memory_space<vmem_shared>> -> memref<400x64xf32, #tpu.memory_space<vmem_shared>>
      %dma_start3A_27 = arith.constant 0 : i32
      %dma_start3A_28 = arith.constant 0 : i32
      %dma_start3A_29 = tpu.memref_slice %arg10[%dma_start3A_27, %dma_start3A_28] : memref<400x64xf32, #tpu.memory_space<vmem>> -> memref<400x64xf32, #tpu.memory_space<vmem>>
      tpu.enqueue_dma source(%dma_start3A_29 : memref<400x64xf32, #tpu.memory_space<vmem>>) target(%dma_start3A_26 : memref<400x64xf32, #tpu.memory_space<vmem_shared>>) target_semaphore(%run_scoped3A : memref<!tpu.dma_semaphore, #tpu.memory_space<semaphore_mem>>)
      %dma_wait3A = arith.constant 0 : i32
      %dma_wait3A_30 = arith.constant 0 : i32
      %dma_wait3A_31 = tpu.memref_slice %arg10[%dma_wait3A, %dma_wait3A_30] : memref<400x64xf32, #tpu.memory_space<vmem>> -> memref<400x64xf32, #tpu.memory_space<vmem>>
      %dma_wait3A_32 = arith.constant 0 : i32
      %dma_wait3A_33 = tpu.memref_slice %arg7[%add3A_8, %dma_wait3A_32] : memref<10240x64xf32, #tpu.memory_space<vmem_shared>> -> memref<400x64xf32, #tpu.memory_space<vmem_shared>>
      %dma_wait3A_34 = arith.constant 0 : i32
      %dma_wait3A_35 = tpu.memref_slice %arg7[%add3A_8, %dma_wait3A_34] : memref<10240x64xf32, #tpu.memory_space<vmem_shared>> -> memref<400x64xf32, #tpu.memory_space<vmem_shared>>
      %dma_wait3A_36 = arith.constant 0 : i32
      %dma_wait3A_37 = arith.constant 0 : i32
      %dma_wait3A_38 = tpu.memref_slice %arg10[%dma_wait3A_36, %dma_wait3A_37] : memref<400x64xf32, #tpu.memory_space<vmem>> -> memref<400x64xf32, #tpu.memory_space<vmem>>
      tpu.wait_dma2 semaphore(%run_scoped3A : memref<!tpu.dma_semaphore, #tpu.memory_space<semaphore_mem>>) src(%dma_wait3A_38 : memref<400x64xf32, #tpu.memory_space<vmem>>) dst(%dma_wait3A_35 : memref<400x64xf32, #tpu.memory_space<vmem_shared>>)
      tpu.yield
    }) : () -> ()
    %add3A_9 = arith.constant 400 : i32
    %add3A_10 = arith.addi %mul3A_0, %add3A_9 : i32
    "tpu.region"() ({
      %run_scoped3A = tpu.sem_alloc : memref<!tpu.dma_semaphore, #tpu.memory_space<semaphore_mem>>
      %dma_start3A = arith.constant 0 : i32
      %dma_start3A_21 = arith.constant 0 : i32
      %dma_start3A_22 = tpu.memref_slice %arg10[%dma_start3A, %dma_start3A_21] : memref<400x64xf32, #tpu.memory_space<vmem>> -> memref<240x64xf32, #tpu.memory_space<vmem>>
      %dma_start3A_23 = arith.constant 0 : i32
      %dma_start3A_24 = tpu.memref_slice %arg7[%add3A_10, %dma_start3A_23] : memref<10240x64xf32, #tpu.memory_space<vmem_shared>> -> memref<240x64xf32, #tpu.memory_space<vmem_shared>>
      %dma_start3A_25 = arith.constant 0 : i32
      %dma_start3A_26 = tpu.memref_slice %arg7[%add3A_10, %dma_start3A_25] : memref<10240x64xf32, #tpu.memory_space<vmem_shared>> -> memref<240x64xf32, #tpu.memory_space<vmem_shared>>
      %dma_start3A_27 = arith.constant 0 : i32
      %dma_start3A_28 = arith.constant 0 : i32
      %dma_start3A_29 = tpu.memref_slice %arg10[%dma_start3A_27, %dma_start3A_28] : memref<400x64xf32, #tpu.memory_space<vmem>> -> memref<240x64xf32, #tpu.memory_space<vmem>>
      tpu.enqueue_dma source(%dma_start3A_29 : memref<240x64xf32, #tpu.memory_space<vmem>>) target(%dma_start3A_26 : memref<240x64xf32, #tpu.memory_space<vmem_shared>>) target_semaphore(%run_scoped3A : memref<!tpu.dma_semaphore, #tpu.memory_space<semaphore_mem>>)
      %dma_wait3A = arith.constant 0 : i32
      %dma_wait3A_30 = arith.constant 0 : i32
      %dma_wait3A_31 = tpu.memref_slice %arg10[%dma_wait3A, %dma_wait3A_30] : memref<400x64xf32, #tpu.memory_space<vmem>> -> memref<240x64xf32, #tpu.memory_space<vmem>>
      %dma_wait3A_32 = arith.constant 0 : i32
      %dma_wait3A_33 = tpu.memref_slice %arg7[%add3A_10, %dma_wait3A_32] : memref<10240x64xf32, #tpu.memory_space<vmem_shared>> -> memref<240x64xf32, #tpu.memory_space<vmem_shared>>
      %dma_wait3A_34 = arith.constant 0 : i32
      %dma_wait3A_35 = tpu.memref_slice %arg7[%add3A_10, %dma_wait3A_34] : memref<10240x64xf32, #tpu.memory_space<vmem_shared>> -> memref<240x64xf32, #tpu.memory_space<vmem_shared>>
      %dma_wait3A_36 = arith.constant 0 : i32
      %dma_wait3A_37 = arith.constant 0 : i32
      %dma_wait3A_38 = tpu.memref_slice %arg10[%dma_wait3A_36, %dma_wait3A_37] : memref<400x64xf32, #tpu.memory_space<vmem>> -> memref<240x64xf32, #tpu.memory_space<vmem>>
      tpu.wait_dma2 semaphore(%run_scoped3A : memref<!tpu.dma_semaphore, #tpu.memory_space<semaphore_mem>>) src(%dma_wait3A_38 : memref<240x64xf32, #tpu.memory_space<vmem>>) dst(%dma_wait3A_35 : memref<240x64xf32, #tpu.memory_space<vmem_shared>>)
      tpu.yield
    }) : () -> ()
    %barrier3A = arith.constant 0 : index
    tpu.barrier barrier_id(%barrier3A)
    %mul3A_11 = arith.constant 20000 : i32
    %mul3A_12 = arith.muli %arg1, %mul3A_11 : i32
    %scan3A_13 = arith.constant 0 : i32
    %scan3A_14 = arith.constant 0 : i32
    %scan3A_15 = arith.constant 50 : i32
    %scan3A_16 = arith.addi %scan3A_14, %scan3A_15 : i32
    %scan3A_17 = arith.constant 1 : i32
    %scan3A_18 = scf.for %scan3A_21 = %scan3A_14 to %scan3A_16 step %scan3A_17 iter_args(%scan3A_22 = %scan3A_13) -> (i32)  : i32 {
      %mul3A_23 = arith.constant 400 : i32
      %mul3A_24 = arith.muli %scan3A_21, %mul3A_23 : i32
      %add3A_25 = arith.addi %mul3A_12, %mul3A_24 : i32
      "tpu.region"() ({
        %run_scoped3A = tpu.sem_alloc : memref<!tpu.dma_semaphore, #tpu.memory_space<semaphore_mem>>
        %dma_start3A_31 = tpu.memref_slice %arg3[%add3A_25] : memref<320000xi32, #tpu.memory_space<hbm>> -> memref<400xi32, #tpu.memory_space<hbm>>
        %dma_start3A_32 = tpu.memref_slice %arg3[%add3A_25] : memref<320000xi32, #tpu.memory_space<hbm>> -> memref<400xi32, #tpu.memory_space<hbm>>
        tpu.enqueue_dma source(%dma_start3A_32 : memref<400xi32, #tpu.memory_space<hbm>>) target(%arg8 : memref<400xi32, #tpu.memory_space<vmem>>) target_semaphore(%run_scoped3A : memref<!tpu.dma_semaphore, #tpu.memory_space<semaphore_mem>>)
        %dma_wait3A_33 = tpu.memref_slice %arg3[%add3A_25] : memref<320000xi32, #tpu.memory_space<hbm>> -> memref<400xi32, #tpu.memory_space<hbm>>
        %dma_wait3A_34 = tpu.memref_slice %arg3[%add3A_25] : memref<320000xi32, #tpu.memory_space<hbm>> -> memref<400xi32, #tpu.memory_space<hbm>>
        tpu.wait_dma2 semaphore(%run_scoped3A : memref<!tpu.dma_semaphore, #tpu.memory_space<semaphore_mem>>) src(%dma_wait3A_34 : memref<400xi32, #tpu.memory_space<hbm>>) dst(%arg8 : memref<400xi32, #tpu.memory_space<vmem>>)
        tpu.yield
      }) : () -> ()
      "tpu.region"() ({
        %run_scoped3A = tpu.sem_alloc : memref<!tpu.dma_semaphore, #tpu.memory_space<semaphore_mem>>
        %dma_start3A_31 = tpu.memref_slice %arg4[%add3A_25] : memref<320000xi32, #tpu.memory_space<hbm>> -> memref<400xi32, #tpu.memory_space<hbm>>
        %dma_start3A_32 = tpu.memref_slice %arg4[%add3A_25] : memref<320000xi32, #tpu.memory_space<hbm>> -> memref<400xi32, #tpu.memory_space<hbm>>
        tpu.enqueue_dma source(%dma_start3A_32 : memref<400xi32, #tpu.memory_space<hbm>>) target(%arg9 : memref<400xi32, #tpu.memory_space<vmem>>) target_semaphore(%run_scoped3A : memref<!tpu.dma_semaphore, #tpu.memory_space<semaphore_mem>>)
        %dma_wait3A_33 = tpu.memref_slice %arg4[%add3A_25] : memref<320000xi32, #tpu.memory_space<hbm>> -> memref<400xi32, #tpu.memory_space<hbm>>
        %dma_wait3A_34 = tpu.memref_slice %arg4[%add3A_25] : memref<320000xi32, #tpu.memory_space<hbm>> -> memref<400xi32, #tpu.memory_space<hbm>>
        tpu.wait_dma2 semaphore(%run_scoped3A : memref<!tpu.dma_semaphore, #tpu.memory_space<semaphore_mem>>) src(%dma_wait3A_34 : memref<400xi32, #tpu.memory_space<hbm>>) dst(%arg9 : memref<400xi32, #tpu.memory_space<vmem>>)
        tpu.yield
      }) : () -> ()
      %dma_start3A = arith.constant 0 : i32
      %dma_start3A_26 = arith.constant 0 : i32
      %dma_start3A_27 = tpu.memref_slice %arg6[%dma_start3A, %dma_start3A_26] : memref<10240x64xf32, #tpu.memory_space<vmem_shared>> -> memref<10240x64xf32, #tpu.memory_space<vmem_shared>>
      tpu.enqueue_indirect_dma source(%dma_start3A_27 : memref<10240x64xf32, #tpu.memory_space<vmem_shared>>) target(%arg10 : memref<400x64xf32, #tpu.memory_space<vmem>>) offsets(%arg8 : memref<400xi32, #tpu.memory_space<vmem>>) semaphore(%arg11 : memref<!tpu.dma_semaphore, #tpu.memory_space<semaphore_mem>>)
      %dma_wait3A = arith.constant 0 : i32
      %dma_wait3A_28 = arith.constant 0 : i32
      %dma_wait3A_29 = tpu.memref_slice %arg6[%dma_wait3A, %dma_wait3A_28] : memref<10240x64xf32, #tpu.memory_space<vmem_shared>> -> memref<10240x64xf32, #tpu.memory_space<vmem_shared>>
      tpu.wait_indirect_dma semaphore(%arg11 : memref<!tpu.dma_semaphore, #tpu.memory_space<semaphore_mem>>) src(%dma_wait3A_29 : memref<10240x64xf32, #tpu.memory_space<vmem_shared>>) dst(%arg10 : memref<400x64xf32, #tpu.memory_space<vmem>>)
      "tpu.region"() ({
        %run_scoped3A = tpu.sem_alloc : memref<!tpu.dma_semaphore, #tpu.memory_space<semaphore_mem>>
        %dma_start3A_31 = arith.constant 0 : i32
        %dma_start3A_32 = arith.constant 0 : i32
        %dma_start3A_33 = tpu.memref_slice %arg7[%dma_start3A_31, %dma_start3A_32] : memref<10240x64xf32, #tpu.memory_space<vmem_shared>> -> memref<10240x64xf32, #tpu.memory_space<vmem_shared>>
        tpu.enqueue_indirect_dma source(%arg10 : memref<400x64xf32, #tpu.memory_space<vmem>>) target(%dma_start3A_33 : memref<10240x64xf32, #tpu.memory_space<vmem_shared>>) offsets(%arg9 : memref<400xi32, #tpu.memory_space<vmem>>) semaphore(%run_scoped3A : memref<!tpu.dma_semaphore, #tpu.memory_space<semaphore_mem>>) {add = true}
        %dma_wait3A_34 = arith.constant 0 : i32
        %dma_wait3A_35 = arith.constant 0 : i32
        %dma_wait3A_36 = tpu.memref_slice %arg7[%dma_wait3A_34, %dma_wait3A_35] : memref<10240x64xf32, #tpu.memory_space<vmem_shared>> -> memref<10240x64xf32, #tpu.memory_space<vmem_shared>>
        tpu.wait_indirect_dma semaphore(%run_scoped3A : memref<!tpu.dma_semaphore, #tpu.memory_space<semaphore_mem>>) src(%arg10 : memref<400x64xf32, #tpu.memory_space<vmem>>) dst(%dma_wait3A_36 : memref<10240x64xf32, #tpu.memory_space<vmem_shared>>)
        tpu.yield
      }) : () -> ()
      %scan3A_30 = arith.constant 0 : i32
      scf.yield %scan3A_30 : i32
    }
    %scan3A_19 = arith.constant 50 : i32
    %barrier3A_20 = arith.constant 0 : index
    tpu.barrier barrier_id(%barrier3A_20)
    "tpu.region"() ({
      %run_scoped3A = tpu.sem_alloc : memref<!tpu.dma_semaphore, #tpu.memory_space<semaphore_mem>>
      %dma_start3A = arith.constant 0 : i32
      %dma_start3A_21 = tpu.memref_slice %arg5[%arg0, %mul3A_0, %dma_start3A] : memref<2x10240x64xf32, #tpu.memory_space<hbm>> -> memref<1x640x64xf32, #tpu.memory_space<hbm>>
      %dma_start3A_22 = tpu.memref_squeeze %dma_start3A_21 : memref<1x640x64xf32, #tpu.memory_space<hbm>> -> memref<640x64xf32, #tpu.memory_space<hbm>>
      %dma_start3A_23 = arith.constant 0 : i32
      %dma_start3A_24 = tpu.memref_slice %arg7[%mul3A_0, %dma_start3A_23] : memref<10240x64xf32, #tpu.memory_space<vmem_shared>> -> memref<640x64xf32, #tpu.memory_space<vmem_shared>>
      tpu.enqueue_dma source(%dma_start3A_24 : memref<640x64xf32, #tpu.memory_space<vmem_shared>>) target(%dma_start3A_22 : memref<640x64xf32, #tpu.memory_space<hbm>>) target_semaphore(%run_scoped3A : memref<!tpu.dma_semaphore, #tpu.memory_space<semaphore_mem>>)
      %dma_wait3A = arith.constant 0 : i32
      %dma_wait3A_25 = tpu.memref_slice %arg5[%arg0, %mul3A_0, %dma_wait3A] : memref<2x10240x64xf32, #tpu.memory_space<hbm>> -> memref<1x640x64xf32, #tpu.memory_space<hbm>>
      %dma_wait3A_26 = tpu.memref_squeeze %dma_wait3A_25 : memref<1x640x64xf32, #tpu.memory_space<hbm>> -> memref<640x64xf32, #tpu.memory_space<hbm>>
      %dma_wait3A_27 = arith.constant 0 : i32
      %dma_wait3A_28 = tpu.memref_slice %arg7[%mul3A_0, %dma_wait3A_27] : memref<10240x64xf32, #tpu.memory_space<vmem_shared>> -> memref<640x64xf32, #tpu.memory_space<vmem_shared>>
      tpu.wait_dma2 semaphore(%run_scoped3A : memref<!tpu.dma_semaphore, #tpu.memory_space<semaphore_mem>>) src(%dma_wait3A_28 : memref<640x64xf32, #tpu.memory_space<vmem_shared>>) dst(%dma_wait3A_26 : memref<640x64xf32, #tpu.memory_space<hbm>>)
      tpu.yield
    }) : () -> ()
    return
  }
}

#map = affine_map<(d0, d1) -> (0, 0, 0)>
#map1 = affine_map<(d0, d1) -> (0)>
module attributes {stable_mosaic.version = 14 : i64} {
  func.func @_sc_aggregate(%arg0: i32, %arg1: i32, %arg2: memref<2x10240x64xf32, #tpu.memory_space<hbm>>, %arg3: memref<320000xi32, #tpu.memory_space<hbm>>, %arg4: memref<320000xi32, #tpu.memory_space<hbm>>, %arg5: memref<2x10240x64xf32, #tpu.memory_space<hbm>>, %arg6: memref<10240x64xf32, #tpu.memory_space<vmem_shared>>, %arg7: memref<10240x64xf32, #tpu.memory_space<vmem_shared>>, %arg8: memref<400xi32, #tpu.memory_space<vmem>>, %arg9: memref<400xi32, #tpu.memory_space<vmem>>, %arg10: memref<400x64xf32, #tpu.memory_space<vmem>>, %arg11: memref<!tpu.dma_semaphore, #tpu.memory_space<semaphore_mem>>) attributes {dimension_semantics = [#tpu.dimension_semantics<core_parallel>, #tpu.dimension_semantics<subcore_parallel>], iteration_bounds = array<i64: 2, 16>, scalar_prefetch = 0 : i64, scratch_operands = 6 : i64, tpu.core_type = #tpu.core_type<sc_vector_subcore>, window_params = [{transform_indices = #map}, {transform_indices = #map1}, {transform_indices = #map1}, {transform_indices = #map}]} {
    %mul3A = arith.constant 640 : i32
    %mul3A_0 = arith.muli %arg1, %mul3A : i32
    "tpu.region"() ({
      %run_scoped3A = tpu.sem_alloc : memref<!tpu.dma_semaphore, #tpu.memory_space<semaphore_mem>>
      %dma_start3A = arith.constant 0 : i32
      %dma_start3A_21 = tpu.memref_slice %arg6[%mul3A_0, %dma_start3A] : memref<10240x64xf32, #tpu.memory_space<vmem_shared>> -> memref<640x64xf32, #tpu.memory_space<vmem_shared>>
      %dma_start3A_22 = arith.constant 0 : i32
      %dma_start3A_23 = tpu.memref_slice %arg2[%arg0, %mul3A_0, %dma_start3A_22] : memref<2x10240x64xf32, #tpu.memory_space<hbm>> -> memref<1x640x64xf32, #tpu.memory_space<hbm>>
      %dma_start3A_24 = tpu.memref_squeeze %dma_start3A_23 : memref<1x640x64xf32, #tpu.memory_space<hbm>> -> memref<640x64xf32, #tpu.memory_space<hbm>>
      tpu.enqueue_dma source(%dma_start3A_24 : memref<640x64xf32, #tpu.memory_space<hbm>>) target(%dma_start3A_21 : memref<640x64xf32, #tpu.memory_space<vmem_shared>>) target_semaphore(%run_scoped3A : memref<!tpu.dma_semaphore, #tpu.memory_space<semaphore_mem>>)
      %dma_wait3A = arith.constant 0 : i32
      %dma_wait3A_25 = tpu.memref_slice %arg6[%mul3A_0, %dma_wait3A] : memref<10240x64xf32, #tpu.memory_space<vmem_shared>> -> memref<640x64xf32, #tpu.memory_space<vmem_shared>>
      %dma_wait3A_26 = arith.constant 0 : i32
      %dma_wait3A_27 = tpu.memref_slice %arg2[%arg0, %mul3A_0, %dma_wait3A_26] : memref<2x10240x64xf32, #tpu.memory_space<hbm>> -> memref<1x640x64xf32, #tpu.memory_space<hbm>>
      %dma_wait3A_28 = tpu.memref_squeeze %dma_wait3A_27 : memref<1x640x64xf32, #tpu.memory_space<hbm>> -> memref<640x64xf32, #tpu.memory_space<hbm>>
      tpu.wait_dma2 semaphore(%run_scoped3A : memref<!tpu.dma_semaphore, #tpu.memory_space<semaphore_mem>>) src(%dma_wait3A_28 : memref<640x64xf32, #tpu.memory_space<hbm>>) dst(%dma_wait3A_25 : memref<640x64xf32, #tpu.memory_space<vmem_shared>>)
      tpu.yield
    }) : () -> ()
    %broadcast_in_dim3A = arith.constant 0.000000e+00 : f32
    %broadcast_in_dim3A_1 = vector.broadcast %broadcast_in_dim3A : f32 to vector<16xf32>
    %scan3A = arith.constant 0 : i32
    %scan3A_2 = arith.constant 0 : i32
    %scan3A_3 = arith.constant 400 : i32
    %scan3A_4 = arith.addi %scan3A_2, %scan3A_3 : i32
    %scan3A_5 = arith.constant 1 : i32
    %scan3A_6 = scf.for %scan3A_21 = %scan3A_2 to %scan3A_4 step %scan3A_5 iter_args(%scan3A_22 = %scan3A) -> (i32)  : i32 {
      %swap3A = arith.index_cast %scan3A_21 : i32 to index
      %swap3A_23 = arith.constant 0 : index
      %swap3A_24 = tpu.vector_load %arg10[%swap3A, %swap3A_23] {strides = array<i32>} : memref<400x64xf32, #tpu.memory_space<vmem>>, vector<1x16xf32>,
      %swap3A_25 = vector.shape_cast %swap3A_24 : vector<1x16xf32> to vector<16xf32>
      %swap3A_26 = vector.shape_cast %broadcast_in_dim3A_1 : vector<16xf32> to vector<1x16xf32>
      tpu.vector_store %arg10[%swap3A, %swap3A_23], %swap3A_26 {strides = array<i32>} : memref<400x64xf32, #tpu.memory_space<vmem>>, vector<1x16xf32>,
      %swap3A_27 = arith.index_cast %scan3A_21 : i32 to index
      %swap3A_28 = arith.constant 16 : index
      %swap3A_29 = tpu.vector_load %arg10[%swap3A_27, %swap3A_28] {strides = array<i32>} : memref<400x64xf32, #tpu.memory_space<vmem>>, vector<1x16xf32>,
      %swap3A_30 = vector.shape_cast %swap3A_29 : vector<1x16xf32> to vector<16xf32>
      %swap3A_31 = vector.shape_cast %broadcast_in_dim3A_1 : vector<16xf32> to vector<1x16xf32>
      tpu.vector_store %arg10[%swap3A_27, %swap3A_28], %swap3A_31 {strides = array<i32>} : memref<400x64xf32, #tpu.memory_space<vmem>>, vector<1x16xf32>,
      %swap3A_32 = arith.index_cast %scan3A_21 : i32 to index
      %swap3A_33 = arith.constant 32 : index
      %swap3A_34 = tpu.vector_load %arg10[%swap3A_32, %swap3A_33] {strides = array<i32>} : memref<400x64xf32, #tpu.memory_space<vmem>>, vector<1x16xf32>,
      %swap3A_35 = vector.shape_cast %swap3A_34 : vector<1x16xf32> to vector<16xf32>
      %swap3A_36 = vector.shape_cast %broadcast_in_dim3A_1 : vector<16xf32> to vector<1x16xf32>
      tpu.vector_store %arg10[%swap3A_32, %swap3A_33], %swap3A_36 {strides = array<i32>} : memref<400x64xf32, #tpu.memory_space<vmem>>, vector<1x16xf32>,
      %swap3A_37 = arith.index_cast %scan3A_21 : i32 to index
      %swap3A_38 = arith.constant 48 : index
      %swap3A_39 = tpu.vector_load %arg10[%swap3A_37, %swap3A_38] {strides = array<i32>} : memref<400x64xf32, #tpu.memory_space<vmem>>, vector<1x16xf32>,
      %swap3A_40 = vector.shape_cast %swap3A_39 : vector<1x16xf32> to vector<16xf32>
      %swap3A_41 = vector.shape_cast %broadcast_in_dim3A_1 : vector<16xf32> to vector<1x16xf32>
      tpu.vector_store %arg10[%swap3A_37, %swap3A_38], %swap3A_41 {strides = array<i32>} : memref<400x64xf32, #tpu.memory_space<vmem>>, vector<1x16xf32>,
      %scan3A_42 = arith.constant 0 : i32
      scf.yield %scan3A_42 : i32
    }
    %scan3A_7 = arith.constant 400 : i32
    %add3A = arith.constant 0 : i32
    %add3A_8 = arith.addi %mul3A_0, %add3A : i32
    "tpu.region"() ({
      %run_scoped3A = tpu.sem_alloc : memref<!tpu.dma_semaphore, #tpu.memory_space<semaphore_mem>>
      %dma_start3A = arith.constant 0 : i32
      %dma_start3A_21 = arith.constant 0 : i32
      %dma_start3A_22 = tpu.memref_slice %arg10[%dma_start3A, %dma_start3A_21] : memref<400x64xf32, #tpu.memory_space<vmem>> -> memref<400x64xf32, #tpu.memory_space<vmem>>
      %dma_start3A_23 = arith.constant 0 : i32
      %dma_start3A_24 = tpu.memref_slice %arg7[%add3A_8, %dma_start3A_23] : memref<10240x64xf32, #tpu.memory_space<vmem_shared>> -> memref<400x64xf32, #tpu.memory_space<vmem_shared>>
      %dma_start3A_25 = arith.constant 0 : i32
      %dma_start3A_26 = tpu.memref_slice %arg7[%add3A_8, %dma_start3A_25] : memref<10240x64xf32, #tpu.memory_space<vmem_shared>> -> memref<400x64xf32, #tpu.memory_space<vmem_shared>>
      %dma_start3A_27 = arith.constant 0 : i32
      %dma_start3A_28 = arith.constant 0 : i32
      %dma_start3A_29 = tpu.memref_slice %arg10[%dma_start3A_27, %dma_start3A_28] : memref<400x64xf32, #tpu.memory_space<vmem>> -> memref<400x64xf32, #tpu.memory_space<vmem>>
      tpu.enqueue_dma source(%dma_start3A_29 : memref<400x64xf32, #tpu.memory_space<vmem>>) target(%dma_start3A_26 : memref<400x64xf32, #tpu.memory_space<vmem_shared>>) target_semaphore(%run_scoped3A : memref<!tpu.dma_semaphore, #tpu.memory_space<semaphore_mem>>)
      %dma_wait3A = arith.constant 0 : i32
      %dma_wait3A_30 = arith.constant 0 : i32
      %dma_wait3A_31 = tpu.memref_slice %arg10[%dma_wait3A, %dma_wait3A_30] : memref<400x64xf32, #tpu.memory_space<vmem>> -> memref<400x64xf32, #tpu.memory_space<vmem>>
      %dma_wait3A_32 = arith.constant 0 : i32
      %dma_wait3A_33 = tpu.memref_slice %arg7[%add3A_8, %dma_wait3A_32] : memref<10240x64xf32, #tpu.memory_space<vmem_shared>> -> memref<400x64xf32, #tpu.memory_space<vmem_shared>>
      %dma_wait3A_34 = arith.constant 0 : i32
      %dma_wait3A_35 = tpu.memref_slice %arg7[%add3A_8, %dma_wait3A_34] : memref<10240x64xf32, #tpu.memory_space<vmem_shared>> -> memref<400x64xf32, #tpu.memory_space<vmem_shared>>
      %dma_wait3A_36 = arith.constant 0 : i32
      %dma_wait3A_37 = arith.constant 0 : i32
      %dma_wait3A_38 = tpu.memref_slice %arg10[%dma_wait3A_36, %dma_wait3A_37] : memref<400x64xf32, #tpu.memory_space<vmem>> -> memref<400x64xf32, #tpu.memory_space<vmem>>
      tpu.wait_dma2 semaphore(%run_scoped3A : memref<!tpu.dma_semaphore, #tpu.memory_space<semaphore_mem>>) src(%dma_wait3A_38 : memref<400x64xf32, #tpu.memory_space<vmem>>) dst(%dma_wait3A_35 : memref<400x64xf32, #tpu.memory_space<vmem_shared>>)
      tpu.yield
    }) : () -> ()
    %add3A_9 = arith.constant 400 : i32
    %add3A_10 = arith.addi %mul3A_0, %add3A_9 : i32
    "tpu.region"() ({
      %run_scoped3A = tpu.sem_alloc : memref<!tpu.dma_semaphore, #tpu.memory_space<semaphore_mem>>
      %dma_start3A = arith.constant 0 : i32
      %dma_start3A_21 = arith.constant 0 : i32
      %dma_start3A_22 = tpu.memref_slice %arg10[%dma_start3A, %dma_start3A_21] : memref<400x64xf32, #tpu.memory_space<vmem>> -> memref<240x64xf32, #tpu.memory_space<vmem>>
      %dma_start3A_23 = arith.constant 0 : i32
      %dma_start3A_24 = tpu.memref_slice %arg7[%add3A_10, %dma_start3A_23] : memref<10240x64xf32, #tpu.memory_space<vmem_shared>> -> memref<240x64xf32, #tpu.memory_space<vmem_shared>>
      %dma_start3A_25 = arith.constant 0 : i32
      %dma_start3A_26 = tpu.memref_slice %arg7[%add3A_10, %dma_start3A_25] : memref<10240x64xf32, #tpu.memory_space<vmem_shared>> -> memref<240x64xf32, #tpu.memory_space<vmem_shared>>
      %dma_start3A_27 = arith.constant 0 : i32
      %dma_start3A_28 = arith.constant 0 : i32
      %dma_start3A_29 = tpu.memref_slice %arg10[%dma_start3A_27, %dma_start3A_28] : memref<400x64xf32, #tpu.memory_space<vmem>> -> memref<240x64xf32, #tpu.memory_space<vmem>>
      tpu.enqueue_dma source(%dma_start3A_29 : memref<240x64xf32, #tpu.memory_space<vmem>>) target(%dma_start3A_26 : memref<240x64xf32, #tpu.memory_space<vmem_shared>>) target_semaphore(%run_scoped3A : memref<!tpu.dma_semaphore, #tpu.memory_space<semaphore_mem>>)
      %dma_wait3A = arith.constant 0 : i32
      %dma_wait3A_30 = arith.constant 0 : i32
      %dma_wait3A_31 = tpu.memref_slice %arg10[%dma_wait3A, %dma_wait3A_30] : memref<400x64xf32, #tpu.memory_space<vmem>> -> memref<240x64xf32, #tpu.memory_space<vmem>>
      %dma_wait3A_32 = arith.constant 0 : i32
      %dma_wait3A_33 = tpu.memref_slice %arg7[%add3A_10, %dma_wait3A_32] : memref<10240x64xf32, #tpu.memory_space<vmem_shared>> -> memref<240x64xf32, #tpu.memory_space<vmem_shared>>
      %dma_wait3A_34 = arith.constant 0 : i32
      %dma_wait3A_35 = tpu.memref_slice %arg7[%add3A_10, %dma_wait3A_34] : memref<10240x64xf32, #tpu.memory_space<vmem_shared>> -> memref<240x64xf32, #tpu.memory_space<vmem_shared>>
      %dma_wait3A_36 = arith.constant 0 : i32
      %dma_wait3A_37 = arith.constant 0 : i32
      %dma_wait3A_38 = tpu.memref_slice %arg10[%dma_wait3A_36, %dma_wait3A_37] : memref<400x64xf32, #tpu.memory_space<vmem>> -> memref<240x64xf32, #tpu.memory_space<vmem>>
      tpu.wait_dma2 semaphore(%run_scoped3A : memref<!tpu.dma_semaphore, #tpu.memory_space<semaphore_mem>>) src(%dma_wait3A_38 : memref<240x64xf32, #tpu.memory_space<vmem>>) dst(%dma_wait3A_35 : memref<240x64xf32, #tpu.memory_space<vmem_shared>>)
      tpu.yield
    }) : () -> ()
    %barrier3A = arith.constant 0 : index
    tpu.barrier barrier_id(%barrier3A)
    %mul3A_11 = arith.constant 20000 : i32
    %mul3A_12 = arith.muli %arg1, %mul3A_11 : i32
    %scan3A_13 = arith.constant 0 : i32
    %scan3A_14 = arith.constant 0 : i32
    %scan3A_15 = arith.constant 50 : i32
    %scan3A_16 = arith.addi %scan3A_14, %scan3A_15 : i32
    %scan3A_17 = arith.constant 1 : i32
    %scan3A_18 = scf.for %scan3A_21 = %scan3A_14 to %scan3A_16 step %scan3A_17 iter_args(%scan3A_22 = %scan3A_13) -> (i32)  : i32 {
      %mul3A_23 = arith.constant 400 : i32
      %mul3A_24 = arith.muli %scan3A_21, %mul3A_23 : i32
      %add3A_25 = arith.addi %mul3A_12, %mul3A_24 : i32
      "tpu.region"() ({
        %run_scoped3A = tpu.sem_alloc : memref<!tpu.dma_semaphore, #tpu.memory_space<semaphore_mem>>
        %dma_start3A_31 = tpu.memref_slice %arg3[%add3A_25] : memref<320000xi32, #tpu.memory_space<hbm>> -> memref<400xi32, #tpu.memory_space<hbm>>
        %dma_start3A_32 = tpu.memref_slice %arg3[%add3A_25] : memref<320000xi32, #tpu.memory_space<hbm>> -> memref<400xi32, #tpu.memory_space<hbm>>
        tpu.enqueue_dma source(%dma_start3A_32 : memref<400xi32, #tpu.memory_space<hbm>>) target(%arg8 : memref<400xi32, #tpu.memory_space<vmem>>) target_semaphore(%run_scoped3A : memref<!tpu.dma_semaphore, #tpu.memory_space<semaphore_mem>>)
        %dma_wait3A_33 = tpu.memref_slice %arg3[%add3A_25] : memref<320000xi32, #tpu.memory_space<hbm>> -> memref<400xi32, #tpu.memory_space<hbm>>
        %dma_wait3A_34 = tpu.memref_slice %arg3[%add3A_25] : memref<320000xi32, #tpu.memory_space<hbm>> -> memref<400xi32, #tpu.memory_space<hbm>>
        tpu.wait_dma2 semaphore(%run_scoped3A : memref<!tpu.dma_semaphore, #tpu.memory_space<semaphore_mem>>) src(%dma_wait3A_34 : memref<400xi32, #tpu.memory_space<hbm>>) dst(%arg8 : memref<400xi32, #tpu.memory_space<vmem>>)
        tpu.yield
      }) : () -> ()
      "tpu.region"() ({
        %run_scoped3A = tpu.sem_alloc : memref<!tpu.dma_semaphore, #tpu.memory_space<semaphore_mem>>
        %dma_start3A_31 = tpu.memref_slice %arg4[%add3A_25] : memref<320000xi32, #tpu.memory_space<hbm>> -> memref<400xi32, #tpu.memory_space<hbm>>
        %dma_start3A_32 = tpu.memref_slice %arg4[%add3A_25] : memref<320000xi32, #tpu.memory_space<hbm>> -> memref<400xi32, #tpu.memory_space<hbm>>
        tpu.enqueue_dma source(%dma_start3A_32 : memref<400xi32, #tpu.memory_space<hbm>>) target(%arg9 : memref<400xi32, #tpu.memory_space<vmem>>) target_semaphore(%run_scoped3A : memref<!tpu.dma_semaphore, #tpu.memory_space<semaphore_mem>>)
        %dma_wait3A_33 = tpu.memref_slice %arg4[%add3A_25] : memref<320000xi32, #tpu.memory_space<hbm>> -> memref<400xi32, #tpu.memory_space<hbm>>
        %dma_wait3A_34 = tpu.memref_slice %arg4[%add3A_25] : memref<320000xi32, #tpu.memory_space<hbm>> -> memref<400xi32, #tpu.memory_space<hbm>>
        tpu.wait_dma2 semaphore(%run_scoped3A : memref<!tpu.dma_semaphore, #tpu.memory_space<semaphore_mem>>) src(%dma_wait3A_34 : memref<400xi32, #tpu.memory_space<hbm>>) dst(%arg9 : memref<400xi32, #tpu.memory_space<vmem>>)
        tpu.yield
      }) : () -> ()
      %dma_start3A = arith.constant 0 : i32
      %dma_start3A_26 = arith.constant 0 : i32
      %dma_start3A_27 = tpu.memref_slice %arg6[%dma_start3A, %dma_start3A_26] : memref<10240x64xf32, #tpu.memory_space<vmem_shared>> -> memref<10240x64xf32, #tpu.memory_space<vmem_shared>>
      tpu.enqueue_indirect_dma source(%dma_start3A_27 : memref<10240x64xf32, #tpu.memory_space<vmem_shared>>) target(%arg10 : memref<400x64xf32, #tpu.memory_space<vmem>>) offsets(%arg8 : memref<400xi32, #tpu.memory_space<vmem>>) semaphore(%arg11 : memref<!tpu.dma_semaphore, #tpu.memory_space<semaphore_mem>>)
      %dma_wait3A = arith.constant 0 : i32
      %dma_wait3A_28 = arith.constant 0 : i32
      %dma_wait3A_29 = tpu.memref_slice %arg6[%dma_wait3A, %dma_wait3A_28] : memref<10240x64xf32, #tpu.memory_space<vmem_shared>> -> memref<10240x64xf32, #tpu.memory_space<vmem_shared>>
      tpu.wait_indirect_dma semaphore(%arg11 : memref<!tpu.dma_semaphore, #tpu.memory_space<semaphore_mem>>) src(%dma_wait3A_29 : memref<10240x64xf32, #tpu.memory_space<vmem_shared>>) dst(%arg10 : memref<400x64xf32, #tpu.memory_space<vmem>>)
      "tpu.region"() ({
        %run_scoped3A = tpu.sem_alloc : memref<!tpu.dma_semaphore, #tpu.memory_space<semaphore_mem>>
        %dma_start3A_31 = arith.constant 0 : i32
        %dma_start3A_32 = arith.constant 0 : i32
        %dma_start3A_33 = tpu.memref_slice %arg7[%dma_start3A_31, %dma_start3A_32] : memref<10240x64xf32, #tpu.memory_space<vmem_shared>> -> memref<10240x64xf32, #tpu.memory_space<vmem_shared>>
        tpu.enqueue_indirect_dma source(%arg10 : memref<400x64xf32, #tpu.memory_space<vmem>>) target(%dma_start3A_33 : memref<10240x64xf32, #tpu.memory_space<vmem_shared>>) offsets(%arg9 : memref<400xi32, #tpu.memory_space<vmem>>) semaphore(%run_scoped3A : memref<!tpu.dma_semaphore, #tpu.memory_space<semaphore_mem>>) {add = true}
        %dma_wait3A_34 = arith.constant 0 : i32
        %dma_wait3A_35 = arith.constant 0 : i32
        %dma_wait3A_36 = tpu.memref_slice %arg7[%dma_wait3A_34, %dma_wait3A_35] : memref<10240x64xf32, #tpu.memory_space<vmem_shared>> -> memref<10240x64xf32, #tpu.memory_space<vmem_shared>>
        tpu.wait_indirect_dma semaphore(%run_scoped3A : memref<!tpu.dma_semaphore, #tpu.memory_space<semaphore_mem>>) src(%arg10 : memref<400x64xf32, #tpu.memory_space<vmem>>) dst(%dma_wait3A_36 : memref<10240x64xf32, #tpu.memory_space<vmem_shared>>)
        tpu.yield
      }) : () -> ()
      %scan3A_30 = arith.constant 0 : i32
      scf.yield %scan3A_30 : i32
    }
    %scan3A_19 = arith.constant 50 : i32
    %barrier3A_20 = arith.constant 0 : index
    tpu.barrier barrier_id(%barrier3A_20)
    "tpu.region"() ({
      %run_scoped3A = tpu.sem_alloc : memref<!tpu.dma_semaphore, #tpu.memory_space<semaphore_mem>>
      %dma_start3A = arith.constant 0 : i32
      %dma_start3A_21 = tpu.memref_slice %arg5[%arg0, %mul3A_0, %dma_start3A] : memref<2x10240x64xf32, #tpu.memory_space<hbm>> -> memref<1x640x64xf32, #tpu.memory_space<hbm>>
      %dma_start3A_22 = tpu.memref_squeeze %dma_start3A_21 : memref<1x640x64xf32, #tpu.memory_space<hbm>> -> memref<640x64xf32, #tpu.memory_space<hbm>>
      %dma_start3A_23 = arith.constant 0 : i32
      %dma_start3A_24 = tpu.memref_slice %arg7[%mul3A_0, %dma_start3A_23] : memref<10240x64xf32, #tpu.memory_space<vmem_shared>> -> memref<640x64xf32, #tpu.memory_space<vmem_shared>>
      tpu.enqueue_dma source(%dma_start3A_24 : memref<640x64xf32, #tpu.memory_space<vmem_shared>>) target(%dma_start3A_22 : memref<640x64xf32, #tpu.memory_space<hbm>>) target_semaphore(%run_scoped3A : memref<!tpu.dma_semaphore, #tpu.memory_space<semaphore_mem>>)
      %dma_wait3A = arith.constant 0 : i32
      %dma_wait3A_25 = tpu.memref_slice %arg5[%arg0, %mul3A_0, %dma_wait3A] : memref<2x10240x64xf32, #tpu.memory_space<hbm>> -> memref<1x640x64xf32, #tpu.memory_space<hbm>>
      %dma_wait3A_26 = tpu.memref_squeeze %dma_wait3A_25 : memref<1x640x64xf32, #tpu.memory_space<hbm>> -> memref<640x64xf32, #tpu.memory_space<hbm>>
      %dma_wait3A_27 = arith.constant 0 : i32
      %dma_wait3A_28 = tpu.memref_slice %arg7[%mul3A_0, %dma_wait3A_27] : memref<10240x64xf32, #tpu.memory_space<vmem_shared>> -> memref<640x64xf32, #tpu.memory_space<vmem_shared>>
      tpu.wait_dma2 semaphore(%run_scoped3A : memref<!tpu.dma_semaphore, #tpu.memory_space<semaphore_mem>>) src(%dma_wait3A_28 : memref<640x64xf32, #tpu.memory_space<vmem_shared>>) dst(%dma_wait3A_26 : memref<640x64xf32, #tpu.memory_space<hbm>>)
      tpu.yield
    }) : () -> ()
    return
  }
}

#map = affine_map<(d0, d1) -> (0, 0)>
#map1 = affine_map<(d0, d1) -> (0)>
module attributes {stable_mosaic.version = 14 : i64} {
  func.func @_sc_gather(%arg0: i32, %arg1: i32, %arg2: memref<10000x128xf32, #tpu.memory_space<hbm>>, %arg3: memref<65536xi32, #tpu.memory_space<hbm>>, %arg4: memref<65536x128xf32, #tpu.memory_space<hbm>>, %arg5: memref<2048xi32, #tpu.memory_space<vmem>>, %arg6: memref<512x128xf32, #tpu.memory_space<vmem>>, %arg7: memref<!tpu.dma_semaphore, #tpu.memory_space<semaphore_mem>>) attributes {dimension_semantics = [#tpu.dimension_semantics<core_parallel>, #tpu.dimension_semantics<subcore_parallel>], iteration_bounds = array<i64: 2, 16>, scalar_prefetch = 0 : i64, scratch_operands = 3 : i64, tpu.core_type = #tpu.core_type<sc_vector_subcore>, window_params = [{transform_indices = #map}, {transform_indices = #map1}, {transform_indices = #map}]} {
    %mul3A = arith.constant 2 : i32
    %mul3A_0 = arith.muli %arg1, %mul3A : i32
    %add3A = arith.addi %mul3A_0, %arg0 : i32
    %mul3A_1 = arith.constant 2048 : i32
    %mul3A_2 = arith.muli %add3A, %mul3A_1 : i32
    "tpu.region"() ({
      %run_scoped3A = tpu.sem_alloc : memref<!tpu.dma_semaphore, #tpu.memory_space<semaphore_mem>>
      %dma_start3A_49 = tpu.memref_slice %arg3[%mul3A_2] : memref<65536xi32, #tpu.memory_space<hbm>> -> memref<2048xi32, #tpu.memory_space<hbm>>
      %dma_start3A_50 = tpu.memref_slice %arg3[%mul3A_2] : memref<65536xi32, #tpu.memory_space<hbm>> -> memref<2048xi32, #tpu.memory_space<hbm>>
      tpu.enqueue_dma source(%dma_start3A_50 : memref<2048xi32, #tpu.memory_space<hbm>>) target(%arg5 : memref<2048xi32, #tpu.memory_space<vmem>>) target_semaphore(%run_scoped3A : memref<!tpu.dma_semaphore, #tpu.memory_space<semaphore_mem>>)
      %dma_wait3A_51 = tpu.memref_slice %arg3[%mul3A_2] : memref<65536xi32, #tpu.memory_space<hbm>> -> memref<2048xi32, #tpu.memory_space<hbm>>
      %dma_wait3A_52 = tpu.memref_slice %arg3[%mul3A_2] : memref<65536xi32, #tpu.memory_space<hbm>> -> memref<2048xi32, #tpu.memory_space<hbm>>
      tpu.wait_dma2 semaphore(%run_scoped3A : memref<!tpu.dma_semaphore, #tpu.memory_space<semaphore_mem>>) src(%dma_wait3A_52 : memref<2048xi32, #tpu.memory_space<hbm>>) dst(%arg5 : memref<2048xi32, #tpu.memory_space<vmem>>)
      tpu.yield
    }) : () -> ()
    %dma_start3A = arith.constant 0 : i32
    %dma_start3A_3 = tpu.memref_slice %arg5[%dma_start3A] : memref<2048xi32, #tpu.memory_space<vmem>> -> memref<512xi32, #tpu.memory_space<vmem>>
    %dma_start3A_4 = arith.constant 0 : i32
    %dma_start3A_5 = arith.constant 0 : i32
    %dma_start3A_6 = tpu.memref_slice %arg2[%dma_start3A_4, %dma_start3A_5] : memref<10000x128xf32, #tpu.memory_space<hbm>> -> memref<10000x128xf32, #tpu.memory_space<hbm>>
    tpu.enqueue_indirect_dma source(%dma_start3A_6 : memref<10000x128xf32, #tpu.memory_space<hbm>>) target(%arg6 : memref<512x128xf32, #tpu.memory_space<vmem>>) offsets(%dma_start3A_3 : memref<512xi32, #tpu.memory_space<vmem>>) semaphore(%arg7 : memref<!tpu.dma_semaphore, #tpu.memory_space<semaphore_mem>>)
    %dma_wait3A = arith.constant 0 : i32
    %dma_wait3A_7 = tpu.memref_slice %arg5[%dma_wait3A] : memref<2048xi32, #tpu.memory_space<vmem>> -> memref<512xi32, #tpu.memory_space<vmem>>
    %dma_wait3A_8 = arith.constant 0 : i32
    %dma_wait3A_9 = arith.constant 0 : i32
    %dma_wait3A_10 = tpu.memref_slice %arg2[%dma_wait3A_8, %dma_wait3A_9] : memref<10000x128xf32, #tpu.memory_space<hbm>> -> memref<10000x128xf32, #tpu.memory_space<hbm>>
    tpu.wait_indirect_dma semaphore(%arg7 : memref<!tpu.dma_semaphore, #tpu.memory_space<semaphore_mem>>) src(%dma_wait3A_10 : memref<10000x128xf32, #tpu.memory_space<hbm>>) dst(%arg6 : memref<512x128xf32, #tpu.memory_space<vmem>>)
    %add3A_11 = arith.constant 0 : i32
    %add3A_12 = arith.addi %mul3A_2, %add3A_11 : i32
    "tpu.region"() ({
      %run_scoped3A = tpu.sem_alloc : memref<!tpu.dma_semaphore, #tpu.memory_space<semaphore_mem>>
      %dma_start3A_49 = arith.constant 0 : i32
      %dma_start3A_50 = tpu.memref_slice %arg4[%add3A_12, %dma_start3A_49] : memref<65536x128xf32, #tpu.memory_space<hbm>> -> memref<512x128xf32, #tpu.memory_space<hbm>>
      %dma_start3A_51 = arith.constant 0 : i32
      %dma_start3A_52 = tpu.memref_slice %arg4[%add3A_12, %dma_start3A_51] : memref<65536x128xf32, #tpu.memory_space<hbm>> -> memref<512x128xf32, #tpu.memory_space<hbm>>
      tpu.enqueue_dma source(%arg6 : memref<512x128xf32, #tpu.memory_space<vmem>>) target(%dma_start3A_52 : memref<512x128xf32, #tpu.memory_space<hbm>>) target_semaphore(%run_scoped3A : memref<!tpu.dma_semaphore, #tpu.memory_space<semaphore_mem>>)
      %dma_wait3A_53 = arith.constant 0 : i32
      %dma_wait3A_54 = tpu.memref_slice %arg4[%add3A_12, %dma_wait3A_53] : memref<65536x128xf32, #tpu.memory_space<hbm>> -> memref<512x128xf32, #tpu.memory_space<hbm>>
      %dma_wait3A_55 = arith.constant 0 : i32
      %dma_wait3A_56 = tpu.memref_slice %arg4[%add3A_12, %dma_wait3A_55] : memref<65536x128xf32, #tpu.memory_space<hbm>> -> memref<512x128xf32, #tpu.memory_space<hbm>>
      tpu.wait_dma2 semaphore(%run_scoped3A : memref<!tpu.dma_semaphore, #tpu.memory_space<semaphore_mem>>) src(%arg6 : memref<512x128xf32, #tpu.memory_space<vmem>>) dst(%dma_wait3A_56 : memref<512x128xf32, #tpu.memory_space<hbm>>)
      tpu.yield
    }) : () -> ()
    %dma_start3A_13 = arith.constant 512 : i32
    %dma_start3A_14 = tpu.memref_slice %arg5[%dma_start3A_13] : memref<2048xi32, #tpu.memory_space<vmem>> -> memref<512xi32, #tpu.memory_space<vmem>>
    %dma_start3A_15 = arith.constant 0 : i32
    %dma_start3A_16 = arith.constant 0 : i32
    %dma_start3A_17 = tpu.memref_slice %arg2[%dma_start3A_15, %dma_start3A_16] : memref<10000x128xf32, #tpu.memory_space<hbm>> -> memref<10000x128xf32, #tpu.memory_space<hbm>>
    tpu.enqueue_indirect_dma source(%dma_start3A_17 : memref<10000x128xf32, #tpu.memory_space<hbm>>) target(%arg6 : memref<512x128xf32, #tpu.memory_space<vmem>>) offsets(%dma_start3A_14 : memref<512xi32, #tpu.memory_space<vmem>>) semaphore(%arg7 : memref<!tpu.dma_semaphore, #tpu.memory_space<semaphore_mem>>)
    %dma_wait3A_18 = arith.constant 512 : i32
    %dma_wait3A_19 = tpu.memref_slice %arg5[%dma_wait3A_18] : memref<2048xi32, #tpu.memory_space<vmem>> -> memref<512xi32, #tpu.memory_space<vmem>>
    %dma_wait3A_20 = arith.constant 0 : i32
    %dma_wait3A_21 = arith.constant 0 : i32
    %dma_wait3A_22 = tpu.memref_slice %arg2[%dma_wait3A_20, %dma_wait3A_21] : memref<10000x128xf32, #tpu.memory_space<hbm>> -> memref<10000x128xf32, #tpu.memory_space<hbm>>
    tpu.wait_indirect_dma semaphore(%arg7 : memref<!tpu.dma_semaphore, #tpu.memory_space<semaphore_mem>>) src(%dma_wait3A_22 : memref<10000x128xf32, #tpu.memory_space<hbm>>) dst(%arg6 : memref<512x128xf32, #tpu.memory_space<vmem>>)
    %add3A_23 = arith.constant 512 : i32
    %add3A_24 = arith.addi %mul3A_2, %add3A_23 : i32
    "tpu.region"() ({
      %run_scoped3A = tpu.sem_alloc : memref<!tpu.dma_semaphore, #tpu.memory_space<semaphore_mem>>
      %dma_start3A_49 = arith.constant 0 : i32
      %dma_start3A_50 = tpu.memref_slice %arg4[%add3A_24, %dma_start3A_49] : memref<65536x128xf32, #tpu.memory_space<hbm>> -> memref<512x128xf32, #tpu.memory_space<hbm>>
      %dma_start3A_51 = arith.constant 0 : i32
      %dma_start3A_52 = tpu.memref_slice %arg4[%add3A_24, %dma_start3A_51] : memref<65536x128xf32, #tpu.memory_space<hbm>> -> memref<512x128xf32, #tpu.memory_space<hbm>>
      tpu.enqueue_dma source(%arg6 : memref<512x128xf32, #tpu.memory_space<vmem>>) target(%dma_start3A_52 : memref<512x128xf32, #tpu.memory_space<hbm>>) target_semaphore(%run_scoped3A : memref<!tpu.dma_semaphore, #tpu.memory_space<semaphore_mem>>)
      %dma_wait3A_53 = arith.constant 0 : i32
      %dma_wait3A_54 = tpu.memref_slice %arg4[%add3A_24, %dma_wait3A_53] : memref<65536x128xf32, #tpu.memory_space<hbm>> -> memref<512x128xf32, #tpu.memory_space<hbm>>
      %dma_wait3A_55 = arith.constant 0 : i32
      %dma_wait3A_56 = tpu.memref_slice %arg4[%add3A_24, %dma_wait3A_55] : memref<65536x128xf32, #tpu.memory_space<hbm>> -> memref<512x128xf32, #tpu.memory_space<hbm>>
      tpu.wait_dma2 semaphore(%run_scoped3A : memref<!tpu.dma_semaphore, #tpu.memory_space<semaphore_mem>>) src(%arg6 : memref<512x128xf32, #tpu.memory_space<vmem>>) dst(%dma_wait3A_56 : memref<512x128xf32, #tpu.memory_space<hbm>>)
      tpu.yield
    }) : () -> ()
    %dma_start3A_25 = arith.constant 1024 : i32
    %dma_start3A_26 = tpu.memref_slice %arg5[%dma_start3A_25] : memref<2048xi32, #tpu.memory_space<vmem>> -> memref<512xi32, #tpu.memory_space<vmem>>
    %dma_start3A_27 = arith.constant 0 : i32
    %dma_start3A_28 = arith.constant 0 : i32
    %dma_start3A_29 = tpu.memref_slice %arg2[%dma_start3A_27, %dma_start3A_28] : memref<10000x128xf32, #tpu.memory_space<hbm>> -> memref<10000x128xf32, #tpu.memory_space<hbm>>
    tpu.enqueue_indirect_dma source(%dma_start3A_29 : memref<10000x128xf32, #tpu.memory_space<hbm>>) target(%arg6 : memref<512x128xf32, #tpu.memory_space<vmem>>) offsets(%dma_start3A_26 : memref<512xi32, #tpu.memory_space<vmem>>) semaphore(%arg7 : memref<!tpu.dma_semaphore, #tpu.memory_space<semaphore_mem>>)
    %dma_wait3A_30 = arith.constant 1024 : i32
    %dma_wait3A_31 = tpu.memref_slice %arg5[%dma_wait3A_30] : memref<2048xi32, #tpu.memory_space<vmem>> -> memref<512xi32, #tpu.memory_space<vmem>>
    %dma_wait3A_32 = arith.constant 0 : i32
    %dma_wait3A_33 = arith.constant 0 : i32
    %dma_wait3A_34 = tpu.memref_slice %arg2[%dma_wait3A_32, %dma_wait3A_33] : memref<10000x128xf32, #tpu.memory_space<hbm>> -> memref<10000x128xf32, #tpu.memory_space<hbm>>
    tpu.wait_indirect_dma semaphore(%arg7 : memref<!tpu.dma_semaphore, #tpu.memory_space<semaphore_mem>>) src(%dma_wait3A_34 : memref<10000x128xf32, #tpu.memory_space<hbm>>) dst(%arg6 : memref<512x128xf32, #tpu.memory_space<vmem>>)
    %add3A_35 = arith.constant 1024 : i32
    %add3A_36 = arith.addi %mul3A_2, %add3A_35 : i32
    "tpu.region"() ({
      %run_scoped3A = tpu.sem_alloc : memref<!tpu.dma_semaphore, #tpu.memory_space<semaphore_mem>>
      %dma_start3A_49 = arith.constant 0 : i32
      %dma_start3A_50 = tpu.memref_slice %arg4[%add3A_36, %dma_start3A_49] : memref<65536x128xf32, #tpu.memory_space<hbm>> -> memref<512x128xf32, #tpu.memory_space<hbm>>
      %dma_start3A_51 = arith.constant 0 : i32
      %dma_start3A_52 = tpu.memref_slice %arg4[%add3A_36, %dma_start3A_51] : memref<65536x128xf32, #tpu.memory_space<hbm>> -> memref<512x128xf32, #tpu.memory_space<hbm>>
      tpu.enqueue_dma source(%arg6 : memref<512x128xf32, #tpu.memory_space<vmem>>) target(%dma_start3A_52 : memref<512x128xf32, #tpu.memory_space<hbm>>) target_semaphore(%run_scoped3A : memref<!tpu.dma_semaphore, #tpu.memory_space<semaphore_mem>>)
      %dma_wait3A_53 = arith.constant 0 : i32
      %dma_wait3A_54 = tpu.memref_slice %arg4[%add3A_36, %dma_wait3A_53] : memref<65536x128xf32, #tpu.memory_space<hbm>> -> memref<512x128xf32, #tpu.memory_space<hbm>>
      %dma_wait3A_55 = arith.constant 0 : i32
      %dma_wait3A_56 = tpu.memref_slice %arg4[%add3A_36, %dma_wait3A_55] : memref<65536x128xf32, #tpu.memory_space<hbm>> -> memref<512x128xf32, #tpu.memory_space<hbm>>
      tpu.wait_dma2 semaphore(%run_scoped3A : memref<!tpu.dma_semaphore, #tpu.memory_space<semaphore_mem>>) src(%arg6 : memref<512x128xf32, #tpu.memory_space<vmem>>) dst(%dma_wait3A_56 : memref<512x128xf32, #tpu.memory_space<hbm>>)
      tpu.yield
    }) : () -> ()
    %dma_start3A_37 = arith.constant 1536 : i32
    %dma_start3A_38 = tpu.memref_slice %arg5[%dma_start3A_37] : memref<2048xi32, #tpu.memory_space<vmem>> -> memref<512xi32, #tpu.memory_space<vmem>>
    %dma_start3A_39 = arith.constant 0 : i32
    %dma_start3A_40 = arith.constant 0 : i32
    %dma_start3A_41 = tpu.memref_slice %arg2[%dma_start3A_39, %dma_start3A_40] : memref<10000x128xf32, #tpu.memory_space<hbm>> -> memref<10000x128xf32, #tpu.memory_space<hbm>>
    tpu.enqueue_indirect_dma source(%dma_start3A_41 : memref<10000x128xf32, #tpu.memory_space<hbm>>) target(%arg6 : memref<512x128xf32, #tpu.memory_space<vmem>>) offsets(%dma_start3A_38 : memref<512xi32, #tpu.memory_space<vmem>>) semaphore(%arg7 : memref<!tpu.dma_semaphore, #tpu.memory_space<semaphore_mem>>)
    %dma_wait3A_42 = arith.constant 1536 : i32
    %dma_wait3A_43 = tpu.memref_slice %arg5[%dma_wait3A_42] : memref<2048xi32, #tpu.memory_space<vmem>> -> memref<512xi32, #tpu.memory_space<vmem>>
    %dma_wait3A_44 = arith.constant 0 : i32
    %dma_wait3A_45 = arith.constant 0 : i32
    %dma_wait3A_46 = tpu.memref_slice %arg2[%dma_wait3A_44, %dma_wait3A_45] : memref<10000x128xf32, #tpu.memory_space<hbm>> -> memref<10000x128xf32, #tpu.memory_space<hbm>>
    tpu.wait_indirect_dma semaphore(%arg7 : memref<!tpu.dma_semaphore, #tpu.memory_space<semaphore_mem>>) src(%dma_wait3A_46 : memref<10000x128xf32, #tpu.memory_space<hbm>>) dst(%arg6 : memref<512x128xf32, #tpu.memory_space<vmem>>)
    %add3A_47 = arith.constant 1536 : i32
    %add3A_48 = arith.addi %mul3A_2, %add3A_47 : i32
    "tpu.region"() ({
      %run_scoped3A = tpu.sem_alloc : memref<!tpu.dma_semaphore, #tpu.memory_space<semaphore_mem>>
      %dma_start3A_49 = arith.constant 0 : i32
      %dma_start3A_50 = tpu.memref_slice %arg4[%add3A_48, %dma_start3A_49] : memref<65536x128xf32, #tpu.memory_space<hbm>> -> memref<512x128xf32, #tpu.memory_space<hbm>>
      %dma_start3A_51 = arith.constant 0 : i32
      %dma_start3A_52 = tpu.memref_slice %arg4[%add3A_48, %dma_start3A_51] : memref<65536x128xf32, #tpu.memory_space<hbm>> -> memref<512x128xf32, #tpu.memory_space<hbm>>
      tpu.enqueue_dma source(%arg6 : memref<512x128xf32, #tpu.memory_space<vmem>>) target(%dma_start3A_52 : memref<512x128xf32, #tpu.memory_space<hbm>>) target_semaphore(%run_scoped3A : memref<!tpu.dma_semaphore, #tpu.memory_space<semaphore_mem>>)
      %dma_wait3A_53 = arith.constant 0 : i32
      %dma_wait3A_54 = tpu.memref_slice %arg4[%add3A_48, %dma_wait3A_53] : memref<65536x128xf32, #tpu.memory_space<hbm>> -> memref<512x128xf32, #tpu.memory_space<hbm>>
      %dma_wait3A_55 = arith.constant 0 : i32
      %dma_wait3A_56 = tpu.memref_slice %arg4[%add3A_48, %dma_wait3A_55] : memref<65536x128xf32, #tpu.memory_space<hbm>> -> memref<512x128xf32, #tpu.memory_space<hbm>>
      tpu.wait_dma2 semaphore(%run_scoped3A : memref<!tpu.dma_semaphore, #tpu.memory_space<semaphore_mem>>) src(%arg6 : memref<512x128xf32, #tpu.memory_space<vmem>>) dst(%dma_wait3A_56 : memref<512x128xf32, #tpu.memory_space<hbm>>)
      tpu.yield
    }) : () -> ()
    return
  }
}

module attributes {stable_mosaic.version = 14 : i64} {
  func.func @_dense_body(%arg0: i32, %arg1: memref<1000x128xf32, #tpu.memory_space<vmem>>, %arg2: memref<1000x128xf32, #tpu.memory_space<vmem>>, %arg3: memref<2x1000x16xf32, #tpu.memory_space<vmem>>, %arg4: memref<128x128xf32, #tpu.memory_space<vmem>>, %arg5: memref<128x128xf32, #tpu.memory_space<vmem>>, %arg6: memref<1x128xf32, #tpu.memory_space<vmem>>, %arg7: memref<1000x128xf32, #tpu.memory_space<vmem>>) attributes {dimension_semantics = [#tpu.dimension_semantics<arbitrary>], iteration_bounds = array<i64: 10>, scalar_prefetch = 0 : i64, scratch_operands = 0 : i64, tpu.core_type = #tpu.core_type<tc>, window_params = [{transform_indices = @transform_0, window_bounds = array<i64: 1000, 128>}, {transform_indices = @transform_1, window_bounds = array<i64: 1000, 128>}, {transform_indices = @transform_2, window_bounds = array<i64: 2, 1000, 16>}, {pipeline_mode = #tpu.pipeline_mode<synchronous>, transform_indices = @transform_3, window_bounds = array<i64: 128, 128>}, {pipeline_mode = #tpu.pipeline_mode<synchronous>, transform_indices = @transform_4, window_bounds = array<i64: 128, 128>}, {pipeline_mode = #tpu.pipeline_mode<synchronous>, transform_indices = @transform_5, window_bounds = array<i64: 1, 128>}, {transform_indices = @transform_6, window_bounds = array<i64: 1000, 128>}]} {
    %get3A = arith.constant 0 : index
    %get3A_0 = arith.constant 0 : index
    %get3A_1 = arith.constant 0 : index
    %get3A_2 = vector.load %arg3[%get3A, %get3A_0, %get3A_1] : memref<2x1000x16xf32, #tpu.memory_space<vmem>>, vector<1x1000x1xf32>
    %get3A_3 = vector.shape_cast %get3A_2 : vector<1x1000x1xf32> to vector<1000x1xf32>
    %get3A_4 = arith.constant 1 : index
    %get3A_5 = arith.constant 0 : index
    %get3A_6 = arith.constant 0 : index
    %get3A_7 = vector.load %arg3[%get3A_4, %get3A_5, %get3A_6] : memref<2x1000x16xf32, #tpu.memory_space<vmem>>, vector<1x1000x1xf32>
    %get3A_8 = vector.shape_cast %get3A_7 : vector<1x1000x1xf32> to vector<1000x1xf32>
    %add3A = arith.addf %get3A_3, %get3A_8 : vector<1000x1xf32>
    %max3A = arith.constant 1.000000e+00 : f32
    %max3A_9 = vector.broadcast %max3A : f32 to vector<1000x1xf32>
    %max3A_10 = arith.maximumf %add3A, %max3A_9 : vector<1000x1xf32>
    %div3A = arith.constant 1.000000e+00 : f32
    %div3A_11 = vector.broadcast %div3A : f32 to vector<1000x1xf32>
    %div3A_12 = arith.divf %div3A_11, %max3A_10 : vector<1000x1xf32>
    %get3A_13 = arith.constant 0 : index
    %get3A_14 = arith.constant 0 : index
    %get3A_15 = vector.load %arg1[%get3A_13, %get3A_14] : memref<1000x128xf32, #tpu.memory_space<vmem>>, vector<1000x128xf32>
    %get3A_16 = arith.constant 0 : index
    %get3A_17 = arith.constant 0 : index
    %get3A_18 = vector.load %arg4[%get3A_16, %get3A_17] : memref<128x128xf32, #tpu.memory_space<vmem>>, vector<128x128xf32>
    %dot_general3A = arith.constant dense<0.000000e+00> : vector<1000x128xf32>
    %dot_general3A_19 = tpu.matmul %get3A_15, %get3A_18, %dot_general3A {dimension_numbers = #tpu.dot_dimension_numbers<[1], [0], [0], [1], [0, 0, 1, 1], [], []>, transpose_lhs_hint = false} : vector<1000x128xf32>, vector<128x128xf32>, vector<1000x128xf32> -> vector<1000x128xf32>
    %get3A_20 = arith.constant 0 : index
    %get3A_21 = arith.constant 0 : index
    %get3A_22 = vector.load %arg2[%get3A_20, %get3A_21] : memref<1000x128xf32, #tpu.memory_space<vmem>>, vector<1000x128xf32>
    %get3A_23 = arith.constant 0 : index
    %get3A_24 = arith.constant 0 : index
    %get3A_25 = vector.load %arg5[%get3A_23, %get3A_24] : memref<128x128xf32, #tpu.memory_space<vmem>>, vector<128x128xf32>
    %dot_general3A_26 = arith.constant dense<0.000000e+00> : vector<1000x128xf32>
    %dot_general3A_27 = tpu.matmul %get3A_22, %get3A_25, %dot_general3A_26 {dimension_numbers = #tpu.dot_dimension_numbers<[1], [0], [0], [1], [0, 0, 1, 1], [], []>, transpose_lhs_hint = false} : vector<1000x128xf32>, vector<128x128xf32>, vector<1000x128xf32> -> vector<1000x128xf32>
    %mul3A = vector.broadcast %div3A_12 : vector<1000x1xf32> to vector<1000x128xf32>
    %mul3A_28 = arith.mulf %dot_general3A_27, %mul3A : vector<1000x128xf32>
    %add3A_29 = arith.addf %dot_general3A_19, %mul3A_28 : vector<1000x128xf32>
    %get3A_30 = arith.constant 0 : index
    %get3A_31 = arith.constant 0 : index
    %get3A_32 = vector.load %arg6[%get3A_30, %get3A_31] : memref<1x128xf32, #tpu.memory_space<vmem>>, vector<1x128xf32>
    %add3A_33 = vector.broadcast %get3A_32 : vector<1x128xf32> to vector<1000x128xf32>
    %add3A_34 = arith.addf %add3A_29, %add3A_33 : vector<1000x128xf32>
    %max3A_35 = arith.constant 0.000000e+00 : f32
    %max3A_36 = vector.broadcast %max3A_35 : f32 to vector<1000x128xf32>
    %max3A_37 = arith.maximumf %add3A_34, %max3A_36 : vector<1000x128xf32>
    %swap3A = arith.constant 0 : index
    %swap3A_38 = arith.constant 0 : index
    %swap3A_39 = vector.load %arg7[%swap3A, %swap3A_38] : memref<1000x128xf32, #tpu.memory_space<vmem>>, vector<1000x128xf32>
    tpu.vector_store %arg7[%swap3A, %swap3A_38], %max3A_37 {strides = array<i32>} : memref<1000x128xf32, #tpu.memory_space<vmem>>, vector<1000x128xf32>,
    return
  }
  func.func @transform_0(%arg0: i32) -> (i32, i32) {
    %c0_i32 = arith.constant 0 : i32
    %c0_i32_0 = arith.constant 0 : i32
    return %arg0, %c0_i32 : i32, i32
  }
  func.func @transform_1(%arg0: i32) -> (i32, i32) {
    %c0_i32 = arith.constant 0 : i32
    %c0_i32_0 = arith.constant 0 : i32
    return %arg0, %c0_i32 : i32, i32
  }
  func.func @transform_2(%arg0: i32) -> (i32, i32, i32) {
    %c0_i32 = arith.constant 0 : i32
    %c0_i32_0 = arith.constant 0 : i32
    %c0_i32_1 = arith.constant 0 : i32
    return %c0_i32, %arg0, %c0_i32_0 : i32, i32, i32
  }
  func.func @transform_3(%arg0: i32) -> (i32, i32) {
    %c0_i32 = arith.constant 0 : i32
    %c0_i32_0 = arith.constant 0 : i32
    %c0_i32_1 = arith.constant 0 : i32
    return %c0_i32, %c0_i32_0 : i32, i32
  }
  func.func @transform_4(%arg0: i32) -> (i32, i32) {
    %c0_i32 = arith.constant 0 : i32
    %c0_i32_0 = arith.constant 0 : i32
    %c0_i32_1 = arith.constant 0 : i32
    return %c0_i32, %c0_i32_0 : i32, i32
  }
  func.func @transform_5(%arg0: i32) -> (i32, i32) {
    %c0_i32 = arith.constant 0 : i32
    %c0_i32_0 = arith.constant 0 : i32
    %c0_i32_1 = arith.constant 0 : i32
    return %c0_i32, %c0_i32_0 : i32, i32
  }
  func.func @transform_6(%arg0: i32) -> (i32, i32) {
    %c0_i32 = arith.constant 0 : i32
    %c0_i32_0 = arith.constant 0 : i32
    return %arg0, %c0_i32 : i32, i32
  }
}

module attributes {stable_mosaic.version = 14 : i64} {
  func.func @_dense_body(%arg0: i32, %arg1: memref<1000x128xf32, #tpu.memory_space<vmem>>, %arg2: memref<1000x128xf32, #tpu.memory_space<vmem>>, %arg3: memref<2x1000x16xf32, #tpu.memory_space<vmem>>, %arg4: memref<128x128xf32, #tpu.memory_space<vmem>>, %arg5: memref<128x128xf32, #tpu.memory_space<vmem>>, %arg6: memref<1x128xf32, #tpu.memory_space<vmem>>, %arg7: memref<1000x128xf32, #tpu.memory_space<vmem>>) attributes {dimension_semantics = [#tpu.dimension_semantics<arbitrary>], iteration_bounds = array<i64: 10>, scalar_prefetch = 0 : i64, scratch_operands = 0 : i64, tpu.core_type = #tpu.core_type<tc>, window_params = [{transform_indices = @transform_0, window_bounds = array<i64: 1000, 128>}, {transform_indices = @transform_1, window_bounds = array<i64: 1000, 128>}, {transform_indices = @transform_2, window_bounds = array<i64: 2, 1000, 16>}, {pipeline_mode = #tpu.pipeline_mode<synchronous>, transform_indices = @transform_3, window_bounds = array<i64: 128, 128>}, {pipeline_mode = #tpu.pipeline_mode<synchronous>, transform_indices = @transform_4, window_bounds = array<i64: 128, 128>}, {pipeline_mode = #tpu.pipeline_mode<synchronous>, transform_indices = @transform_5, window_bounds = array<i64: 1, 128>}, {transform_indices = @transform_6, window_bounds = array<i64: 1000, 128>}]} {
    %get3A = arith.constant 0 : index
    %get3A_0 = arith.constant 0 : index
    %get3A_1 = arith.constant 0 : index
    %get3A_2 = vector.load %arg3[%get3A, %get3A_0, %get3A_1] : memref<2x1000x16xf32, #tpu.memory_space<vmem>>, vector<1x1000x1xf32>
    %get3A_3 = vector.shape_cast %get3A_2 : vector<1x1000x1xf32> to vector<1000x1xf32>
    %get3A_4 = arith.constant 1 : index
    %get3A_5 = arith.constant 0 : index
    %get3A_6 = arith.constant 0 : index
    %get3A_7 = vector.load %arg3[%get3A_4, %get3A_5, %get3A_6] : memref<2x1000x16xf32, #tpu.memory_space<vmem>>, vector<1x1000x1xf32>
    %get3A_8 = vector.shape_cast %get3A_7 : vector<1x1000x1xf32> to vector<1000x1xf32>
    %add3A = arith.addf %get3A_3, %get3A_8 : vector<1000x1xf32>
    %max3A = arith.constant 1.000000e+00 : f32
    %max3A_9 = vector.broadcast %max3A : f32 to vector<1000x1xf32>
    %max3A_10 = arith.maximumf %add3A, %max3A_9 : vector<1000x1xf32>
    %div3A = arith.constant 1.000000e+00 : f32
    %div3A_11 = vector.broadcast %div3A : f32 to vector<1000x1xf32>
    %div3A_12 = arith.divf %div3A_11, %max3A_10 : vector<1000x1xf32>
    %get3A_13 = arith.constant 0 : index
    %get3A_14 = arith.constant 0 : index
    %get3A_15 = vector.load %arg1[%get3A_13, %get3A_14] : memref<1000x128xf32, #tpu.memory_space<vmem>>, vector<1000x128xf32>
    %get3A_16 = arith.constant 0 : index
    %get3A_17 = arith.constant 0 : index
    %get3A_18 = vector.load %arg4[%get3A_16, %get3A_17] : memref<128x128xf32, #tpu.memory_space<vmem>>, vector<128x128xf32>
    %dot_general3A = arith.constant dense<0.000000e+00> : vector<1000x128xf32>
    %dot_general3A_19 = tpu.matmul %get3A_15, %get3A_18, %dot_general3A {dimension_numbers = #tpu.dot_dimension_numbers<[1], [0], [0], [1], [0, 0, 1, 1], [], []>, transpose_lhs_hint = false} : vector<1000x128xf32>, vector<128x128xf32>, vector<1000x128xf32> -> vector<1000x128xf32>
    %get3A_20 = arith.constant 0 : index
    %get3A_21 = arith.constant 0 : index
    %get3A_22 = vector.load %arg2[%get3A_20, %get3A_21] : memref<1000x128xf32, #tpu.memory_space<vmem>>, vector<1000x128xf32>
    %get3A_23 = arith.constant 0 : index
    %get3A_24 = arith.constant 0 : index
    %get3A_25 = vector.load %arg5[%get3A_23, %get3A_24] : memref<128x128xf32, #tpu.memory_space<vmem>>, vector<128x128xf32>
    %dot_general3A_26 = arith.constant dense<0.000000e+00> : vector<1000x128xf32>
    %dot_general3A_27 = tpu.matmul %get3A_22, %get3A_25, %dot_general3A_26 {dimension_numbers = #tpu.dot_dimension_numbers<[1], [0], [0], [1], [0, 0, 1, 1], [], []>, transpose_lhs_hint = false} : vector<1000x128xf32>, vector<128x128xf32>, vector<1000x128xf32> -> vector<1000x128xf32>
    %mul3A = vector.broadcast %div3A_12 : vector<1000x1xf32> to vector<1000x128xf32>
    %mul3A_28 = arith.mulf %dot_general3A_27, %mul3A : vector<1000x128xf32>
    %add3A_29 = arith.addf %dot_general3A_19, %mul3A_28 : vector<1000x128xf32>
    %get3A_30 = arith.constant 0 : index
    %get3A_31 = arith.constant 0 : index
    %get3A_32 = vector.load %arg6[%get3A_30, %get3A_31] : memref<1x128xf32, #tpu.memory_space<vmem>>, vector<1x128xf32>
    %add3A_33 = vector.broadcast %get3A_32 : vector<1x128xf32> to vector<1000x128xf32>
    %add3A_34 = arith.addf %add3A_29, %add3A_33 : vector<1000x128xf32>
    %swap3A = arith.constant 0 : index
    %swap3A_35 = arith.constant 0 : index
    %swap3A_36 = vector.load %arg7[%swap3A, %swap3A_35] : memref<1000x128xf32, #tpu.memory_space<vmem>>, vector<1000x128xf32>
    tpu.vector_store %arg7[%swap3A, %swap3A_35], %add3A_34 {strides = array<i32>} : memref<1000x128xf32, #tpu.memory_space<vmem>>, vector<1000x128xf32>,
    return
  }
  func.func @transform_0(%arg0: i32) -> (i32, i32) {
    %c0_i32 = arith.constant 0 : i32
    %c0_i32_0 = arith.constant 0 : i32
    return %arg0, %c0_i32 : i32, i32
  }
  func.func @transform_1(%arg0: i32) -> (i32, i32) {
    %c0_i32 = arith.constant 0 : i32
    %c0_i32_0 = arith.constant 0 : i32
    return %arg0, %c0_i32 : i32, i32
  }
  func.func @transform_2(%arg0: i32) -> (i32, i32, i32) {
    %c0_i32 = arith.constant 0 : i32
    %c0_i32_0 = arith.constant 0 : i32
    %c0_i32_1 = arith.constant 0 : i32
    return %c0_i32, %arg0, %c0_i32_0 : i32, i32, i32
  }
  func.func @transform_3(%arg0: i32) -> (i32, i32) {
    %c0_i32 = arith.constant 0 : i32
    %c0_i32_0 = arith.constant 0 : i32
    %c0_i32_1 = arith.constant 0 : i32
    return %c0_i32, %c0_i32_0 : i32, i32
  }
  func.func @transform_4(%arg0: i32) -> (i32, i32) {
    %c0_i32 = arith.constant 0 : i32
    %c0_i32_0 = arith.constant 0 : i32
    %c0_i32_1 = arith.constant 0 : i32
    return %c0_i32, %c0_i32_0 : i32, i32
  }
  func.func @transform_5(%arg0: i32) -> (i32, i32) {
    %c0_i32 = arith.constant 0 : i32
    %c0_i32_0 = arith.constant 0 : i32
    %c0_i32_1 = arith.constant 0 : i32
    return %c0_i32, %c0_i32_0 : i32, i32
  }
  func.func @transform_6(%arg0: i32) -> (i32, i32) {
    %c0_i32 = arith.constant 0 : i32
    %c0_i32_0 = arith.constant 0 : i32
    return %arg0, %c0_i32 : i32, i32
  }
}

module attributes {stable_mosaic.version = 14 : i64} {
  func.func @_mlp_body(%arg0: i32, %arg1: memref<1024x128xf32, #tpu.memory_space<vmem>>, %arg2: memref<1024x128xf32, #tpu.memory_space<vmem>>, %arg3: memref<128x128xf32, #tpu.memory_space<vmem>>, %arg4: memref<1x128xf32, #tpu.memory_space<vmem>>, %arg5: memref<128x128xf32, #tpu.memory_space<vmem>>, %arg6: memref<1x128xf32, #tpu.memory_space<vmem>>, %arg7: memref<128x128xf32, #tpu.memory_space<vmem>>, %arg8: memref<1x128xf32, #tpu.memory_space<vmem>>, %arg9: memref<1024x128xf32, #tpu.memory_space<vmem>>) attributes {dimension_semantics = [#tpu.dimension_semantics<arbitrary>], iteration_bounds = array<i64: 16>, scalar_prefetch = 0 : i64, scratch_operands = 0 : i64, tpu.core_type = #tpu.core_type<tc>, window_params = [{transform_indices = @transform_0, window_bounds = array<i64: 1024, 128>}, {transform_indices = @transform_1, window_bounds = array<i64: 1024, 128>}, {pipeline_mode = #tpu.pipeline_mode<synchronous>, transform_indices = @transform_2, window_bounds = array<i64: 128, 128>}, {pipeline_mode = #tpu.pipeline_mode<synchronous>, transform_indices = @transform_3, window_bounds = array<i64: 1, 128>}, {pipeline_mode = #tpu.pipeline_mode<synchronous>, transform_indices = @transform_4, window_bounds = array<i64: 128, 128>}, {pipeline_mode = #tpu.pipeline_mode<synchronous>, transform_indices = @transform_5, window_bounds = array<i64: 1, 128>}, {pipeline_mode = #tpu.pipeline_mode<synchronous>, transform_indices = @transform_6, window_bounds = array<i64: 128, 128>}, {pipeline_mode = #tpu.pipeline_mode<synchronous>, transform_indices = @transform_7, window_bounds = array<i64: 1, 128>}, {transform_indices = @transform_8, window_bounds = array<i64: 1024, 128>}]} {
    %get3A = arith.constant 0 : index
    %get3A_0 = arith.constant 0 : index
    %get3A_1 = vector.load %arg1[%get3A, %get3A_0] : memref<1024x128xf32, #tpu.memory_space<vmem>>, vector<1024x128xf32>
    %get3A_2 = arith.constant 0 : index
    %get3A_3 = arith.constant 0 : index
    %get3A_4 = vector.load %arg2[%get3A_2, %get3A_3] : memref<1024x128xf32, #tpu.memory_space<vmem>>, vector<1024x128xf32>
    %mul3A = arith.mulf %get3A_1, %get3A_4 : vector<1024x128xf32>
    %get3A_5 = arith.constant 0 : index
    %get3A_6 = arith.constant 0 : index
    %get3A_7 = vector.load %arg3[%get3A_5, %get3A_6] : memref<128x128xf32, #tpu.memory_space<vmem>>, vector<128x128xf32>
    %dot_general3A = arith.constant dense<0.000000e+00> : vector<1024x128xf32>
    %dot_general3A_8 = tpu.matmul %mul3A, %get3A_7, %dot_general3A {dimension_numbers = #tpu.dot_dimension_numbers<[1], [0], [0], [1], [0, 0, 1, 1], [], []>, transpose_lhs_hint = false} : vector<1024x128xf32>, vector<128x128xf32>, vector<1024x128xf32> -> vector<1024x128xf32>
    %get3A_9 = arith.constant 0 : index
    %get3A_10 = arith.constant 0 : index
    %get3A_11 = vector.load %arg4[%get3A_9, %get3A_10] : memref<1x128xf32, #tpu.memory_space<vmem>>, vector<1x128xf32>
    %add3A = vector.broadcast %get3A_11 : vector<1x128xf32> to vector<1024x128xf32>
    %add3A_12 = arith.addf %dot_general3A_8, %add3A : vector<1024x128xf32>
    %max3A = arith.constant 0.000000e+00 : f32
    %max3A_13 = vector.broadcast %max3A : f32 to vector<1024x128xf32>
    %max3A_14 = arith.maximumf %add3A_12, %max3A_13 : vector<1024x128xf32>
    %get3A_15 = arith.constant 0 : index
    %get3A_16 = arith.constant 0 : index
    %get3A_17 = vector.load %arg5[%get3A_15, %get3A_16] : memref<128x128xf32, #tpu.memory_space<vmem>>, vector<128x128xf32>
    %dot_general3A_18 = arith.constant dense<0.000000e+00> : vector<1024x128xf32>
    %dot_general3A_19 = tpu.matmul %max3A_14, %get3A_17, %dot_general3A_18 {dimension_numbers = #tpu.dot_dimension_numbers<[1], [0], [0], [1], [0, 0, 1, 1], [], []>, transpose_lhs_hint = false} : vector<1024x128xf32>, vector<128x128xf32>, vector<1024x128xf32> -> vector<1024x128xf32>
    %get3A_20 = arith.constant 0 : index
    %get3A_21 = arith.constant 0 : index
    %get3A_22 = vector.load %arg6[%get3A_20, %get3A_21] : memref<1x128xf32, #tpu.memory_space<vmem>>, vector<1x128xf32>
    %add3A_23 = vector.broadcast %get3A_22 : vector<1x128xf32> to vector<1024x128xf32>
    %add3A_24 = arith.addf %dot_general3A_19, %add3A_23 : vector<1024x128xf32>
    %max3A_25 = arith.constant 0.000000e+00 : f32
    %max3A_26 = vector.broadcast %max3A_25 : f32 to vector<1024x128xf32>
    %max3A_27 = arith.maximumf %add3A_24, %max3A_26 : vector<1024x128xf32>
    %get3A_28 = arith.constant 0 : index
    %get3A_29 = arith.constant 0 : index
    %get3A_30 = vector.load %arg7[%get3A_28, %get3A_29] : memref<128x128xf32, #tpu.memory_space<vmem>>, vector<128x128xf32>
    %dot_general3A_31 = arith.constant dense<0.000000e+00> : vector<1024x128xf32>
    %dot_general3A_32 = tpu.matmul %max3A_27, %get3A_30, %dot_general3A_31 {dimension_numbers = #tpu.dot_dimension_numbers<[1], [0], [0], [1], [0, 0, 1, 1], [], []>, transpose_lhs_hint = false} : vector<1024x128xf32>, vector<128x128xf32>, vector<1024x128xf32> -> vector<1024x128xf32>
    %get3A_33 = arith.constant 0 : index
    %get3A_34 = arith.constant 0 : index
    %get3A_35 = vector.load %arg8[%get3A_33, %get3A_34] : memref<1x128xf32, #tpu.memory_space<vmem>>, vector<1x128xf32>
    %add3A_36 = vector.broadcast %get3A_35 : vector<1x128xf32> to vector<1024x128xf32>
    %add3A_37 = arith.addf %dot_general3A_32, %add3A_36 : vector<1024x128xf32>
    %swap3A = arith.constant 0 : index
    %swap3A_38 = arith.constant 0 : index
    %swap3A_39 = vector.load %arg9[%swap3A, %swap3A_38] : memref<1024x128xf32, #tpu.memory_space<vmem>>, vector<1024x128xf32>
    tpu.vector_store %arg9[%swap3A, %swap3A_38], %add3A_37 {strides = array<i32>} : memref<1024x128xf32, #tpu.memory_space<vmem>>, vector<1024x128xf32>,
    return
  }
  func.func @transform_0(%arg0: i32) -> (i32, i32) {
    %c0_i32 = arith.constant 0 : i32
    %c0_i32_0 = arith.constant 0 : i32
    return %arg0, %c0_i32 : i32, i32
  }
  func.func @transform_1(%arg0: i32) -> (i32, i32) {
    %c0_i32 = arith.constant 0 : i32
    %c0_i32_0 = arith.constant 0 : i32
    return %arg0, %c0_i32 : i32, i32
  }
  func.func @transform_2(%arg0: i32) -> (i32, i32) {
    %c0_i32 = arith.constant 0 : i32
    %c0_i32_0 = arith.constant 0 : i32
    %c0_i32_1 = arith.constant 0 : i32
    return %c0_i32, %c0_i32_0 : i32, i32
  }
  func.func @transform_3(%arg0: i32) -> (i32, i32) {
    %c0_i32 = arith.constant 0 : i32
    %c0_i32_0 = arith.constant 0 : i32
    %c0_i32_1 = arith.constant 0 : i32
    return %c0_i32, %c0_i32_0 : i32, i32
  }
  func.func @transform_4(%arg0: i32) -> (i32, i32) {
    %c0_i32 = arith.constant 0 : i32
    %c0_i32_0 = arith.constant 0 : i32
    %c0_i32_1 = arith.constant 0 : i32
    return %c0_i32, %c0_i32_0 : i32, i32
  }
  func.func @transform_5(%arg0: i32) -> (i32, i32) {
    %c0_i32 = arith.constant 0 : i32
    %c0_i32_0 = arith.constant 0 : i32
    %c0_i32_1 = arith.constant 0 : i32
    return %c0_i32, %c0_i32_0 : i32, i32
  }
  func.func @transform_6(%arg0: i32) -> (i32, i32) {
    %c0_i32 = arith.constant 0 : i32
    %c0_i32_0 = arith.constant 0 : i32
    %c0_i32_1 = arith.constant 0 : i32
    return %c0_i32, %c0_i32_0 : i32, i32
  }
  func.func @transform_7(%arg0: i32) -> (i32, i32) {
    %c0_i32 = arith.constant 0 : i32
    %c0_i32_0 = arith.constant 0 : i32
    %c0_i32_1 = arith.constant 0 : i32
    return %c0_i32, %c0_i32_0 : i32, i32
  }
  func.func @transform_8(%arg0: i32) -> (i32, i32) {
    %c0_i32 = arith.constant 0 : i32
    %c0_i32_0 = arith.constant 0 : i32
    return %arg0, %c0_i32 : i32, i32
  }
}

</mosaic_0001>

<sc_bundles>
// kernel: kernel.12.cloned.1.call-start
scs
__scs_entry_jumppad:
0x0: {  	(pc) =	sbr.rel $0x88, $3  }
0x1: {  	(tag) =	ssettag $0x0;
	lr =	simm.s32 $0x1  }
0x2: {  	[smem:$0x3F8E] =	sst lr;
	_ =	strace $0xD0000000  }
0x3: {  	_ = 	snop  }
0x4: {  	_ = 	snop  }
0x5: {  	_ = 	snop  }
0x6: {  	_ = 	snop  }
0x7: {  	_ = 	snop  }
__scs_overlays_trampoline_lowered:
0x8: {  	[smem:$0x3F9D] =	sst s0  }
0x9: {  	[smem:$0x3F9E] =	sst s1  }
0xa: {  	[smem:$0x3F9F] =	sst s2  }
0xb: {  	[smem:$0x3FA0] =	sst s3  }
0xc: {  	[smem:$0x3FA1] =	sst s4  }
0xd: {  	[smem:$0x3FA2] =	sst s5  }
0xe: {  	[smem:$0x3FA3] =	sst s6  }
0xf: {  	[smem:$0x3FA4] =	sst s7  }
0x10: {  	[smem:$0x3FA5] =	sst s8  }
0x11: {  	[smem:$0x3FA6] =	sst s9;
	s0 =	simm.s32 @!p0 $0x0  }
0x12: {  	s1 =	sld [smem:$0x3F8C];
	s0 =	simm.s32 @p0 $0x1  }
0x13: {  	[smem:$0x3FA7] =	sst s0;
	s0 =	simm.s32 @!p1 $0x0  }
0x14: {  	s2 =	sld [smem:$0x3F8B];
	s0 =	simm.s32 @p1 $0x1  }
0x15: {  	[smem:$0x3FA8] =	sst s0;
	s0 =	simm.s32 @!p2 $0x0  }
0x16: {  	s3 =	sld [smem:$0x3FDB];
	s0 =	simm.s32 @p2 $0x1  }
0x17: {  	s4 =	simm.s32 $0x1BF5;
	[smem:$0x3FAA] =	sst s0  }
0x18: {  	s0 =	sld [smem:$0x3F8D];
	_ =	swait.ge [sflag:s4], $0x0  }
0x19: {  	s7 =	sld [smem:$0x3F8E]  }
0x1a: {  	s8 =	sadd.s32 $0xFFFFE003, lr  }
0x1b: {  	s9 =	sadd.s32 $0xFFFFFEF7, lr;
	s5 =	simm.s32 $0xFFFFFFFF;
	p2 =	slt.u32 s8, $0xFFFFF086  }
0x1c: {  	p1 =	slt.u32 s9, $0xF7A;
	s5 =	simm.s32 @!p2 $0x0  }
0x1d: {  	s5 =	simm.s32 @p1 $0x1;
	p0 =	seq.s32 s7, s2  }
0x1e: {  	s7 =	smul.u32 @!p0 $0xF7A, s2;
	p2 =	seq.s32 @!p0 s5, $0x0  }
0x1f: {  	s9 =	smul.u32 $0xF7A, s1;
	s8 =	simm.s32 @!p0 $0x1BF5;
	p2 =	por !p2, p0  }
0x20: {  	[sflag:s8] =	ssyncset.s32 @!p0 $0xFFFFF086;
	s6 =	sadd.s32 @!p0 s3, s7;
	s7 =	simm.s32 @!p0 $0x108  }
0x21: {  	s3 =	sadd.s32 s3, s9;
	s6 =	sadd.s32 @!p0 $0x88, s6;
	s7 =	simm.s32 @p2 $0x1082  }
0x22: {  	[simem:s7], [sflag:s8] =	dma.local @!p0 [hbm:s6], $0xF7A  }
0x23: {  	s9 =	sor.u32 $0xD0000000, s2;
	s6 =	simm.s32 $0x108;
	_ =	swait.ge @!p0 [sflag:s8], $0x0  }
0x24: {  	s3 =	sadd.s32 $0x88, s3;
	s6 =	simm.s32 @!p1 $0x1082;
	[sflag:s4] =	ssyncset.s32 $0xFFFFF086  }
0x25: {  	[simem:s6], [sflag:s4] =	dma.local [hbm:s3], $0xF7A  }
0x26: {  	[smem:$0x3F8E] =	sst s1;
	(tag) =	ssettag s2;
	_ =	strace s9  }
0x27: {  	s1 =	sld [smem:$0x3F9E]  }
0x28: {  	s2 =	sld [smem:$0x3F9F]  }
0x29: {  	s4 =	sld [smem:$0x3FA1]  }
0x2a: {  	p0 =	seq.s32 s5, $0x0;
	s5 =	sld [smem:$0x3FA2]  }
0x2b: {  	s6 =	sld [smem:$0x3FA3]  }
0x2c: {  	s7 =	sld [smem:$0x3FA4]  }
0x2d: {  	s3 =	simm.s32 $0x108;
	s8 =	sld [smem:$0x3FA5]  }
0x2e: {  	s3 =	simm.s32 @!p0 $0x1082;
	s9 =	sld [smem:$0x3FA6]  }
0x2f: {  	lr =	sadd.s32 s0, s3;
	s0 =	sld [smem:$0x3F9D]  }
0x30: {  	s3 =	sld [smem:$0x3FA0]  }
0x31: {  	[smem:$0x3FA9] =	sst s10  }
0x32: {  	s10 =	sld [smem:$0x3FA7];
	_ =	sdelay $0x3  }
0x33: {  	p0 =	seq.s32 s10, $0x1;
	s10 =	sld [smem:$0x3FA9];
	_ =	sdelay $0x3  }
0x34: {  	[smem:$0x3FA9] =	sst s10  }
0x35: {  	s10 =	sld [smem:$0x3FA8];
	_ =	sdelay $0x3  }
0x36: {  	p1 =	seq.s32 s10, $0x1;
	s10 =	sld [smem:$0x3FA9];
	_ =	sdelay $0x3  }
0x37: {  	[smem:$0x3FA9] =	sst s10  }
0x38: {  	s10 =	sld [smem:$0x3FAA]  }
0x39: {  	_ = 	snop;
	(pc) =	sbr.ind lr, $3  }
0x3a: {  	_ = 	snop  }
0x3b: {  	_ = 	snop  }
0x3c: {  	p2 =	seq.s32 s10, $0x1;
	s10 =	sld [smem:$0x3FA9]  }
0x3d: {  	_ =	shalt  }
0x3e: {  	_ =	shalt  }
0x3f: {  	_ =	shalt  }
0x40: {  	_ =	shalt  }
0x41: {  	_ =	shalt  }
0x42: {  	_ =	shalt  }
0x43: {  	_ =	shalt  }
0x44: {  	_ =	shalt  }
0x45: {  	_ =	shalt  }
0x46: {  	_ =	shalt  }
0x47: {  	_ =	shalt  }
0x48: {  	_ =	shalt  }
0x49: {  	_ =	shalt  }
0x4a: {  	_ =	shalt  }
0x4b: {  	_ =	shalt  }
0x4c: {  	_ =	shalt  }
0x4d: {  	_ =	shalt  }
0x4e: {  	_ =	shalt  }
0x4f: {  	_ =	shalt  }
0x50: {  	_ =	shalt  }
0x51: {  	_ =	shalt  }
0x52: {  	_ =	shalt  }
0x53: {  	_ =	shalt  }
0x54: {  	_ =	shalt  }
0x55: {  	_ =	shalt  }
0x56: {  	_ =	shalt  }
0x57: {  	_ =	shalt  }
0x58: {  	_ =	shalt  }
0x59: {  	_ =	shalt  }
0x5a: {  	_ =	shalt  }
0x5b: {  	_ =	shalt  }
0x5c: {  	_ =	shalt  }
0x5d: {  	_ =	shalt  }
0x5e: {  	_ =	shalt  }
0x5f: {  	_ =	shalt  }
0x60: {  	_ =	shalt  }
0x61: {  	_ =	shalt  }
0x62: {  	_ =	shalt  }
0x63: {  	_ =	shalt  }
0x64: {  	_ =	shalt  }
0x65: {  	_ =	shalt  }
0x66: {  	_ =	shalt  }
0x67: {  	_ =	shalt  }
0x68: {  	_ =	shalt  }
0x69: {  	_ =	shalt  }
0x6a: {  	_ =	shalt  }
0x6b: {  	_ =	shalt  }
0x6c: {  	_ =	shalt  }
0x6d: {  	_ =	shalt  }
0x6e: {  	_ =	shalt  }
0x6f: {  	_ =	shalt  }
0x70: {  	_ =	shalt  }
0x71: {  	_ =	shalt  }
0x72: {  	_ =	shalt  }
0x73: {  	_ =	shalt  }
0x74: {  	_ =	shalt  }
0x75: {  	_ =	shalt  }
0x76: {  	_ =	shalt  }
0x77: {  	_ =	shalt  }
0x78: {  	_ =	shalt  }
0x79: {  	_ =	shalt  }
0x7a: {  	_ =	shalt  }
0x7b: {  	_ =	shalt  }
0x7c: {  	_ =	shalt  }
0x7d: {  	_ =	shalt  }
0x7e: {  	_ =	shalt  }
0x7f: {  	_ =	shalt  }
0x80: {  	_ =	shalt  }
0x81: {  	_ =	shalt  }
0x82: {  	_ =	shalt  }
0x83: {  	_ =	shalt  }
0x84: {  	_ =	shalt  }
0x85: {  	_ =	shalt  }
0x86: {  	_ =	shalt  }
0x87: {  	_ =	shalt  }
.Lfunc_end0:
.L_simem_size_0:
called_computation_lowered:
.L_overlay_start_0:
0x88: {  	s2 =	sld [smem:$0x3FD9]  }
0x89: {  	s3 =	sld [smem:$0x3FFE];
	_ =	sdelay $0x1  }
0x8a: {  	s1 =	srdreg.scid  }
0x8b: {  	s0 =	sand.u32 $0x1, s1  }
0x8c: {  	s17 =	sshll.u32 s0, $0xA;
	s2 =	sadd.s32 s3, s2  }
0x8d: {  	s2 =	sadd.s32 s2, s17  }
0x8e: {  	[smem:$0x3FB5] =	sst s2  }
0x8f: {  	_ = 	snop  }
0x90: {  	(tm) =	ssettm $0x1  }
0x91: {  	s18 =	sld [smem:$0x3FFB];
	_ =	sdelay $0x3  }
0x92: {  	_ =	strace s18  }
0x93: {  	s2 =	sld [smem:$0x3FFC];
	_ =	sdelay $0x3  }
0x94: {  	_ =	strace s2  }
0x95: {  	s2 =	sld [smem:$0x3FFD];
	_ =	sdelay $0x3  }
0x96: {  	_ =	strace s2  }
0x97: {  	_ =	strace $0x8FFFFFFF  }
0x98: {  	s19 =	sld [smem:$0x3FDB];
	_ =	sdelay $0x1  }
0x99: {  	s20 =	simm.s32 $_scs_section_size  }
0x9a: {  	s4 =	simm.s32 $_size__tile_overlayer_lowered;
	s5 =	simm.s32 $_tile_overlayer_lowered  }
0x9b: {  	s6 =	simm.s32 $0x1BFF;
	s21 =	sshll.u32 s5, $0x1;
	s3 =	sadd.s32 s20, s19  }
0x9c: {  	s22 =	simm.s32 $0x0;
	s4 =	sshll.u32 s4, $0x1;
	s5 =	sadd.s32 s21, s3  }
0x9d: {  	[timem:s22], [sflag:s6] =	dma.local [hbm:s5], s4  }
0x9e: {  	_ =	swait.ge [sflag:s6], s4  }
0x9f: {  	s4 =	ssub.s32 $0x0, s4;
	[sflag:s6] =	ssyncset.done $0x0  }
0xa0: {  	[sflag:s6] =	ssyncadd.s32 s4;
	_ =	sdelay $0x1  }
0xa1: {  	s23 =	simm.s32 $0x1B8B  }
0xa2: {  	_ =	swait.ge [sflag:s23], $0x1  }
0xa3: {  	[sflag:s23] =	ssyncset.done $0x0  }
0xa4: {  	[sflag:s23] =	ssyncadd.s32 $0xFFFFFFFF  }
0xa5: {  	s4 =	sld [smem:$0x0]  }
0xa6: {  	s5 =	sand.u32 $0xFFFFFFFE, s1  }
0xa7: {  	p0 =	sne.s32 s1, s5  }
0xa8: {  	s5 =	sshll.u32 @p0 s5, $0xE  }
0xa9: {  	s5 =	sadd.s32 @p0 $0x11B8D, s5;
	s6 =	sshll.u32 @p0 s4, $0x11  }
0xaa: {  	s5 =	sor.u32 @p0 s6, s5  }
0xab: {  	[sflag:s5] =	ssyncadd.remote.s32 @p0 $0x1;
	_ =	sdelay $0x1  }
0xac: {  	s5 =	simm.s32 @p0 $0x1B8D  }
0xad: {  	_ =	swait.eq @p0 [sflag:s5], $0x1  }
0xae: {  	[sflag:s5] =	ssyncadd.s32 @p0 $0xFFFFFFFF  }
0xaf: {  	s6 =	sshll.u32 @!p0 s1, $0xE  }
0xb0: {  	s6 =	sor.u32 @!p0 $0x4000, s6;
	s5 =	simm.s32 @!p0 $0x1B8D  }
0xb1: {  	s4 =	sshll.u32 @!p0 s4, $0x11;
	s6 =	sadd.s32 @!p0 $0x11B8D, s6;
	_ =	swait.eq @!p0 [sflag:s5], $0x1  }
0xb2: {  	s4 =	sor.u32 @!p0 s4, s6;
	[sflag:s5] =	ssyncadd.s32 @!p0 $0xFFFFFFFF  }
0xb3: {  	s25 =	simm.s32 $0x1B8E;
	s24 =	sld [smem:$0x3FFE];
	[sflag:s4] =	ssyncadd.remote.s32 @!p0 $0x1  }
0xb4: {  	s26 =	simm.s32 $execute0_lowered;
	[smem:$0x3FD2] =	sst s25  }
0xb5: {  	s5 =	sshll.u32 s26, $0x1;
	_ =	strace $0x80000049;
	[dreg:$0x1] =	wrdreg $0xFFFFFFFF  }
0xb6: {  	s28 =	simm.s32 $_size_execute0_lowered;
	s3 =	sadd.s32 s3, s5;
	[dreg:$0x0] =	wrdreg $0x0  }
0xb7: {  	s5 =	sshll.u32 s28, $0x1;
	[dreg:$0x2] =	wrdreg s3  }
0xb8: {  	[dreg:$0x3] =	wrdreg s5  }
0xb9: {  	[dreg:$0x4] =	wrdreg $0xC0  }
0xba: {  	_ =	task [dreg:s22], $0x5FFFF  }
0xbb: {  	[dreg:$0x1] =	wrdreg $0xFFFFFFFF  }
0xbc: {  	[dreg:$0x0] =	wrdreg $0x60  }
0xbd: {  	[dreg:$0x2] =	wrdreg s24  }
0xbe: {  	[dreg:$0x3] =	wrdreg $0x0  }
0xbf: {  	[dreg:$0x4] =	wrdreg $0x9  }
0xc0: {  	_ =	task.clear_ibuf [dreg:s22], $0x5FFFF;
	_ =	strace $0x90000049  }
0xc1: {  	s29 =	simm.s32 $0x9;
	_ =	strace $0x8000004B  }
0xc2: {  	_ =	swait.ge [sflag:s29], $0x1  }
0xc3: {  	[sflag:s29] =	ssyncadd.s32 $0xFFFFFFFF  }
0xc4: {  	_ =	strace $0x9000004B  }
0xc5: {  	_ =	sfence  }
0xc6: {  	s30 =	sld [smem:$0x0];
	_ =	sdelay $0x2  }
0xc7: {  	s31 =	sshll.u32 s1, $0xD;
	s1 =	sshrl.u32 s1, $0x2  }
0xc8: {  	s4 =	sand.u32 $0x4000, s31;
	s1 =	sadd.s32 s1, s30  }
0xc9: {  	s0 =	sor.u32 s4, s0;
	s1 =	sshll.u32 s1, $0x11  }
0xca: {  	s0 =	sor.u32 s1, s0  }
0xcb: {  	s0 =	sadd.s32 $0x8F2B, s0  }
0xcc: {  	[sflag:s0] =	ssyncadd.remote.s32 $0x1  }
0xcd: {  	_ =	sfence.sel $0xFFFF  }
0xce: {  	[dreg:$0x0] =	wrdreg $0xFFFFFFFF;
	(pc) =	sbr.abs _section_cstart, $3  }
0xcf: {  	[dreg:$0x1] =	wrdreg $0xFFFFFFFF  }
0xd0: {  	_ =	task.clear_ibuf [dreg:s22], $0x2FFFF;
	_ =	strace $0x9FFFFFFF  }
0xd1: {  	(tm) =	ssettm $0x7FFFFFFF  }
tec
execute0_lowered:
.L_overlay_start_1:
0x0: {  	(tag) =	ssettag $0x1  }
0x1: {  	s4 =	rddreg [dreg:$0x0];
	s1 =	srdreg.scid  }
0x2: {  	s0 =	stileid.u32;
	s2 =	rddreg [dreg:$0x1];
	s3 =	simm.s32 $0x0  }
0x3: {  	s18 =	simm.s32 $0x1;
	s19 =	simm.s32 $0x6680;
	s20 =	simm.s32 $0x3E8  }
0x4: {  	s21 =	simm.s32 $0x0;
	s5 =	sand.u32 $0x1, s1;
	s1 =	rddreg [dreg:$0x2]  }
0x5: {  	s6 =	smul.u32 $0x2800, s0;
	[smem:$0x7FF] =	sst s3;
	s8 =	sshll.u32 s0, $0x1  }
0x6: {  	s7 =	smul.u32 $0x28000, s5;
	s8 =	sor.u32 s5, s8;
	s5 =	ssub.s32 $0x2, s5  }
0x7: {  	s16 =	sadd.s32 $0x3600, s4;
	s14 =	smul.u32 $0x2710, s8;
	s26 =	sshrl.u32 s5, $0x1  }
0x8: {  	_ =	strace $0x8000004A;
	s7 =	sadd.s32 s6, s7;
	s28 =	ssub.s32 s5, s26  }
0x9: {  	s7 =	sshrl.u32 s7, $0x3;
	s29 =	sshrl.u32 s14, $0x3;
	s9 =	sadd.s32 $0x3E8, s14  }
0xa: {  	s31 =	sadd.s32 $0xBB8, s14;
	s11 =	sadd.s32 $0x1388, s14;
	s15 =	sadd.s32 $0x1B58, s14  }
0xb: {  	s17 =	sadd.s32 $0x2328, s14;
	s7 =	sadd.s32 s7, s4;
	s4 =	sadd.s32 s6, s2  }
0xc: {  	s6 =	sadd.s32 s16, s29;
	s30 =	sshrl.u32 s9, $0x3;
	s10 =	sshrl.u32 s31, $0x3  }
0xd: {  	s12 =	sshrl.u32 s11, $0x3;
	s15 =	sshrl.u32 s15, $0x3;
	s17 =	sshrl.u32 s17, $0x3  }
0xe: {  	s5 =	sadd.s32 $0x67200, s7;
	s7 =	smax.u32 s28, $0x1;
	s8 =	sadd.s32 s16, s30  }
0xf: {  	s9 =	sadd.s32 $0xFA, s6;
	s10 =	sadd.s32 s16, s10;
	s11 =	sadd.s32 $0x1F4, s6  }
0x10: {  	s12 =	sadd.s32 s16, s12;
	s13 =	sadd.s32 $0x2EE, s6;
	s14 =	sadd.s32 s16, s15  }
0x11: {  	v0 =	vimm.f32 $0.0e+00;
	v1 =	vimm.f32 $1.000000000e+00;
	s15 =	sadd.s32 $0x3E8, s6;
	s16 =	sadd.s32 s16, s17;
	s17 =	simm.s32 $0x2800  }
.LBB2_1:
0x12: {  	s22 =	simm.s32 $0x40;
	s23 =	simm.s32 $0x0  }
.LBB2_2:
0x13: {  	p0 =	sne.s32 s22, $0xF9C0;
	[tilespmem:s23+$0x2800] =	vst v0;
	s23 =	smov.u32 s22;
	s22 =	sadd.s32 $0x40, s22  }
.Ltmp0:
0x14: {  	(pc) =	sbr.rel @p0 .LBB2_2-.Ltmp0, $2  }
0x15: {  	_ =	sdelay $0x2  }
0x16: {  	s23 =	sshra.s32 s23, $0x2  }
0x17: {  	[tilespmem:s23+$0x2800] =	vst v0  }
0x18: {  	[spmem:s4] =	stream.linear.scatter [tilespmem:s17], [sflag:$0x1], $0x2800, $0x38;
	[tilespmem:$0x6A68] =	vst v63  }
0x19: {  	_ =	swait.ge [sflag:s18], $0x2800  }
0x1a: {  	[sflag:s18] =	ssyncset.done $0x0  }
0x1b: {  	s22 =	simm.s32 $0x40;
	s23 =	simm.s32 $0x0;
	[sflag:s18] =	ssyncadd.s32 $0xFFFFD800  }
.LBB2_4:
0x1c: {  	p0 =	sne.s32 s22, $0xF9C0;
	[tilespmem:s23+$0x2800] =	vst v1;
	s23 =	smov.u32 s22;
	s22 =	sadd.s32 $0x40, s22  }
.Ltmp1:
0x1d: {  	(pc) =	sbr.rel @p0 .LBB2_4-.Ltmp1, $2  }
0x1e: {  	_ =	sdelay $0x2  }
0x1f: {  	s23 =	sshra.s32 s23, $0x2  }
0x20: {  	[tilespmem:s23+$0x2800] =	vst v1  }
0x21: {  	[bflag:$0x0] =	sbarrier.arrive $0xFFFF  }
0x22: {  	[tilespmem:s19], [sflag:$0x1] =	stream.linear.gather [hbm4b:s6+s3], $0x3E8, $0x38;
	[tilespmem:$0x6A68] =	vst v63  }
0x23: {  	_ =	swait.ge [sflag:s18], $0x3E8  }
0x24: {  	[sflag:s18] =	ssyncset.done $0x0  }
0x25: {  	[sflag:s18] =	ssyncadd.s32 $0xFFFFFC18  }
0x26: {  	[spmem:s2] =	stream.indirect.scatter.add.f32 [tilespmem:s17], [sflag:$0x1], $0x10, s19, s20, $0xb8;
	[tilespmem:$0x6A68] =	vst v63  }
0x27: {  	_ =	swait.ge [sflag:s18], $0x3E80  }
0x28: {  	[sflag:s18] =	ssyncset.done $0x0  }
0x29: {  	[sflag:s18] =	ssyncadd.s32 $0xFFFFC180  }
0x2a: {  	[tilespmem:s19], [sflag:$0x1] =	stream.linear.gather [hbm4b:s8+s3], $0x3E8, $0x38;
	[tilespmem:$0x6A68] =	vst v63  }
0x2b: {  	_ =	swait.ge [sflag:s18], $0x3E8  }
0x2c: {  	[sflag:s18] =	ssyncset.done $0x0  }
0x2d: {  	[sflag:s18] =	ssyncadd.s32 $0xFFFFFC18  }
0x2e: {  	[spmem:s2] =	stream.indirect.scatter.add.f32 [tilespmem:s17], [sflag:$0x1], $0x10, s19, s20, $0xb8;
	[tilespmem:$0x6A68] =	vst v63  }
0x2f: {  	_ =	swait.ge [sflag:s18], $0x3E80  }
0x30: {  	[sflag:s18] =	ssyncset.done $0x0  }
0x31: {  	[sflag:s18] =	ssyncadd.s32 $0xFFFFC180  }
0x32: {  	[tilespmem:s19], [sflag:$0x1] =	stream.linear.gather [hbm4b:s9+s3], $0x3E8, $0x38;
	[tilespmem:$0x6A68] =	vst v63  }
0x33: {  	_ =	swait.ge [sflag:s18], $0x3E8  }
0x34: {  	[sflag:s18] =	ssyncset.done $0x0  }
0x35: {  	[sflag:s18] =	ssyncadd.s32 $0xFFFFFC18  }
0x36: {  	[spmem:s2] =	stream.indirect.scatter.add.f32 [tilespmem:s17], [sflag:$0x1], $0x10, s19, s20, $0xb8;
	[tilespmem:$0x6A68] =	vst v63  }
0x37: {  	_ =	swait.ge [sflag:s18], $0x3E80  }
0x38: {  	[sflag:s18] =	ssyncset.done $0x0  }
0x39: {  	[sflag:s18] =	ssyncadd.s32 $0xFFFFC180  }
0x3a: {  	[tilespmem:s19], [sflag:$0x1] =	stream.linear.gather [hbm4b:s10+s3], $0x3E8, $0x38;
	[tilespmem:$0x6A68] =	vst v63  }
0x3b: {  	_ =	swait.ge [sflag:s18], $0x3E8  }
0x3c: {  	[sflag:s18] =	ssyncset.done $0x0  }
0x3d: {  	[sflag:s18] =	ssyncadd.s32 $0xFFFFFC18  }
0x3e: {  	[spmem:s2] =	stream.indirect.scatter.add.f32 [tilespmem:s17], [sflag:$0x1], $0x10, s19, s20, $0xb8;
	[tilespmem:$0x6A68] =	vst v63  }
0x3f: {  	_ =	swait.ge [sflag:s18], $0x3E80  }
0x40: {  	[sflag:s18] =	ssyncset.done $0x0  }
0x41: {  	[sflag:s18] =	ssyncadd.s32 $0xFFFFC180  }
0x42: {  	[tilespmem:s19], [sflag:$0x1] =	stream.linear.gather [hbm4b:s11+s3], $0x3E8, $0x38;
	[tilespmem:$0x6A68] =	vst v63  }
0x43: {  	_ =	swait.ge [sflag:s18], $0x3E8  }
0x44: {  	[sflag:s18] =	ssyncset.done $0x0  }
0x45: {  	[sflag:s18] =	ssyncadd.s32 $0xFFFFFC18  }
0x46: {  	[spmem:s2] =	stream.indirect.scatter.add.f32 [tilespmem:s17], [sflag:$0x1], $0x10, s19, s20, $0xb8;
	[tilespmem:$0x6A68] =	vst v63  }
0x47: {  	_ =	swait.ge [sflag:s18], $0x3E80  }
0x48: {  	[sflag:s18] =	ssyncset.done $0x0  }
0x49: {  	[sflag:s18] =	ssyncadd.s32 $0xFFFFC180  }
0x4a: {  	[tilespmem:s19], [sflag:$0x1] =	stream.linear.gather [hbm4b:s12+s3], $0x3E8, $0x38;
	[tilespmem:$0x6A68] =	vst v63  }
0x4b: {  	_ =	swait.ge [sflag:s18], $0x3E8  }
0x4c: {  	[sflag:s18] =	ssyncset.done $0x0  }
0x4d: {  	[sflag:s18] =	ssyncadd.s32 $0xFFFFFC18  }
0x4e: {  	[spmem:s2] =	stream.indirect.scatter.add.f32 [tilespmem:s17], [sflag:$0x1], $0x10, s19, s20, $0xb8;
	[tilespmem:$0x6A68] =	vst v63  }
0x4f: {  	_ =	swait.ge [sflag:s18], $0x3E80  }
0x50: {  	[sflag:s18] =	ssyncset.done $0x0  }
0x51: {  	[sflag:s18] =	ssyncadd.s32 $0xFFFFC180  }
0x52: {  	[tilespmem:s19], [sflag:$0x1] =	stream.linear.gather [hbm4b:s13+s3], $0x3E8, $0x38;
	[tilespmem:$0x6A68] =	vst v63  }
0x53: {  	_ =	swait.ge [sflag:s18], $0x3E8  }
0x54: {  	[sflag:s18] =	ssyncset.done $0x0  }
0x55: {  	[sflag:s18] =	ssyncadd.s32 $0xFFFFFC18  }
0x56: {  	[spmem:s2] =	stream.indirect.scatter.add.f32 [tilespmem:s17], [sflag:$0x1], $0x10, s19, s20, $0xb8;
	[tilespmem:$0x6A68] =	vst v63  }
0x57: {  	_ =	swait.ge [sflag:s18], $0x3E80  }
0x58: {  	[sflag:s18] =	ssyncset.done $0x0  }
0x59: {  	[sflag:s18] =	ssyncadd.s32 $0xFFFFC180  }
0x5a: {  	[tilespmem:s19], [sflag:$0x1] =	stream.linear.gather [hbm4b:s14+s3], $0x3E8, $0x38;
	[tilespmem:$0x6A68] =	vst v63  }
0x5b: {  	_ =	swait.ge [sflag:s18], $0x3E8  }
0x5c: {  	[sflag:s18] =	ssyncset.done $0x0  }
0x5d: {  	[sflag:s18] =	ssyncadd.s32 $0xFFFFFC18  }
0x5e: {  	[spmem:s2] =	stream.indirect.scatter.add.f32 [tilespmem:s17], [sflag:$0x1], $0x10, s19, s20, $0xb8;
	[tilespmem:$0x6A68] =	vst v63  }
0x5f: {  	_ =	swait.ge [sflag:s18], $0x3E80  }
0x60: {  	[sflag:s18] =	ssyncset.done $0x0  }
0x61: {  	[sflag:s18] =	ssyncadd.s32 $0xFFFFC180  }
0x62: {  	[tilespmem:s19], [sflag:$0x1] =	stream.linear.gather [hbm4b:s15+s3], $0x3E8, $0x38;
	[tilespmem:$0x6A68] =	vst v63  }
0x63: {  	_ =	swait.ge [sflag:s18], $0x3E8  }
0x64: {  	[sflag:s18] =	ssyncset.done $0x0  }
0x65: {  	[sflag:s18] =	ssyncadd.s32 $0xFFFFFC18  }
0x66: {  	[spmem:s2] =	stream.indirect.scatter.add.f32 [tilespmem:s17], [sflag:$0x1], $0x10, s19, s20, $0xb8;
	[tilespmem:$0x6A68] =	vst v63  }
0x67: {  	_ =	swait.ge [sflag:s18], $0x3E80  }
0x68: {  	[sflag:s18] =	ssyncset.done $0x0  }
0x69: {  	[sflag:s18] =	ssyncadd.s32 $0xFFFFC180  }
0x6a: {  	[tilespmem:s19], [sflag:$0x1] =	stream.linear.gather [hbm4b:s16+s3], $0x3E8, $0x38;
	[tilespmem:$0x6A68] =	vst v63  }
0x6b: {  	_ =	swait.ge [sflag:s18], $0x3E8  }
0x6c: {  	[sflag:s18] =	ssyncset.done $0x0  }
0x6d: {  	[sflag:s18] =	ssyncadd.s32 $0xFFFFFC18  }
0x6e: {  	[spmem:s2] =	stream.indirect.scatter.add.f32 [tilespmem:s17], [sflag:$0x1], $0x10, s19, s20, $0xb8;
	[tilespmem:$0x6A68] =	vst v63  }
0x6f: {  	_ =	swait.ge [sflag:s18], $0x3E80  }
0x70: {  	s22 =	sshll.u32 s0, $0x6;
	s21 =	sadd.s32 $0x1, s21;
	[sflag:s18] =	ssyncset.done $0x0  }
0x71: {  	s31 =	sshrl.u32 s4, $0x3;
	p0 =	sne.s32 s21, s7;
	[sflag:s18] =	ssyncadd.s32 $0xFFFFC180  }
.Ltmp2:
0x72: {  	s22 =	sor.u32 $0x1C01, s22;
	[bflag:$0x0] =	sbarrier.arrive $0xFFFF;
	(pc) =	sbr.rel @p0 .LBB2_1-.Ltmp2, $4  }
0x73: {  	[hbm:s5], [sflag:s22] =	dma.local [spmem:s31], $0x500  }
0x74: {  	_ =	swait.ge [sflag:s18], $0x500  }
0x75: {  	[sflag:s18] =	ssyncset.done $0x0  }
0x76: {  	[sflag:s18] =	ssyncadd.s32 $0xFFFFFB00  }
0x77: {  	_ =	sfence.sel $0x180000  }
0x78: {  	[bflag:$0x0] =	sbarrier.arrive $0xFFFF  }
0x79: {  	p0 =	sne.s32 s0, $0x0;
	_ =	strace $0x9000004A  }
0x7a: {  	s0 =	sadd.s32 @!p0 $0x100000, s1;
	[bflag:$0x2] =	sbarrier.arrive $0xFFFF  }
0x7b: {  	[sflag:s0] =	ssyncadd.tile.s32 @!p0 $0x1;
	_ =	shalt  }
.Lfunc_end2:
_tile_overlayer_lowered:
.L_overlay_start_2:
0x7c: {  	(tag) =	ssettag $0x2  }
0x7d: {  	s0 =	rddreg [dreg:$0x0];
	s2 =	stileid.u32  }
0x7e: {  	s1 =	rddreg [dreg:$0x1];
	p0 =	sne.s32 s2, $0x0  }
0x7f: {  	s3 =	rddreg [dreg:$0x2];
	[bflag:$0x3] =	sbarrier.arrive $0xFFFF;
	s2 =	simm.s32 @!p0 $0x1C01  }
0x80: {  	[timem:s3], [sflag:s2] =	dma.local @!p0 [hbm:s0], s1  }
0x81: {  	s0 =	simm.s32 @!p0 $0x1  }
0x82: {  	_ =	swait.ge @!p0 [sflag:s0], s1  }
0x83: {  	s1 =	ssub.s32 @!p0 $0x0, s1;
	[sflag:s0] =	ssyncset.done @!p0 $0x0  }
0x84: {  	[sflag:s0] =	ssyncadd.s32 @!p0 s1  }
0x85: {  	[bflag:$0x3] =	sbarrier.arrive $0xFFFF  }
0x86: {  	_ =	shalt  }

// kernel: kernel.15.cloned.1.call-start
scs
__scs_entry_jumppad:
0x0: {  	(pc) =	sbr.rel $0x88, $3  }
0x1: {  	(tag) =	ssettag $0x0;
	lr =	simm.s32 $0x1  }
0x2: {  	[smem:$0x3F8E] =	sst lr;
	_ =	strace $0xD0000000  }
0x3: {  	_ = 	snop  }
0x4: {  	_ = 	snop  }
0x5: {  	_ = 	snop  }
0x6: {  	_ = 	snop  }
0x7: {  	_ = 	snop  }
__scs_overlays_trampoline_lowered:
0x8: {  	[smem:$0x3F9D] =	sst s0  }
0x9: {  	[smem:$0x3F9E] =	sst s1  }
0xa: {  	[smem:$0x3F9F] =	sst s2  }
0xb: {  	[smem:$0x3FA0] =	sst s3  }
0xc: {  	[smem:$0x3FA1] =	sst s4  }
0xd: {  	[smem:$0x3FA2] =	sst s5  }
0xe: {  	[smem:$0x3FA3] =	sst s6  }
0xf: {  	[smem:$0x3FA4] =	sst s7  }
0x10: {  	[smem:$0x3FA5] =	sst s8  }
0x11: {  	[smem:$0x3FA6] =	sst s9;
	s0 =	simm.s32 @!p0 $0x0  }
0x12: {  	s1 =	sld [smem:$0x3F8C];
	s0 =	simm.s32 @p0 $0x1  }
0x13: {  	[smem:$0x3FA7] =	sst s0;
	s0 =	simm.s32 @!p1 $0x0  }
0x14: {  	s2 =	sld [smem:$0x3F8B];
	s0 =	simm.s32 @p1 $0x1  }
0x15: {  	[smem:$0x3FA8] =	sst s0;
	s0 =	simm.s32 @!p2 $0x0  }
0x16: {  	s3 =	sld [smem:$0x3FDB];
	s0 =	simm.s32 @p2 $0x1  }
0x17: {  	s4 =	simm.s32 $0x1BF5;
	[smem:$0x3FAA] =	sst s0  }
0x18: {  	s0 =	sld [smem:$0x3F8D];
	_ =	swait.ge [sflag:s4], $0x0  }
0x19: {  	s7 =	sld [smem:$0x3F8E]  }
0x1a: {  	s8 =	sadd.s32 $0xFFFFE003, lr  }
0x1b: {  	s9 =	sadd.s32 $0xFFFFFEF7, lr;
	s5 =	simm.s32 $0xFFFFFFFF;
	p2 =	slt.u32 s8, $0xFFFFF086  }
0x1c: {  	p1 =	slt.u32 s9, $0xF7A;
	s5 =	simm.s32 @!p2 $0x0  }
0x1d: {  	s5 =	simm.s32 @p1 $0x1;
	p0 =	seq.s32 s7, s2  }
0x1e: {  	s7 =	smul.u32 @!p0 $0xF7A, s2;
	p2 =	seq.s32 @!p0 s5, $0x0  }
0x1f: {  	s9 =	smul.u32 $0xF7A, s1;
	s8 =	simm.s32 @!p0 $0x1BF5;
	p2 =	por !p2, p0  }
0x20: {  	[sflag:s8] =	ssyncset.s32 @!p0 $0xFFFFF086;
	s6 =	sadd.s32 @!p0 s3, s7;
	s7 =	simm.s32 @!p0 $0x108  }
0x21: {  	s3 =	sadd.s32 s3, s9;
	s6 =	sadd.s32 @!p0 $0x88, s6;
	s7 =	simm.s32 @p2 $0x1082  }
0x22: {  	[simem:s7], [sflag:s8] =	dma.local @!p0 [hbm:s6], $0xF7A  }
0x23: {  	s9 =	sor.u32 $0xD0000000, s2;
	s6 =	simm.s32 $0x108;
	_ =	swait.ge @!p0 [sflag:s8], $0x0  }
0x24: {  	s3 =	sadd.s32 $0x88, s3;
	s6 =	simm.s32 @!p1 $0x1082;
	[sflag:s4] =	ssyncset.s32 $0xFFFFF086  }
0x25: {  	[simem:s6], [sflag:s4] =	dma.local [hbm:s3], $0xF7A  }
0x26: {  	[smem:$0x3F8E] =	sst s1;
	(tag) =	ssettag s2;
	_ =	strace s9  }
0x27: {  	s1 =	sld [smem:$0x3F9E]  }
0x28: {  	s2 =	sld [smem:$0x3F9F]  }
0x29: {  	s4 =	sld [smem:$0x3FA1]  }
0x2a: {  	p0 =	seq.s32 s5, $0x0;
	s5 =	sld [smem:$0x3FA2]  }
0x2b: {  	s6 =	sld [smem:$0x3FA3]  }
0x2c: {  	s7 =	sld [smem:$0x3FA4]  }
0x2d: {  	s3 =	simm.s32 $0x108;
	s8 =	sld [smem:$0x3FA5]  }
0x2e: {  	s3 =	simm.s32 @!p0 $0x1082;
	s9 =	sld [smem:$0x3FA6]  }
0x2f: {  	lr =	sadd.s32 s0, s3;
	s0 =	sld [smem:$0x3F9D]  }
0x30: {  	s3 =	sld [smem:$0x3FA0]  }
0x31: {  	[smem:$0x3FA9] =	sst s10  }
0x32: {  	s10 =	sld [smem:$0x3FA7];
	_ =	sdelay $0x3  }
0x33: {  	p0 =	seq.s32 s10, $0x1;
	s10 =	sld [smem:$0x3FA9];
	_ =	sdelay $0x3  }
0x34: {  	[smem:$0x3FA9] =	sst s10  }
0x35: {  	s10 =	sld [smem:$0x3FA8];
	_ =	sdelay $0x3  }
0x36: {  	p1 =	seq.s32 s10, $0x1;
	s10 =	sld [smem:$0x3FA9];
	_ =	sdelay $0x3  }
0x37: {  	[smem:$0x3FA9] =	sst s10  }
0x38: {  	s10 =	sld [smem:$0x3FAA]  }
0x39: {  	_ = 	snop;
	(pc) =	sbr.ind lr, $3  }
0x3a: {  	_ = 	snop  }
0x3b: {  	_ = 	snop  }
0x3c: {  	p2 =	seq.s32 s10, $0x1;
	s10 =	sld [smem:$0x3FA9]  }
0x3d: {  	_ =	shalt  }
0x3e: {  	_ =	shalt  }
0x3f: {  	_ =	shalt  }
0x40: {  	_ =	shalt  }
0x41: {  	_ =	shalt  }
0x42: {  	_ =	shalt  }
0x43: {  	_ =	shalt  }
0x44: {  	_ =	shalt  }
0x45: {  	_ =	shalt  }
0x46: {  	_ =	shalt  }
0x47: {  	_ =	shalt  }
0x48: {  	_ =	shalt  }
0x49: {  	_ =	shalt  }
0x4a: {  	_ =	shalt  }
0x4b: {  	_ =	shalt  }
0x4c: {  	_ =	shalt  }
0x4d: {  	_ =	shalt  }
0x4e: {  	_ =	shalt  }
0x4f: {  	_ =	shalt  }
0x50: {  	_ =	shalt  }
0x51: {  	_ =	shalt  }
0x52: {  	_ =	shalt  }
0x53: {  	_ =	shalt  }
0x54: {  	_ =	shalt  }
0x55: {  	_ =	shalt  }
0x56: {  	_ =	shalt  }
0x57: {  	_ =	shalt  }
0x58: {  	_ =	shalt  }
0x59: {  	_ =	shalt  }
0x5a: {  	_ =	shalt  }
0x5b: {  	_ =	shalt  }
0x5c: {  	_ =	shalt  }
0x5d: {  	_ =	shalt  }
0x5e: {  	_ =	shalt  }
0x5f: {  	_ =	shalt  }
0x60: {  	_ =	shalt  }
0x61: {  	_ =	shalt  }
0x62: {  	_ =	shalt  }
0x63: {  	_ =	shalt  }
0x64: {  	_ =	shalt  }
0x65: {  	_ =	shalt  }
0x66: {  	_ =	shalt  }
0x67: {  	_ =	shalt  }
0x68: {  	_ =	shalt  }
0x69: {  	_ =	shalt  }
0x6a: {  	_ =	shalt  }
0x6b: {  	_ =	shalt  }
0x6c: {  	_ =	shalt  }
0x6d: {  	_ =	shalt  }
0x6e: {  	_ =	shalt  }
0x6f: {  	_ =	shalt  }
0x70: {  	_ =	shalt  }
0x71: {  	_ =	shalt  }
0x72: {  	_ =	shalt  }
0x73: {  	_ =	shalt  }
0x74: {  	_ =	shalt  }
0x75: {  	_ =	shalt  }
0x76: {  	_ =	shalt  }
0x77: {  	_ =	shalt  }
0x78: {  	_ =	shalt  }
0x79: {  	_ =	shalt  }
0x7a: {  	_ =	shalt  }
0x7b: {  	_ =	shalt  }
0x7c: {  	_ =	shalt  }
0x7d: {  	_ =	shalt  }
0x7e: {  	_ =	shalt  }
0x7f: {  	_ =	shalt  }
0x80: {  	_ =	shalt  }
0x81: {  	_ =	shalt  }
0x82: {  	_ =	shalt  }
0x83: {  	_ =	shalt  }
0x84: {  	_ =	shalt  }
0x85: {  	_ =	shalt  }
0x86: {  	_ =	shalt  }
0x87: {  	_ =	shalt  }
.Lfunc_end0:
.L_simem_size_0:
called_computation.1_lowered:
.L_overlay_start_0:
0x88: {  	s2 =	sld [smem:$0x3FD9]  }
0x89: {  	s3 =	sld [smem:$0x3FFE];
	_ =	sdelay $0x1  }
0x8a: {  	s1 =	srdreg.scid  }
0x8b: {  	s0 =	sand.u32 $0x1, s1  }
0x8c: {  	s16 =	sshll.u32 s0, $0xA;
	s2 =	sadd.s32 s3, s2  }
0x8d: {  	s2 =	sadd.s32 s2, s16  }
0x8e: {  	[smem:$0x3FB5] =	sst s2  }
0x8f: {  	_ = 	snop  }
0x90: {  	(tm) =	ssettm $0x1  }
0x91: {  	s17 =	sld [smem:$0x3FFB];
	_ =	sdelay $0x3  }
0x92: {  	_ =	strace s17  }
0x93: {  	s2 =	sld [smem:$0x3FFC];
	_ =	sdelay $0x3  }
0x94: {  	_ =	strace s2  }
0x95: {  	s2 =	sld [smem:$0x3FFD];
	_ =	sdelay $0x3  }
0x96: {  	_ =	strace s2  }
0x97: {  	_ =	strace $0x8FFFFFFF  }
0x98: {  	s18 =	sld [smem:$0x3FDB];
	_ =	sdelay $0x1  }
0x99: {  	s19 =	simm.s32 $_scs_section_size  }
0x9a: {  	s4 =	simm.s32 $_size__tile_overlayer_lowered;
	s5 =	simm.s32 $_tile_overlayer_lowered  }
0x9b: {  	s22 =	simm.s32 $0x1BFF;
	s21 =	sshll.u32 s5, $0x1;
	s2 =	sadd.s32 s19, s18  }
0x9c: {  	s6 =	simm.s32 $0x0;
	s20 =	sshll.u32 s4, $0x1;
	s4 =	sadd.s32 s21, s2  }
0x9d: {  	[timem:s6], [sflag:s22] =	dma.local [hbm:s4], s20  }
0x9e: {  	_ =	swait.ge [sflag:s22], s20  }
0x9f: {  	s3 =	ssub.s32 $0x0, s20;
	[sflag:s22] =	ssyncset.done $0x0  }
0xa0: {  	[sflag:s22] =	ssyncadd.s32 s3;
	_ =	sdelay $0x1  }
0xa1: {  	s23 =	simm.s32 $0x1B8B  }
0xa2: {  	_ =	swait.ge [sflag:s23], $0x1  }
0xa3: {  	[sflag:s23] =	ssyncset.done $0x0  }
0xa4: {  	s25 =	simm.s32 $0x1B8E;
	s24 =	sld [smem:$0x3FFE];
	[sflag:s23] =	ssyncadd.s32 $0xFFFFFFFF  }
0xa5: {  	s26 =	simm.s32 $execute0_lowered;
	[smem:$0x3FD2] =	sst s25  }
0xa6: {  	s4 =	sshll.u32 s26, $0x1;
	_ =	strace $0x80000046;
	[dreg:$0x1] =	wrdreg $0xFFFFFFFF  }
0xa7: {  	s28 =	simm.s32 $_size_execute0_lowered;
	s2 =	sadd.s32 s2, s4;
	[dreg:$0x0] =	wrdreg $0x0  }
0xa8: {  	s4 =	sshll.u32 s28, $0x1;
	[dreg:$0x2] =	wrdreg s2  }
0xa9: {  	[dreg:$0x3] =	wrdreg s4  }
0xaa: {  	[dreg:$0x4] =	wrdreg $0xC0  }
0xab: {  	_ =	task [dreg:s6], $0x5FFFF  }
0xac: {  	[dreg:$0x1] =	wrdreg $0xFFFFFFFF  }
0xad: {  	[dreg:$0x0] =	wrdreg $0x60  }
0xae: {  	[dreg:$0x2] =	wrdreg s24  }
0xaf: {  	[dreg:$0x3] =	wrdreg $0x0  }
0xb0: {  	[dreg:$0x4] =	wrdreg $0xA0000  }
0xb1: {  	[dreg:$0x5] =	wrdreg $0xA  }
0xb2: {  	_ =	task.clear_ibuf [dreg:s6], $0x6FFFF;
	_ =	strace $0x90000046  }
0xb3: {  	s29 =	simm.s32 $0xA;
	_ =	strace $0x80000048  }
0xb4: {  	_ =	swait.ge [sflag:s29], $0x1  }
0xb5: {  	[sflag:s29] =	ssyncadd.s32 $0xFFFFFFFF  }
0xb6: {  	_ =	strace $0x90000048  }
0xb7: {  	_ =	sfence  }
0xb8: {  	s30 =	sld [smem:$0x0];
	_ =	sdelay $0x2  }
0xb9: {  	s31 =	sshll.u32 s1, $0xD;
	s1 =	sshrl.u32 s1, $0x2  }
0xba: {  	s3 =	sand.u32 $0x4000, s31;
	s1 =	sadd.s32 s1, s30  }
0xbb: {  	s0 =	sor.u32 s3, s0;
	s1 =	sshll.u32 s1, $0x11  }
0xbc: {  	s0 =	sor.u32 s1, s0  }
0xbd: {  	s0 =	sadd.s32 $0x8F2B, s0  }
0xbe: {  	[sflag:s0] =	ssyncadd.remote.s32 $0x1  }
0xbf: {  	_ =	sfence.sel $0xFFFF  }
0xc0: {  	[dreg:$0x0] =	wrdreg $0xFFFFFFFF;
	(pc) =	sbr.abs _section_cstart, $3  }
0xc1: {  	[dreg:$0x1] =	wrdreg $0xFFFFFFFF  }
0xc2: {  	_ =	task.clear_ibuf [dreg:s6], $0x2FFFF;
	_ =	strace $0x9FFFFFFF  }
0xc3: {  	(tm) =	ssettm $0x7FFFFFFF  }
tec
execute0_lowered:
.L_overlay_start_1:
0x0: {  	(tag) =	ssettag $0x1  }
0x1: {  	s5 =	rddreg [dreg:$0x0]  }
0x2: {  	s2 =	rddreg [dreg:$0x1]  }
0x3: {  	s3 =	rddreg [dreg:$0x2]  }
0x4: {  	s0 =	rddreg [dreg:$0x3]  }
0x5: {  	s1 =	stileid.u32;
	s6 =	srdreg.scid  }
0x6: {  	s4 =	simm.s32 $0x0;
	s14 =	simm.s32 $0x2;
	s15 =	simm.s32 $0x14320  }
0x7: {  	s16 =	simm.s32 $0x14000;
	s17 =	simm.s32 $0x14190;
	s7 =	smul.u32 $0xA000, s1  }
0x8: {  	s18 =	simm.s32 $0x190;
	s19 =	simm.s32 $0x1;
	s9 =	smul.u32 $0x9C4, s1  }
0x9: {  	s21 =	simm.s32 $0x0;
	s6 =	sand.u32 $0x1, s6;
	s11 =	smul.u32 $0x28000, s1  }
0xa: {  	[smem:$0x7FF] =	sst s4;
	s8 =	smul.u32 $0xA0000, s6;
	s6 =	ssub.s32 $0x2, s6  }
0xb: {  	s30 =	sshll.u32 s1, $0x6;
	_ =	strace $0x80000047;
	s10 =	sshrl.u32 s6, $0x1  }
0xc: {  	s12 =	sadd.s32 s9, s5;
	s13 =	sadd.s32 s7, s2;
	s31 =	sshrl.u32 s11, $0x2  }
0xd: {  	s8 =	sadd.s32 s7, s8;
	s10 =	ssub.s32 s6, s10;
	s6 =	sor.u32 $0x1C02, s30  }
0xe: {  	s7 =	sadd.s32 s7, s3;
	s11 =	sadd.s32 $0x3600, s12;
	s12 =	sadd.s32 $0xD400, s12  }
0xf: {  	s13 =	sshrl.u32 s13, $0x3;
	s8 =	sshrl.u32 s8, $0x3;
	s10 =	smax.u32 s10, $0x1  }
0x10: {  	s20 =	sshrl.u32 s7, $0x3;
	s29 =	sadd.s32 s8, s5;
	s8 =	sadd.s32 s31, s3  }
0x11: {  	v0 =	vimm.f32 $0.0e+00;
	s5 =	sadd.s32 $0x17200, s29;
	s8 =	sadd.s32 $0x6400, s8;
	s9 =	sadd.s32 $0x3F200, s29  }
.LBB2_1:
0x12: {  	[spmem:s13], [sflag:s6] =	dma.local [hbm:s5], $0x1400  }
0x13: {  	_ =	swait.ge [sflag:s14], $0x1400  }
0x14: {  	[sflag:s14] =	ssyncset.done $0x0  }
0x15: {  	s23 =	simm.s32 $0x100;
	s22 =	simm.s32 $0x0;
	[sflag:s14] =	ssyncadd.s32 $0xFFFFEC00  }
.LBB2_2:
0x16: {  	p0 =	sne.s32 s23, $0x18F00;
	[tilespmem:s22+$0x14350] =	vst v0;
	s24 =	smov.u32 s23;
	s23 =	sadd.s32 $0x100, s23  }
.Ltmp0:
0x17: {  	[tilespmem:s22+$0x14340] =	vst v0;
	(pc) =	sbr.rel @p0 .LBB2_2-.Ltmp0, $3  }
0x18: {  	[tilespmem:s22+$0x14320] =	vst v0  }
0x19: {  	[tilespmem:s22+$0x14330] =	vst v0;
	_ =	sdelay $0x1  }
0x1a: {  	s22 =	sshra.s32 s24, $0x2  }
0x1b: {  	[tilespmem:s22+$0x14350] =	vst v0  }
0x1c: {  	[tilespmem:s22+$0x14340] =	vst v0  }
0x1d: {  	[tilespmem:s22+$0x14320] =	vst v0  }
0x1e: {  	[tilespmem:s22+$0x14330] =	vst v0  }
0x1f: {  	[spmem:s7] =	stream.linear.scatter [tilespmem:s15], [sflag:$0x2], $0x6400, $0x38;
	[tilespmem:$0x1A720] =	vst v63  }
0x20: {  	_ =	swait.ge [sflag:s14], $0x6400  }
0x21: {  	[sflag:s14] =	ssyncset.done $0x0  }
0x22: {  	[sflag:s14] =	ssyncadd.s32 $0xFFFF9C00  }
0x23: {  	[spmem:s8] =	stream.linear.scatter [tilespmem:s15], [sflag:$0x2], $0x3C00, $0x38;
	[tilespmem:$0x1A720] =	vst v63  }
0x24: {  	_ =	swait.ge [sflag:s14], $0x3C00  }
0x25: {  	[sflag:s14] =	ssyncset.done $0x0  }
0x26: {  	[sflag:s14] =	ssyncadd.s32 $0xFFFFC400  }
0x27: {  	s30 =	sadd.s32 $0x0, s12;
	[bflag:$0x0] =	sbarrier.arrive $0xFFFF  }
0x28: {  	[tilespmem:s16], [sflag:$0x2] =	stream.linear.gather [hbm4b:s30+s4], $0x190, $0x38;
	[tilespmem:$0x1A720] =	vst v63  }
0x29: {  	_ =	swait.ge [sflag:s14], $0x190  }
0x2a: {  	[sflag:s14] =	ssyncset.done $0x0  }
0x2b: {  	s31 =	sadd.s32 $0x0, s11;
	[sflag:s14] =	ssyncadd.s32 $0xFFFFFE70  }
0x2c: {  	[tilespmem:s17], [sflag:$0x2] =	stream.linear.gather [hbm4b:s31+s4], $0x190, $0x38;
	[tilespmem:$0x1A720] =	vst v63  }
0x2d: {  	_ =	swait.ge [sflag:s14], $0x190  }
0x2e: {  	[sflag:s14] =	ssyncset.done $0x0  }
0x2f: {  	[sflag:s14] =	ssyncadd.s32 $0xFFFFFE70  }
0x30: {  	[tilespmem:s15], [sflag:$0x1] =	stream.indirect.gather [spmem:s2], $0x40, s16, s18, $0xb8;
	[tilespmem:$0x1A720] =	vst v63  }
0x31: {  	_ =	swait.ge [sflag:s19], $0x6400  }
0x32: {  	[sflag:s19] =	ssyncset.done $0x0  }
0x33: {  	[sflag:s19] =	ssyncadd.s32 $0xFFFF9C00  }
0x34: {  	[spmem:s3] =	stream.indirect.scatter.add.f32 [tilespmem:s15], [sflag:$0x2], $0x40, s17, s18, $0xb8;
	[tilespmem:$0x1A720] =	vst v63  }
0x35: {  	_ =	swait.ge [sflag:s14], $0x6400  }
0x36: {  	s22 =	simm.s32 $0x32;
	s23 =	simm.s32 $0x64;
	[sflag:s14] =	ssyncset.done $0x0  }
.LBB2_4:
0x37: {  	s24 =	sadd.s32 s22, s12  }
0x38: {  	[sflag:s14] =	ssyncadd.s32 $0xFFFF9C00;
	s25 =	smov.u32 s23;
	s26 =	sadd.s32 $0x32, s23  }
0x39: {  	[tilespmem:s16], [sflag:$0x2] =	stream.linear.gather [hbm4b:s24+s4], $0x190, $0x38;
	[tilespmem:$0x1A720] =	vst v63  }
0x3a: {  	p0 =	sne.s32 s23, $0x992;
	_ =	swait.ge [sflag:s14], $0x190  }
0x3b: {  	[sflag:s14] =	ssyncset.done $0x0  }
0x3c: {  	s23 =	sadd.s32 s22, s11;
	s22 =	smov.u32 s25;
	[sflag:s14] =	ssyncadd.s32 $0xFFFFFE70  }
0x3d: {  	[tilespmem:s17], [sflag:$0x2] =	stream.linear.gather [hbm4b:s23+s4], $0x190, $0x38;
	[tilespmem:$0x1A720] =	vst v63  }
0x3e: {  	_ =	swait.ge [sflag:s14], $0x190  }
0x3f: {  	[sflag:s14] =	ssyncset.done $0x0  }
0x40: {  	[sflag:s14] =	ssyncadd.s32 $0xFFFFFE70  }
0x41: {  	[tilespmem:s15], [sflag:$0x1] =	stream.indirect.gather [spmem:s2], $0x40, s16, s18, $0xb8;
	[tilespmem:$0x1A720] =	vst v63  }
0x42: {  	_ =	swait.ge [sflag:s19], $0x6400  }
.Ltmp1:
0x43: {  	[sflag:s19] =	ssyncset.done $0x0;
	(pc) =	sbr.rel @p0 .LBB2_4-.Ltmp1, $4  }
0x44: {  	[sflag:s19] =	ssyncadd.s32 $0xFFFF9C00  }
0x45: {  	[spmem:s3] =	stream.indirect.scatter.add.f32 [tilespmem:s15], [sflag:$0x2], $0x40, s17, s18, $0xb8;
	[tilespmem:$0x1A720] =	vst v63  }
0x46: {  	_ =	swait.ge [sflag:s14], $0x6400  }
0x47: {  	s23 =	smov.u32 s26;
	[sflag:s14] =	ssyncset.done $0x0  }
0x48: {  	s23 =	sadd.s32 s22, s12;
	[sflag:s14] =	ssyncadd.s32 $0xFFFF9C00  }
0x49: {  	[tilespmem:s16], [sflag:$0x2] =	stream.linear.gather [hbm4b:s23+s4], $0x190, $0x38;
	[tilespmem:$0x1A720] =	vst v63  }
0x4a: {  	_ =	swait.ge [sflag:s14], $0x190  }
0x4b: {  	[sflag:s14] =	ssyncset.done $0x0  }
0x4c: {  	s31 =	sadd.s32 s22, s11;
	[sflag:s14] =	ssyncadd.s32 $0xFFFFFE70  }
0x4d: {  	[tilespmem:s17], [sflag:$0x2] =	stream.linear.gather [hbm4b:s31+s4], $0x190, $0x38;
	[tilespmem:$0x1A720] =	vst v63  }
0x4e: {  	_ =	swait.ge [sflag:s14], $0x190  }
0x4f: {  	[sflag:s14] =	ssyncset.done $0x0  }
0x50: {  	[sflag:s14] =	ssyncadd.s32 $0xFFFFFE70  }
0x51: {  	[tilespmem:s15], [sflag:$0x1] =	stream.indirect.gather [spmem:s2], $0x40, s16, s18, $0xb8;
	[tilespmem:$0x1A720] =	vst v63  }
0x52: {  	_ =	swait.ge [sflag:s19], $0x6400  }
0x53: {  	[sflag:s19] =	ssyncset.done $0x0  }
0x54: {  	[sflag:s19] =	ssyncadd.s32 $0xFFFF9C00  }
0x55: {  	[spmem:s3] =	stream.indirect.scatter.add.f32 [tilespmem:s15], [sflag:$0x2], $0x40, s17, s18, $0xb8;
	[tilespmem:$0x1A720] =	vst v63  }
0x56: {  	_ =	swait.ge [sflag:s14], $0x6400  }
0x57: {  	s21 =	sadd.s32 $0x1, s21;
	[sflag:s14] =	ssyncset.done $0x0  }
0x58: {  	p0 =	sne.s32 s21, s10;
	[sflag:s14] =	ssyncadd.s32 $0xFFFF9C00  }
.Ltmp2:
0x59: {  	[bflag:$0x0] =	sbarrier.arrive $0xFFFF;
	(pc) =	sbr.rel @p0 .LBB2_1-.Ltmp2, $4  }
0x5a: {  	[hbm:s9], [sflag:s6] =	dma.local [spmem:s20], $0x1400  }
0x5b: {  	_ =	swait.ge [sflag:s14], $0x1400  }
0x5c: {  	[sflag:s14] =	ssyncset.done $0x0  }
0x5d: {  	[sflag:s14] =	ssyncadd.s32 $0xFFFFEC00  }
0x5e: {  	_ =	sfence.sel $0x180000  }
0x5f: {  	[bflag:$0x0] =	sbarrier.arrive $0xFFFF  }
0x60: {  	p0 =	sne.s32 s1, $0x0;
	_ =	strace $0x90000047  }
0x61: {  	s0 =	sadd.s32 @!p0 $0x100000, s0;
	[bflag:$0x2] =	sbarrier.arrive $0xFFFF  }
0x62: {  	[sflag:s0] =	ssyncadd.tile.s32 @!p0 $0x1;
	_ =	shalt  }
.Lfunc_end2:
_tile_overlayer_lowered:
.L_overlay_start_2:
0x63: {  	(tag) =	ssettag $0x2  }
0x64: {  	s0 =	rddreg [dreg:$0x0];
	s2 =	stileid.u32  }
0x65: {  	s1 =	rddreg [dreg:$0x1];
	p0 =	sne.s32 s2, $0x0  }
0x66: {  	s3 =	rddreg [dreg:$0x2];
	[bflag:$0x3] =	sbarrier.arrive $0xFFFF;
	s2 =	simm.s32 @!p0 $0x1C02  }
0x67: {  	[timem:s3], [sflag:s2] =	dma.local @!p0 [hbm:s0], s1  }
0x68: {  	s0 =	simm.s32 @!p0 $0x2  }
0x69: {  	_ =	swait.ge @!p0 [sflag:s0], s1  }
0x6a: {  	s1 =	ssub.s32 @!p0 $0x0, s1;
	[sflag:s0] =	ssyncset.done @!p0 $0x0  }
0x6b: {  	[sflag:s0] =	ssyncadd.s32 @!p0 s1  }
0x6c: {  	[bflag:$0x3] =	sbarrier.arrive $0xFFFF  }
0x6d: {  	_ =	shalt  }

// kernel: kernel.18.cloned.1.call-start
scs
__scs_entry_jumppad:
0x0: {  	(pc) =	sbr.rel $0x88, $3  }
0x1: {  	(tag) =	ssettag $0x0;
	lr =	simm.s32 $0x1  }
0x2: {  	[smem:$0x3F8E] =	sst lr;
	_ =	strace $0xD0000000  }
0x3: {  	_ = 	snop  }
0x4: {  	_ = 	snop  }
0x5: {  	_ = 	snop  }
0x6: {  	_ = 	snop  }
0x7: {  	_ = 	snop  }
__scs_overlays_trampoline_lowered:
0x8: {  	[smem:$0x3F9D] =	sst s0  }
0x9: {  	[smem:$0x3F9E] =	sst s1  }
0xa: {  	[smem:$0x3F9F] =	sst s2  }
0xb: {  	[smem:$0x3FA0] =	sst s3  }
0xc: {  	[smem:$0x3FA1] =	sst s4  }
0xd: {  	[smem:$0x3FA2] =	sst s5  }
0xe: {  	[smem:$0x3FA3] =	sst s6  }
0xf: {  	[smem:$0x3FA4] =	sst s7  }
0x10: {  	[smem:$0x3FA5] =	sst s8  }
0x11: {  	[smem:$0x3FA6] =	sst s9;
	s0 =	simm.s32 @!p0 $0x0  }
0x12: {  	s1 =	sld [smem:$0x3F8C];
	s0 =	simm.s32 @p0 $0x1  }
0x13: {  	[smem:$0x3FA7] =	sst s0;
	s0 =	simm.s32 @!p1 $0x0  }
0x14: {  	s2 =	sld [smem:$0x3F8B];
	s0 =	simm.s32 @p1 $0x1  }
0x15: {  	[smem:$0x3FA8] =	sst s0;
	s0 =	simm.s32 @!p2 $0x0  }
0x16: {  	s3 =	sld [smem:$0x3FDB];
	s0 =	simm.s32 @p2 $0x1  }
0x17: {  	s4 =	simm.s32 $0x1BF5;
	[smem:$0x3FAA] =	sst s0  }
0x18: {  	s0 =	sld [smem:$0x3F8D];
	_ =	swait.ge [sflag:s4], $0x0  }
0x19: {  	s7 =	sld [smem:$0x3F8E]  }
0x1a: {  	s8 =	sadd.s32 $0xFFFFE003, lr  }
0x1b: {  	s9 =	sadd.s32 $0xFFFFFEF7, lr;
	s5 =	simm.s32 $0xFFFFFFFF;
	p2 =	slt.u32 s8, $0xFFFFF086  }
0x1c: {  	p1 =	slt.u32 s9, $0xF7A;
	s5 =	simm.s32 @!p2 $0x0  }
0x1d: {  	s5 =	simm.s32 @p1 $0x1;
	p0 =	seq.s32 s7, s2  }
0x1e: {  	s7 =	smul.u32 @!p0 $0xF7A, s2;
	p2 =	seq.s32 @!p0 s5, $0x0  }
0x1f: {  	s9 =	smul.u32 $0xF7A, s1;
	s8 =	simm.s32 @!p0 $0x1BF5;
	p2 =	por !p2, p0  }
0x20: {  	[sflag:s8] =	ssyncset.s32 @!p0 $0xFFFFF086;
	s6 =	sadd.s32 @!p0 s3, s7;
	s7 =	simm.s32 @!p0 $0x108  }
0x21: {  	s3 =	sadd.s32 s3, s9;
	s6 =	sadd.s32 @!p0 $0x88, s6;
	s7 =	simm.s32 @p2 $0x1082  }
0x22: {  	[simem:s7], [sflag:s8] =	dma.local @!p0 [hbm:s6], $0xF7A  }
0x23: {  	s9 =	sor.u32 $0xD0000000, s2;
	s6 =	simm.s32 $0x108;
	_ =	swait.ge @!p0 [sflag:s8], $0x0  }
0x24: {  	s3 =	sadd.s32 $0x88, s3;
	s6 =	simm.s32 @!p1 $0x1082;
	[sflag:s4] =	ssyncset.s32 $0xFFFFF086  }
0x25: {  	[simem:s6], [sflag:s4] =	dma.local [hbm:s3], $0xF7A  }
0x26: {  	[smem:$0x3F8E] =	sst s1;
	(tag) =	ssettag s2;
	_ =	strace s9  }
0x27: {  	s1 =	sld [smem:$0x3F9E]  }
0x28: {  	s2 =	sld [smem:$0x3F9F]  }
0x29: {  	s4 =	sld [smem:$0x3FA1]  }
0x2a: {  	p0 =	seq.s32 s5, $0x0;
	s5 =	sld [smem:$0x3FA2]  }
0x2b: {  	s6 =	sld [smem:$0x3FA3]  }
0x2c: {  	s7 =	sld [smem:$0x3FA4]  }
0x2d: {  	s3 =	simm.s32 $0x108;
	s8 =	sld [smem:$0x3FA5]  }
0x2e: {  	s3 =	simm.s32 @!p0 $0x1082;
	s9 =	sld [smem:$0x3FA6]  }
0x2f: {  	lr =	sadd.s32 s0, s3;
	s0 =	sld [smem:$0x3F9D]  }
0x30: {  	s3 =	sld [smem:$0x3FA0]  }
0x31: {  	[smem:$0x3FA9] =	sst s10  }
0x32: {  	s10 =	sld [smem:$0x3FA7];
	_ =	sdelay $0x3  }
0x33: {  	p0 =	seq.s32 s10, $0x1;
	s10 =	sld [smem:$0x3FA9];
	_ =	sdelay $0x3  }
0x34: {  	[smem:$0x3FA9] =	sst s10  }
0x35: {  	s10 =	sld [smem:$0x3FA8];
	_ =	sdelay $0x3  }
0x36: {  	p1 =	seq.s32 s10, $0x1;
	s10 =	sld [smem:$0x3FA9];
	_ =	sdelay $0x3  }
0x37: {  	[smem:$0x3FA9] =	sst s10  }
0x38: {  	s10 =	sld [smem:$0x3FAA]  }
0x39: {  	_ = 	snop;
	(pc) =	sbr.ind lr, $3  }
0x3a: {  	_ = 	snop  }
0x3b: {  	_ = 	snop  }
0x3c: {  	p2 =	seq.s32 s10, $0x1;
	s10 =	sld [smem:$0x3FA9]  }
0x3d: {  	_ =	shalt  }
0x3e: {  	_ =	shalt  }
0x3f: {  	_ =	shalt  }
0x40: {  	_ =	shalt  }
0x41: {  	_ =	shalt  }
0x42: {  	_ =	shalt  }
0x43: {  	_ =	shalt  }
0x44: {  	_ =	shalt  }
0x45: {  	_ =	shalt  }
0x46: {  	_ =	shalt  }
0x47: {  	_ =	shalt  }
0x48: {  	_ =	shalt  }
0x49: {  	_ =	shalt  }
0x4a: {  	_ =	shalt  }
0x4b: {  	_ =	shalt  }
0x4c: {  	_ =	shalt  }
0x4d: {  	_ =	shalt  }
0x4e: {  	_ =	shalt  }
0x4f: {  	_ =	shalt  }
0x50: {  	_ =	shalt  }
0x51: {  	_ =	shalt  }
0x52: {  	_ =	shalt  }
0x53: {  	_ =	shalt  }
0x54: {  	_ =	shalt  }
0x55: {  	_ =	shalt  }
0x56: {  	_ =	shalt  }
0x57: {  	_ =	shalt  }
0x58: {  	_ =	shalt  }
0x59: {  	_ =	shalt  }
0x5a: {  	_ =	shalt  }
0x5b: {  	_ =	shalt  }
0x5c: {  	_ =	shalt  }
0x5d: {  	_ =	shalt  }
0x5e: {  	_ =	shalt  }
0x5f: {  	_ =	shalt  }
0x60: {  	_ =	shalt  }
0x61: {  	_ =	shalt  }
0x62: {  	_ =	shalt  }
0x63: {  	_ =	shalt  }
0x64: {  	_ =	shalt  }
0x65: {  	_ =	shalt  }
0x66: {  	_ =	shalt  }
0x67: {  	_ =	shalt  }
0x68: {  	_ =	shalt  }
0x69: {  	_ =	shalt  }
0x6a: {  	_ =	shalt  }
0x6b: {  	_ =	shalt  }
0x6c: {  	_ =	shalt  }
0x6d: {  	_ =	shalt  }
0x6e: {  	_ =	shalt  }
0x6f: {  	_ =	shalt  }
0x70: {  	_ =	shalt  }
0x71: {  	_ =	shalt  }
0x72: {  	_ =	shalt  }
0x73: {  	_ =	shalt  }
0x74: {  	_ =	shalt  }
0x75: {  	_ =	shalt  }
0x76: {  	_ =	shalt  }
0x77: {  	_ =	shalt  }
0x78: {  	_ =	shalt  }
0x79: {  	_ =	shalt  }
0x7a: {  	_ =	shalt  }
0x7b: {  	_ =	shalt  }
0x7c: {  	_ =	shalt  }
0x7d: {  	_ =	shalt  }
0x7e: {  	_ =	shalt  }
0x7f: {  	_ =	shalt  }
0x80: {  	_ =	shalt  }
0x81: {  	_ =	shalt  }
0x82: {  	_ =	shalt  }
0x83: {  	_ =	shalt  }
0x84: {  	_ =	shalt  }
0x85: {  	_ =	shalt  }
0x86: {  	_ =	shalt  }
0x87: {  	_ =	shalt  }
.Lfunc_end0:
.L_simem_size_0:
called_computation.2_lowered:
.L_overlay_start_0:
0x88: {  	s2 =	sld [smem:$0x3FD9]  }
0x89: {  	s3 =	sld [smem:$0x3FFE];
	_ =	sdelay $0x1  }
0x8a: {  	s1 =	srdreg.scid  }
0x8b: {  	s0 =	sand.u32 $0x1, s1  }
0x8c: {  	s16 =	sshll.u32 s0, $0xA;
	s2 =	sadd.s32 s3, s2  }
0x8d: {  	s2 =	sadd.s32 s2, s16  }
0x8e: {  	[smem:$0x3FB5] =	sst s2  }
0x8f: {  	_ = 	snop  }
0x90: {  	(tm) =	ssettm $0x1  }
0x91: {  	s17 =	sld [smem:$0x3FFB];
	_ =	sdelay $0x3  }
0x92: {  	_ =	strace s17  }
0x93: {  	s2 =	sld [smem:$0x3FFC];
	_ =	sdelay $0x3  }
0x94: {  	_ =	strace s2  }
0x95: {  	s2 =	sld [smem:$0x3FFD];
	_ =	sdelay $0x3  }
0x96: {  	_ =	strace s2  }
0x97: {  	_ =	strace $0x8FFFFFFF  }
0x98: {  	s18 =	sld [smem:$0x3FDB];
	_ =	sdelay $0x1  }
0x99: {  	s19 =	simm.s32 $_scs_section_size  }
0x9a: {  	s4 =	simm.s32 $_size__tile_overlayer_lowered;
	s5 =	simm.s32 $_tile_overlayer_lowered  }
0x9b: {  	s22 =	simm.s32 $0x1BFF;
	s21 =	sshll.u32 s5, $0x1;
	s2 =	sadd.s32 s19, s18  }
0x9c: {  	s6 =	simm.s32 $0x0;
	s20 =	sshll.u32 s4, $0x1;
	s4 =	sadd.s32 s21, s2  }
0x9d: {  	[timem:s6], [sflag:s22] =	dma.local [hbm:s4], s20  }
0x9e: {  	_ =	swait.ge [sflag:s22], s20  }
0x9f: {  	s3 =	ssub.s32 $0x0, s20;
	[sflag:s22] =	ssyncset.done $0x0  }
0xa0: {  	[sflag:s22] =	ssyncadd.s32 s3;
	_ =	sdelay $0x1  }
0xa1: {  	s23 =	simm.s32 $0x1B8B  }
0xa2: {  	_ =	swait.ge [sflag:s23], $0x1  }
0xa3: {  	[sflag:s23] =	ssyncset.done $0x0  }
0xa4: {  	s25 =	simm.s32 $0x1B8E;
	s24 =	sld [smem:$0x3FFE];
	[sflag:s23] =	ssyncadd.s32 $0xFFFFFFFF  }
0xa5: {  	s26 =	simm.s32 $execute0_lowered;
	[smem:$0x3FD2] =	sst s25  }
0xa6: {  	s4 =	sshll.u32 s26, $0x1;
	_ =	strace $0x8000004C;
	[dreg:$0x1] =	wrdreg $0xFFFFFFFF  }
0xa7: {  	s28 =	simm.s32 $_size_execute0_lowered;
	s2 =	sadd.s32 s2, s4;
	[dreg:$0x0] =	wrdreg $0x0  }
0xa8: {  	s4 =	sshll.u32 s28, $0x1;
	[dreg:$0x2] =	wrdreg s2  }
0xa9: {  	[dreg:$0x3] =	wrdreg s4  }
0xaa: {  	[dreg:$0x4] =	wrdreg $0xC0  }
0xab: {  	_ =	task [dreg:s6], $0x5FFFF  }
0xac: {  	[dreg:$0x1] =	wrdreg $0xFFFFFFFF  }
0xad: {  	[dreg:$0x0] =	wrdreg $0x60  }
0xae: {  	[dreg:$0x2] =	wrdreg s24  }
0xaf: {  	[dreg:$0x3] =	wrdreg $0x0  }
0xb0: {  	[dreg:$0x4] =	wrdreg $0xA0000  }
0xb1: {  	[dreg:$0x5] =	wrdreg $0x9  }
0xb2: {  	_ =	task.clear_ibuf [dreg:s6], $0x6FFFF;
	_ =	strace $0x9000004C  }
0xb3: {  	s29 =	simm.s32 $0x9;
	_ =	strace $0x8000004E  }
0xb4: {  	_ =	swait.ge [sflag:s29], $0x1  }
0xb5: {  	[sflag:s29] =	ssyncadd.s32 $0xFFFFFFFF  }
0xb6: {  	_ =	strace $0x9000004E  }
0xb7: {  	_ =	sfence  }
0xb8: {  	s30 =	sld [smem:$0x0];
	_ =	sdelay $0x2  }
0xb9: {  	s31 =	sshll.u32 s1, $0xD;
	s1 =	sshrl.u32 s1, $0x2  }
0xba: {  	s3 =	sand.u32 $0x4000, s31;
	s1 =	sadd.s32 s1, s30  }
0xbb: {  	s0 =	sor.u32 s3, s0;
	s1 =	sshll.u32 s1, $0x11  }
0xbc: {  	s0 =	sor.u32 s1, s0  }
0xbd: {  	s0 =	sadd.s32 $0x8F2B, s0  }
0xbe: {  	[sflag:s0] =	ssyncadd.remote.s32 $0x1  }
0xbf: {  	_ =	sfence.sel $0xFFFF  }
0xc0: {  	[dreg:$0x0] =	wrdreg $0xFFFFFFFF;
	(pc) =	sbr.abs _section_cstart, $3  }
0xc1: {  	[dreg:$0x1] =	wrdreg $0xFFFFFFFF  }
0xc2: {  	_ =	task.clear_ibuf [dreg:s6], $0x2FFFF;
	_ =	strace $0x9FFFFFFF  }
0xc3: {  	(tm) =	ssettm $0x7FFFFFFF  }
tec
execute0_lowered:
.L_overlay_start_1:
0x0: {  	(tag) =	ssettag $0x1  }
0x1: {  	s5 =	rddreg [dreg:$0x0]  }
0x2: {  	s2 =	rddreg [dreg:$0x1]  }
0x3: {  	s3 =	rddreg [dreg:$0x2]  }
0x4: {  	s0 =	rddreg [dreg:$0x3]  }
0x5: {  	s1 =	stileid.u32;
	s6 =	srdreg.scid  }
0x6: {  	s4 =	simm.s32 $0x0;
	s14 =	simm.s32 $0x2;
	s15 =	simm.s32 $0x14320  }
0x7: {  	s16 =	simm.s32 $0x14000;
	s17 =	simm.s32 $0x14190;
	s7 =	smul.u32 $0xA000, s1  }
0x8: {  	s18 =	simm.s32 $0x190;
	s19 =	simm.s32 $0x1;
	s9 =	smul.u32 $0x9C4, s1  }
0x9: {  	s21 =	simm.s32 $0x0;
	s6 =	sand.u32 $0x1, s6;
	s11 =	smul.u32 $0x28000, s1  }
0xa: {  	[smem:$0x7FF] =	sst s4;
	s8 =	smul.u32 $0xA0000, s6;
	s6 =	ssub.s32 $0x2, s6  }
0xb: {  	s30 =	sshll.u32 s1, $0x6;
	_ =	strace $0x8000004D;
	s10 =	sshrl.u32 s6, $0x1  }
0xc: {  	s12 =	sadd.s32 s9, s5;
	s13 =	sadd.s32 s7, s2;
	s31 =	sshrl.u32 s11, $0x2  }
0xd: {  	s8 =	sadd.s32 s7, s8;
	s10 =	ssub.s32 s6, s10;
	s6 =	sor.u32 $0x1C02, s30  }
0xe: {  	s7 =	sadd.s32 s7, s3;
	s11 =	sadd.s32 $0x3600, s12;
	s12 =	sadd.s32 $0xD400, s12  }
0xf: {  	s13 =	sshrl.u32 s13, $0x3;
	s8 =	sshrl.u32 s8, $0x3;
	s10 =	smax.u32 s10, $0x1  }
0x10: {  	s20 =	sshrl.u32 s7, $0x3;
	s29 =	sadd.s32 s8, s5;
	s8 =	sadd.s32 s31, s3  }
0x11: {  	v0 =	vimm.f32 $0.0e+00;
	s5 =	sadd.s32 $0x65400, s29;
	s8 =	sadd.s32 $0x6400, s8;
	s9 =	sadd.s32 $0x8D400, s29  }
.LBB2_1:
0x12: {  	[spmem:s13], [sflag:s6] =	dma.local [hbm:s5], $0x1400  }
0x13: {  	_ =	swait.ge [sflag:s14], $0x1400  }
0x14: {  	[sflag:s14] =	ssyncset.done $0x0  }
0x15: {  	s23 =	simm.s32 $0x100;
	s22 =	simm.s32 $0x0;
	[sflag:s14] =	ssyncadd.s32 $0xFFFFEC00  }
.LBB2_2:
0x16: {  	p0 =	sne.s32 s23, $0x18F00;
	[tilespmem:s22+$0x14350] =	vst v0;
	s24 =	smov.u32 s23;
	s23 =	sadd.s32 $0x100, s23  }
.Ltmp0:
0x17: {  	[tilespmem:s22+$0x14340] =	vst v0;
	(pc) =	sbr.rel @p0 .LBB2_2-.Ltmp0, $3  }
0x18: {  	[tilespmem:s22+$0x14320] =	vst v0  }
0x19: {  	[tilespmem:s22+$0x14330] =	vst v0;
	_ =	sdelay $0x1  }
0x1a: {  	s22 =	sshra.s32 s24, $0x2  }
0x1b: {  	[tilespmem:s22+$0x14350] =	vst v0  }
0x1c: {  	[tilespmem:s22+$0x14340] =	vst v0  }
0x1d: {  	[tilespmem:s22+$0x14320] =	vst v0  }
0x1e: {  	[tilespmem:s22+$0x14330] =	vst v0  }
0x1f: {  	[spmem:s7] =	stream.linear.scatter [tilespmem:s15], [sflag:$0x2], $0x6400, $0x38;
	[tilespmem:$0x1A720] =	vst v63  }
0x20: {  	_ =	swait.ge [sflag:s14], $0x6400  }
0x21: {  	[sflag:s14] =	ssyncset.done $0x0  }
0x22: {  	[sflag:s14] =	ssyncadd.s32 $0xFFFF9C00  }
0x23: {  	[spmem:s8] =	stream.linear.scatter [tilespmem:s15], [sflag:$0x2], $0x3C00, $0x38;
	[tilespmem:$0x1A720] =	vst v63  }
0x24: {  	_ =	swait.ge [sflag:s14], $0x3C00  }
0x25: {  	[sflag:s14] =	ssyncset.done $0x0  }
0x26: {  	[sflag:s14] =	ssyncadd.s32 $0xFFFFC400  }
0x27: {  	s30 =	sadd.s32 $0x0, s12;
	[bflag:$0x0] =	sbarrier.arrive $0xFFFF  }
0x28: {  	[tilespmem:s16], [sflag:$0x2] =	stream.linear.gather [hbm4b:s30+s4], $0x190, $0x38;
	[tilespmem:$0x1A720] =	vst v63  }
0x29: {  	_ =	swait.ge [sflag:s14], $0x190  }
0x2a: {  	[sflag:s14] =	ssyncset.done $0x0  }
0x2b: {  	s31 =	sadd.s32 $0x0, s11;
	[sflag:s14] =	ssyncadd.s32 $0xFFFFFE70  }
0x2c: {  	[tilespmem:s17], [sflag:$0x2] =	stream.linear.gather [hbm4b:s31+s4], $0x190, $0x38;
	[tilespmem:$0x1A720] =	vst v63  }
0x2d: {  	_ =	swait.ge [sflag:s14], $0x190  }
0x2e: {  	[sflag:s14] =	ssyncset.done $0x0  }
0x2f: {  	[sflag:s14] =	ssyncadd.s32 $0xFFFFFE70  }
0x30: {  	[tilespmem:s15], [sflag:$0x1] =	stream.indirect.gather [spmem:s2], $0x40, s16, s18, $0xb8;
	[tilespmem:$0x1A720] =	vst v63  }
0x31: {  	_ =	swait.ge [sflag:s19], $0x6400  }
0x32: {  	[sflag:s19] =	ssyncset.done $0x0  }
0x33: {  	[sflag:s19] =	ssyncadd.s32 $0xFFFF9C00  }
0x34: {  	[spmem:s3] =	stream.indirect.scatter.add.f32 [tilespmem:s15], [sflag:$0x2], $0x40, s17, s18, $0xb8;
	[tilespmem:$0x1A720] =	vst v63  }
0x35: {  	_ =	swait.ge [sflag:s14], $0x6400  }
0x36: {  	s22 =	simm.s32 $0x32;
	s23 =	simm.s32 $0x64;
	[sflag:s14] =	ssyncset.done $0x0  }
.LBB2_4:
0x37: {  	s24 =	sadd.s32 s22, s12  }
0x38: {  	[sflag:s14] =	ssyncadd.s32 $0xFFFF9C00;
	s25 =	smov.u32 s23;
	s26 =	sadd.s32 $0x32, s23  }
0x39: {  	[tilespmem:s16], [sflag:$0x2] =	stream.linear.gather [hbm4b:s24+s4], $0x190, $0x38;
	[tilespmem:$0x1A720] =	vst v63  }
0x3a: {  	p0 =	sne.s32 s23, $0x992;
	_ =	swait.ge [sflag:s14], $0x190  }
0x3b: {  	[sflag:s14] =	ssyncset.done $0x0  }
0x3c: {  	s23 =	sadd.s32 s22, s11;
	s22 =	smov.u32 s25;
	[sflag:s14] =	ssyncadd.s32 $0xFFFFFE70  }
0x3d: {  	[tilespmem:s17], [sflag:$0x2] =	stream.linear.gather [hbm4b:s23+s4], $0x190, $0x38;
	[tilespmem:$0x1A720] =	vst v63  }
0x3e: {  	_ =	swait.ge [sflag:s14], $0x190  }
0x3f: {  	[sflag:s14] =	ssyncset.done $0x0  }
0x40: {  	[sflag:s14] =	ssyncadd.s32 $0xFFFFFE70  }
0x41: {  	[tilespmem:s15], [sflag:$0x1] =	stream.indirect.gather [spmem:s2], $0x40, s16, s18, $0xb8;
	[tilespmem:$0x1A720] =	vst v63  }
0x42: {  	_ =	swait.ge [sflag:s19], $0x6400  }
.Ltmp1:
0x43: {  	[sflag:s19] =	ssyncset.done $0x0;
	(pc) =	sbr.rel @p0 .LBB2_4-.Ltmp1, $4  }
0x44: {  	[sflag:s19] =	ssyncadd.s32 $0xFFFF9C00  }
0x45: {  	[spmem:s3] =	stream.indirect.scatter.add.f32 [tilespmem:s15], [sflag:$0x2], $0x40, s17, s18, $0xb8;
	[tilespmem:$0x1A720] =	vst v63  }
0x46: {  	_ =	swait.ge [sflag:s14], $0x6400  }
0x47: {  	s23 =	smov.u32 s26;
	[sflag:s14] =	ssyncset.done $0x0  }
0x48: {  	s23 =	sadd.s32 s22, s12;
	[sflag:s14] =	ssyncadd.s32 $0xFFFF9C00  }
0x49: {  	[tilespmem:s16], [sflag:$0x2] =	stream.linear.gather [hbm4b:s23+s4], $0x190, $0x38;
	[tilespmem:$0x1A720] =	vst v63  }
0x4a: {  	_ =	swait.ge [sflag:s14], $0x190  }
0x4b: {  	[sflag:s14] =	ssyncset.done $0x0  }
0x4c: {  	s31 =	sadd.s32 s22, s11;
	[sflag:s14] =	ssyncadd.s32 $0xFFFFFE70  }
0x4d: {  	[tilespmem:s17], [sflag:$0x2] =	stream.linear.gather [hbm4b:s31+s4], $0x190, $0x38;
	[tilespmem:$0x1A720] =	vst v63  }
0x4e: {  	_ =	swait.ge [sflag:s14], $0x190  }
0x4f: {  	[sflag:s14] =	ssyncset.done $0x0  }
0x50: {  	[sflag:s14] =	ssyncadd.s32 $0xFFFFFE70  }
0x51: {  	[tilespmem:s15], [sflag:$0x1] =	stream.indirect.gather [spmem:s2], $0x40, s16, s18, $0xb8;
	[tilespmem:$0x1A720] =	vst v63  }
0x52: {  	_ =	swait.ge [sflag:s19], $0x6400  }
0x53: {  	[sflag:s19] =	ssyncset.done $0x0  }
0x54: {  	[sflag:s19] =	ssyncadd.s32 $0xFFFF9C00  }
0x55: {  	[spmem:s3] =	stream.indirect.scatter.add.f32 [tilespmem:s15], [sflag:$0x2], $0x40, s17, s18, $0xb8;
	[tilespmem:$0x1A720] =	vst v63  }
0x56: {  	_ =	swait.ge [sflag:s14], $0x6400  }
0x57: {  	s21 =	sadd.s32 $0x1, s21;
	[sflag:s14] =	ssyncset.done $0x0  }
0x58: {  	p0 =	sne.s32 s21, s10;
	[sflag:s14] =	ssyncadd.s32 $0xFFFF9C00  }
.Ltmp2:
0x59: {  	[bflag:$0x0] =	sbarrier.arrive $0xFFFF;
	(pc) =	sbr.rel @p0 .LBB2_1-.Ltmp2, $4  }
0x5a: {  	[hbm:s9], [sflag:s6] =	dma.local [spmem:s20], $0x1400  }
0x5b: {  	_ =	swait.ge [sflag:s14], $0x1400  }
0x5c: {  	[sflag:s14] =	ssyncset.done $0x0  }
0x5d: {  	[sflag:s14] =	ssyncadd.s32 $0xFFFFEC00  }
0x5e: {  	_ =	sfence.sel $0x180000  }
0x5f: {  	[bflag:$0x0] =	sbarrier.arrive $0xFFFF  }
0x60: {  	p0 =	sne.s32 s1, $0x0;
	_ =	strace $0x9000004D  }
0x61: {  	s0 =	sadd.s32 @!p0 $0x100000, s0;
	[bflag:$0x2] =	sbarrier.arrive $0xFFFF  }
0x62: {  	[sflag:s0] =	ssyncadd.tile.s32 @!p0 $0x1;
	_ =	shalt  }
.Lfunc_end2:
_tile_overlayer_lowered:
.L_overlay_start_2:
0x63: {  	(tag) =	ssettag $0x2  }
0x64: {  	s0 =	rddreg [dreg:$0x0];
	s2 =	stileid.u32  }
0x65: {  	s1 =	rddreg [dreg:$0x1];
	p0 =	sne.s32 s2, $0x0  }
0x66: {  	s3 =	rddreg [dreg:$0x2];
	[bflag:$0x3] =	sbarrier.arrive $0xFFFF;
	s2 =	simm.s32 @!p0 $0x1C02  }
0x67: {  	[timem:s3], [sflag:s2] =	dma.local @!p0 [hbm:s0], s1  }
0x68: {  	s0 =	simm.s32 @!p0 $0x2  }
0x69: {  	_ =	swait.ge @!p0 [sflag:s0], s1  }
0x6a: {  	s1 =	ssub.s32 @!p0 $0x0, s1;
	[sflag:s0] =	ssyncset.done @!p0 $0x0  }
0x6b: {  	[sflag:s0] =	ssyncadd.s32 @!p0 s1  }
0x6c: {  	[bflag:$0x3] =	sbarrier.arrive $0xFFFF  }
0x6d: {  	_ =	shalt  }

// kernel: kernel.21.cloned.1.call-start
scs
__scs_entry_jumppad:
0x0: {  	(pc) =	sbr.rel $0x88, $3  }
0x1: {  	(tag) =	ssettag $0x0;
	lr =	simm.s32 $0x1  }
0x2: {  	[smem:$0x3F8E] =	sst lr;
	_ =	strace $0xD0000000  }
0x3: {  	_ = 	snop  }
0x4: {  	_ = 	snop  }
0x5: {  	_ = 	snop  }
0x6: {  	_ = 	snop  }
0x7: {  	_ = 	snop  }
__scs_overlays_trampoline_lowered:
0x8: {  	[smem:$0x3F9D] =	sst s0  }
0x9: {  	[smem:$0x3F9E] =	sst s1  }
0xa: {  	[smem:$0x3F9F] =	sst s2  }
0xb: {  	[smem:$0x3FA0] =	sst s3  }
0xc: {  	[smem:$0x3FA1] =	sst s4  }
0xd: {  	[smem:$0x3FA2] =	sst s5  }
0xe: {  	[smem:$0x3FA3] =	sst s6  }
0xf: {  	[smem:$0x3FA4] =	sst s7  }
0x10: {  	[smem:$0x3FA5] =	sst s8  }
0x11: {  	[smem:$0x3FA6] =	sst s9;
	s0 =	simm.s32 @!p0 $0x0  }
0x12: {  	s1 =	sld [smem:$0x3F8C];
	s0 =	simm.s32 @p0 $0x1  }
0x13: {  	[smem:$0x3FA7] =	sst s0;
	s0 =	simm.s32 @!p1 $0x0  }
0x14: {  	s2 =	sld [smem:$0x3F8B];
	s0 =	simm.s32 @p1 $0x1  }
0x15: {  	[smem:$0x3FA8] =	sst s0;
	s0 =	simm.s32 @!p2 $0x0  }
0x16: {  	s3 =	sld [smem:$0x3FDB];
	s0 =	simm.s32 @p2 $0x1  }
0x17: {  	s4 =	simm.s32 $0x1BF5;
	[smem:$0x3FAA] =	sst s0  }
0x18: {  	s0 =	sld [smem:$0x3F8D];
	_ =	swait.ge [sflag:s4], $0x0  }
0x19: {  	s7 =	sld [smem:$0x3F8E]  }
0x1a: {  	s8 =	sadd.s32 $0xFFFFE003, lr  }
0x1b: {  	s9 =	sadd.s32 $0xFFFFFEF7, lr;
	s5 =	simm.s32 $0xFFFFFFFF;
	p2 =	slt.u32 s8, $0xFFFFF086  }
0x1c: {  	p1 =	slt.u32 s9, $0xF7A;
	s5 =	simm.s32 @!p2 $0x0  }
0x1d: {  	s5 =	simm.s32 @p1 $0x1;
	p0 =	seq.s32 s7, s2  }
0x1e: {  	s7 =	smul.u32 @!p0 $0xF7A, s2;
	p2 =	seq.s32 @!p0 s5, $0x0  }
0x1f: {  	s9 =	smul.u32 $0xF7A, s1;
	s8 =	simm.s32 @!p0 $0x1BF5;
	p2 =	por !p2, p0  }
0x20: {  	[sflag:s8] =	ssyncset.s32 @!p0 $0xFFFFF086;
	s6 =	sadd.s32 @!p0 s3, s7;
	s7 =	simm.s32 @!p0 $0x108  }
0x21: {  	s3 =	sadd.s32 s3, s9;
	s6 =	sadd.s32 @!p0 $0x88, s6;
	s7 =	simm.s32 @p2 $0x1082  }
0x22: {  	[simem:s7], [sflag:s8] =	dma.local @!p0 [hbm:s6], $0xF7A  }
0x23: {  	s9 =	sor.u32 $0xD0000000, s2;
	s6 =	simm.s32 $0x108;
	_ =	swait.ge @!p0 [sflag:s8], $0x0  }
0x24: {  	s3 =	sadd.s32 $0x88, s3;
	s6 =	simm.s32 @!p1 $0x1082;
	[sflag:s4] =	ssyncset.s32 $0xFFFFF086  }
0x25: {  	[simem:s6], [sflag:s4] =	dma.local [hbm:s3], $0xF7A  }
0x26: {  	[smem:$0x3F8E] =	sst s1;
	(tag) =	ssettag s2;
	_ =	strace s9  }
0x27: {  	s1 =	sld [smem:$0x3F9E]  }
0x28: {  	s2 =	sld [smem:$0x3F9F]  }
0x29: {  	s4 =	sld [smem:$0x3FA1]  }
0x2a: {  	p0 =	seq.s32 s5, $0x0;
	s5 =	sld [smem:$0x3FA2]  }
0x2b: {  	s6 =	sld [smem:$0x3FA3]  }
0x2c: {  	s7 =	sld [smem:$0x3FA4]  }
0x2d: {  	s3 =	simm.s32 $0x108;
	s8 =	sld [smem:$0x3FA5]  }
0x2e: {  	s3 =	simm.s32 @!p0 $0x1082;
	s9 =	sld [smem:$0x3FA6]  }
0x2f: {  	lr =	sadd.s32 s0, s3;
	s0 =	sld [smem:$0x3F9D]  }
0x30: {  	s3 =	sld [smem:$0x3FA0]  }
0x31: {  	[smem:$0x3FA9] =	sst s10  }
0x32: {  	s10 =	sld [smem:$0x3FA7];
	_ =	sdelay $0x3  }
0x33: {  	p0 =	seq.s32 s10, $0x1;
	s10 =	sld [smem:$0x3FA9];
	_ =	sdelay $0x3  }
0x34: {  	[smem:$0x3FA9] =	sst s10  }
0x35: {  	s10 =	sld [smem:$0x3FA8];
	_ =	sdelay $0x3  }
0x36: {  	p1 =	seq.s32 s10, $0x1;
	s10 =	sld [smem:$0x3FA9];
	_ =	sdelay $0x3  }
0x37: {  	[smem:$0x3FA9] =	sst s10  }
0x38: {  	s10 =	sld [smem:$0x3FAA]  }
0x39: {  	_ = 	snop;
	(pc) =	sbr.ind lr, $3  }
0x3a: {  	_ = 	snop  }
0x3b: {  	_ = 	snop  }
0x3c: {  	p2 =	seq.s32 s10, $0x1;
	s10 =	sld [smem:$0x3FA9]  }
0x3d: {  	_ =	shalt  }
0x3e: {  	_ =	shalt  }
0x3f: {  	_ =	shalt  }
0x40: {  	_ =	shalt  }
0x41: {  	_ =	shalt  }
0x42: {  	_ =	shalt  }
0x43: {  	_ =	shalt  }
0x44: {  	_ =	shalt  }
0x45: {  	_ =	shalt  }
0x46: {  	_ =	shalt  }
0x47: {  	_ =	shalt  }
0x48: {  	_ =	shalt  }
0x49: {  	_ =	shalt  }
0x4a: {  	_ =	shalt  }
0x4b: {  	_ =	shalt  }
0x4c: {  	_ =	shalt  }
0x4d: {  	_ =	shalt  }
0x4e: {  	_ =	shalt  }
0x4f: {  	_ =	shalt  }
0x50: {  	_ =	shalt  }
0x51: {  	_ =	shalt  }
0x52: {  	_ =	shalt  }
0x53: {  	_ =	shalt  }
0x54: {  	_ =	shalt  }
0x55: {  	_ =	shalt  }
0x56: {  	_ =	shalt  }
0x57: {  	_ =	shalt  }
0x58: {  	_ =	shalt  }
0x59: {  	_ =	shalt  }
0x5a: {  	_ =	shalt  }
0x5b: {  	_ =	shalt  }
0x5c: {  	_ =	shalt  }
0x5d: {  	_ =	shalt  }
0x5e: {  	_ =	shalt  }
0x5f: {  	_ =	shalt  }
0x60: {  	_ =	shalt  }
0x61: {  	_ =	shalt  }
0x62: {  	_ =	shalt  }
0x63: {  	_ =	shalt  }
0x64: {  	_ =	shalt  }
0x65: {  	_ =	shalt  }
0x66: {  	_ =	shalt  }
0x67: {  	_ =	shalt  }
0x68: {  	_ =	shalt  }
0x69: {  	_ =	shalt  }
0x6a: {  	_ =	shalt  }
0x6b: {  	_ =	shalt  }
0x6c: {  	_ =	shalt  }
0x6d: {  	_ =	shalt  }
0x6e: {  	_ =	shalt  }
0x6f: {  	_ =	shalt  }
0x70: {  	_ =	shalt  }
0x71: {  	_ =	shalt  }
0x72: {  	_ =	shalt  }
0x73: {  	_ =	shalt  }
0x74: {  	_ =	shalt  }
0x75: {  	_ =	shalt  }
0x76: {  	_ =	shalt  }
0x77: {  	_ =	shalt  }
0x78: {  	_ =	shalt  }
0x79: {  	_ =	shalt  }
0x7a: {  	_ =	shalt  }
0x7b: {  	_ =	shalt  }
0x7c: {  	_ =	shalt  }
0x7d: {  	_ =	shalt  }
0x7e: {  	_ =	shalt  }
0x7f: {  	_ =	shalt  }
0x80: {  	_ =	shalt  }
0x81: {  	_ =	shalt  }
0x82: {  	_ =	shalt  }
0x83: {  	_ =	shalt  }
0x84: {  	_ =	shalt  }
0x85: {  	_ =	shalt  }
0x86: {  	_ =	shalt  }
0x87: {  	_ =	shalt  }
.Lfunc_end0:
.L_simem_size_0:
called_computation.3_lowered:
.L_overlay_start_0:
0x88: {  	s2 =	sld [smem:$0x3FD9]  }
0x89: {  	s3 =	sld [smem:$0x3FFE];
	_ =	sdelay $0x1  }
0x8a: {  	s1 =	srdreg.scid  }
0x8b: {  	s0 =	sand.u32 $0x1, s1  }
0x8c: {  	s16 =	sshll.u32 s0, $0xA;
	s2 =	sadd.s32 s3, s2  }
0x8d: {  	s2 =	sadd.s32 s2, s16  }
0x8e: {  	[smem:$0x3FB5] =	sst s2  }
0x8f: {  	_ = 	snop  }
0x90: {  	(tm) =	ssettm $0x1  }
0x91: {  	s17 =	sld [smem:$0x3FFB];
	_ =	sdelay $0x3  }
0x92: {  	_ =	strace s17  }
0x93: {  	s2 =	sld [smem:$0x3FFC];
	_ =	sdelay $0x3  }
0x94: {  	_ =	strace s2  }
0x95: {  	s2 =	sld [smem:$0x3FFD];
	_ =	sdelay $0x3  }
0x96: {  	_ =	strace s2  }
0x97: {  	_ =	strace $0x8FFFFFFF  }
0x98: {  	s18 =	sld [smem:$0x3FDB];
	_ =	sdelay $0x1  }
0x99: {  	s19 =	simm.s32 $_scs_section_size  }
0x9a: {  	s4 =	simm.s32 $_size__tile_overlayer_lowered;
	s5 =	simm.s32 $_tile_overlayer_lowered  }
0x9b: {  	s22 =	simm.s32 $0x1BFF;
	s21 =	sshll.u32 s5, $0x1;
	s2 =	sadd.s32 s19, s18  }
0x9c: {  	s6 =	simm.s32 $0x0;
	s20 =	sshll.u32 s4, $0x1;
	s4 =	sadd.s32 s21, s2  }
0x9d: {  	[timem:s6], [sflag:s22] =	dma.local [hbm:s4], s20  }
0x9e: {  	_ =	swait.ge [sflag:s22], s20  }
0x9f: {  	s3 =	ssub.s32 $0x0, s20;
	[sflag:s22] =	ssyncset.done $0x0  }
0xa0: {  	[sflag:s22] =	ssyncadd.s32 s3;
	_ =	sdelay $0x1  }
0xa1: {  	s23 =	simm.s32 $0x1B8B  }
0xa2: {  	_ =	swait.ge [sflag:s23], $0x1  }
0xa3: {  	[sflag:s23] =	ssyncset.done $0x0  }
0xa4: {  	s25 =	simm.s32 $0x1B8E;
	s24 =	sld [smem:$0x3FFE];
	[sflag:s23] =	ssyncadd.s32 $0xFFFFFFFF  }
0xa5: {  	s26 =	simm.s32 $execute0_lowered;
	[smem:$0x3FD2] =	sst s25  }
0xa6: {  	s4 =	sshll.u32 s26, $0x1;
	_ =	strace $0x8000004F;
	[dreg:$0x1] =	wrdreg $0xFFFFFFFF  }
0xa7: {  	s28 =	simm.s32 $_size_execute0_lowered;
	s2 =	sadd.s32 s2, s4;
	[dreg:$0x0] =	wrdreg $0x0  }
0xa8: {  	s4 =	sshll.u32 s28, $0x1;
	[dreg:$0x2] =	wrdreg s2  }
0xa9: {  	[dreg:$0x3] =	wrdreg s4  }
0xaa: {  	[dreg:$0x4] =	wrdreg $0xC0  }
0xab: {  	_ =	task [dreg:s6], $0x5FFFF  }
0xac: {  	[dreg:$0x1] =	wrdreg $0xFFFFFFFF  }
0xad: {  	[dreg:$0x0] =	wrdreg $0x60  }
0xae: {  	[dreg:$0x2] =	wrdreg s24  }
0xaf: {  	[dreg:$0x3] =	wrdreg $0x0  }
0xb0: {  	[dreg:$0x4] =	wrdreg $0xA0000  }
0xb1: {  	[dreg:$0x5] =	wrdreg $0x9  }
0xb2: {  	_ =	task.clear_ibuf [dreg:s6], $0x6FFFF;
	_ =	strace $0x9000004F  }
0xb3: {  	s29 =	simm.s32 $0x9;
	_ =	strace $0x80000051  }
0xb4: {  	_ =	swait.ge [sflag:s29], $0x1  }
0xb5: {  	[sflag:s29] =	ssyncadd.s32 $0xFFFFFFFF  }
0xb6: {  	_ =	strace $0x90000051  }
0xb7: {  	_ =	sfence  }
0xb8: {  	s30 =	sld [smem:$0x0];
	_ =	sdelay $0x2  }
0xb9: {  	s31 =	sshll.u32 s1, $0xD;
	s1 =	sshrl.u32 s1, $0x2  }
0xba: {  	s3 =	sand.u32 $0x4000, s31;
	s1 =	sadd.s32 s1, s30  }
0xbb: {  	s0 =	sor.u32 s3, s0;
	s1 =	sshll.u32 s1, $0x11  }
0xbc: {  	s0 =	sor.u32 s1, s0  }
0xbd: {  	s0 =	sadd.s32 $0x8F2B, s0  }
0xbe: {  	[sflag:s0] =	ssyncadd.remote.s32 $0x1  }
0xbf: {  	_ =	sfence.sel $0xFFFF  }
0xc0: {  	[dreg:$0x0] =	wrdreg $0xFFFFFFFF;
	(pc) =	sbr.abs _section_cstart, $3  }
0xc1: {  	[dreg:$0x1] =	wrdreg $0xFFFFFFFF  }
0xc2: {  	_ =	task.clear_ibuf [dreg:s6], $0x2FFFF;
	_ =	strace $0x9FFFFFFF  }
0xc3: {  	(tm) =	ssettm $0x7FFFFFFF  }
tec
execute0_lowered:
.L_overlay_start_1:
0x0: {  	(tag) =	ssettag $0x1  }
0x1: {  	s5 =	rddreg [dreg:$0x0]  }
0x2: {  	s2 =	rddreg [dreg:$0x1]  }
0x3: {  	s3 =	rddreg [dreg:$0x2]  }
0x4: {  	s0 =	rddreg [dreg:$0x3]  }
0x5: {  	s1 =	stileid.u32;
	s6 =	srdreg.scid  }
0x6: {  	s4 =	simm.s32 $0x0;
	s14 =	simm.s32 $0x2;
	s15 =	simm.s32 $0x14320  }
0x7: {  	s16 =	simm.s32 $0x14000;
	s17 =	simm.s32 $0x14190;
	s7 =	smul.u32 $0xA000, s1  }
0x8: {  	s18 =	simm.s32 $0x190;
	s19 =	simm.s32 $0x1;
	s9 =	smul.u32 $0x9C4, s1  }
0x9: {  	s21 =	simm.s32 $0x0;
	s6 =	sand.u32 $0x1, s6;
	s11 =	smul.u32 $0x28000, s1  }
0xa: {  	[smem:$0x7FF] =	sst s4;
	s8 =	smul.u32 $0xA0000, s6;
	s6 =	ssub.s32 $0x2, s6  }
0xb: {  	s30 =	sshll.u32 s1, $0x6;
	_ =	strace $0x80000050;
	s10 =	sshrl.u32 s6, $0x1  }
0xc: {  	s12 =	sadd.s32 s9, s5;
	s13 =	sadd.s32 s7, s2;
	s31 =	sshrl.u32 s11, $0x2  }
0xd: {  	s8 =	sadd.s32 s7, s8;
	s10 =	ssub.s32 s6, s10;
	s6 =	sor.u32 $0x1C02, s30  }
0xe: {  	s7 =	sadd.s32 s7, s3;
	s11 =	sadd.s32 $0x3600, s12;
	s12 =	sadd.s32 $0xD400, s12  }
0xf: {  	s13 =	sshrl.u32 s13, $0x3;
	s8 =	sshrl.u32 s8, $0x3;
	s10 =	smax.u32 s10, $0x1  }
0x10: {  	s20 =	sshrl.u32 s7, $0x3;
	s29 =	sadd.s32 s8, s5;
	s8 =	sadd.s32 s31, s3  }
0x11: {  	v0 =	vimm.f32 $0.0e+00;
	s5 =	sadd.s32 $0x65400, s29;
	s8 =	sadd.s32 $0x6400, s8;
	s9 =	sadd.s32 $0x8D400, s29  }
.LBB2_1:
0x12: {  	[spmem:s13], [sflag:s6] =	dma.local [hbm:s5], $0x1400  }
0x13: {  	_ =	swait.ge [sflag:s14], $0x1400  }
0x14: {  	[sflag:s14] =	ssyncset.done $0x0  }
0x15: {  	s23 =	simm.s32 $0x100;
	s22 =	simm.s32 $0x0;
	[sflag:s14] =	ssyncadd.s32 $0xFFFFEC00  }
.LBB2_2:
0x16: {  	p0 =	sne.s32 s23, $0x18F00;
	[tilespmem:s22+$0x14350] =	vst v0;
	s24 =	smov.u32 s23;
	s23 =	sadd.s32 $0x100, s23  }
.Ltmp0:
0x17: {  	[tilespmem:s22+$0x14340] =	vst v0;
	(pc) =	sbr.rel @p0 .LBB2_2-.Ltmp0, $3  }
0x18: {  	[tilespmem:s22+$0x14320] =	vst v0  }
0x19: {  	[tilespmem:s22+$0x14330] =	vst v0;
	_ =	sdelay $0x1  }
0x1a: {  	s22 =	sshra.s32 s24, $0x2  }
0x1b: {  	[tilespmem:s22+$0x14350] =	vst v0  }
0x1c: {  	[tilespmem:s22+$0x14340] =	vst v0  }
0x1d: {  	[tilespmem:s22+$0x14320] =	vst v0  }
0x1e: {  	[tilespmem:s22+$0x14330] =	vst v0  }
0x1f: {  	[spmem:s7] =	stream.linear.scatter [tilespmem:s15], [sflag:$0x2], $0x6400, $0x38;
	[tilespmem:$0x1A720] =	vst v63  }
0x20: {  	_ =	swait.ge [sflag:s14], $0x6400  }
0x21: {  	[sflag:s14] =	ssyncset.done $0x0  }
0x22: {  	[sflag:s14] =	ssyncadd.s32 $0xFFFF9C00  }
0x23: {  	[spmem:s8] =	stream.linear.scatter [tilespmem:s15], [sflag:$0x2], $0x3C00, $0x38;
	[tilespmem:$0x1A720] =	vst v63  }
0x24: {  	_ =	swait.ge [sflag:s14], $0x3C00  }
0x25: {  	[sflag:s14] =	ssyncset.done $0x0  }
0x26: {  	[sflag:s14] =	ssyncadd.s32 $0xFFFFC400  }
0x27: {  	s30 =	sadd.s32 $0x0, s12;
	[bflag:$0x0] =	sbarrier.arrive $0xFFFF  }
0x28: {  	[tilespmem:s16], [sflag:$0x2] =	stream.linear.gather [hbm4b:s30+s4], $0x190, $0x38;
	[tilespmem:$0x1A720] =	vst v63  }
0x29: {  	_ =	swait.ge [sflag:s14], $0x190  }
0x2a: {  	[sflag:s14] =	ssyncset.done $0x0  }
0x2b: {  	s31 =	sadd.s32 $0x0, s11;
	[sflag:s14] =	ssyncadd.s32 $0xFFFFFE70  }
0x2c: {  	[tilespmem:s17], [sflag:$0x2] =	stream.linear.gather [hbm4b:s31+s4], $0x190, $0x38;
	[tilespmem:$0x1A720] =	vst v63  }
0x2d: {  	_ =	swait.ge [sflag:s14], $0x190  }
0x2e: {  	[sflag:s14] =	ssyncset.done $0x0  }
0x2f: {  	[sflag:s14] =	ssyncadd.s32 $0xFFFFFE70  }
0x30: {  	[tilespmem:s15], [sflag:$0x1] =	stream.indirect.gather [spmem:s2], $0x40, s16, s18, $0xb8;
	[tilespmem:$0x1A720] =	vst v63  }
0x31: {  	_ =	swait.ge [sflag:s19], $0x6400  }
0x32: {  	[sflag:s19] =	ssyncset.done $0x0  }
0x33: {  	[sflag:s19] =	ssyncadd.s32 $0xFFFF9C00  }
0x34: {  	[spmem:s3] =	stream.indirect.scatter.add.f32 [tilespmem:s15], [sflag:$0x2], $0x40, s17, s18, $0xb8;
	[tilespmem:$0x1A720] =	vst v63  }
0x35: {  	_ =	swait.ge [sflag:s14], $0x6400  }
0x36: {  	s22 =	simm.s32 $0x32;
	s23 =	simm.s32 $0x64;
	[sflag:s14] =	ssyncset.done $0x0  }
.LBB2_4:
0x37: {  	s24 =	sadd.s32 s22, s12  }
0x38: {  	[sflag:s14] =	ssyncadd.s32 $0xFFFF9C00;
	s25 =	smov.u32 s23;
	s26 =	sadd.s32 $0x32, s23  }
0x39: {  	[tilespmem:s16], [sflag:$0x2] =	stream.linear.gather [hbm4b:s24+s4], $0x190, $0x38;
	[tilespmem:$0x1A720] =	vst v63  }
0x3a: {  	p0 =	sne.s32 s23, $0x992;
	_ =	swait.ge [sflag:s14], $0x190  }
0x3b: {  	[sflag:s14] =	ssyncset.done $0x0  }
0x3c: {  	s23 =	sadd.s32 s22, s11;
	s22 =	smov.u32 s25;
	[sflag:s14] =	ssyncadd.s32 $0xFFFFFE70  }
0x3d: {  	[tilespmem:s17], [sflag:$0x2] =	stream.linear.gather [hbm4b:s23+s4], $0x190, $0x38;
	[tilespmem:$0x1A720] =	vst v63  }
0x3e: {  	_ =	swait.ge [sflag:s14], $0x190  }
0x3f: {  	[sflag:s14] =	ssyncset.done $0x0  }
0x40: {  	[sflag:s14] =	ssyncadd.s32 $0xFFFFFE70  }
0x41: {  	[tilespmem:s15], [sflag:$0x1] =	stream.indirect.gather [spmem:s2], $0x40, s16, s18, $0xb8;
	[tilespmem:$0x1A720] =	vst v63  }
0x42: {  	_ =	swait.ge [sflag:s19], $0x6400  }
.Ltmp1:
0x43: {  	[sflag:s19] =	ssyncset.done $0x0;
	(pc) =	sbr.rel @p0 .LBB2_4-.Ltmp1, $4  }
0x44: {  	[sflag:s19] =	ssyncadd.s32 $0xFFFF9C00  }
0x45: {  	[spmem:s3] =	stream.indirect.scatter.add.f32 [tilespmem:s15], [sflag:$0x2], $0x40, s17, s18, $0xb8;
	[tilespmem:$0x1A720] =	vst v63  }
0x46: {  	_ =	swait.ge [sflag:s14], $0x6400  }
0x47: {  	s23 =	smov.u32 s26;
	[sflag:s14] =	ssyncset.done $0x0  }
0x48: {  	s23 =	sadd.s32 s22, s12;
	[sflag:s14] =	ssyncadd.s32 $0xFFFF9C00  }
0x49: {  	[tilespmem:s16], [sflag:$0x2] =	stream.linear.gather [hbm4b:s23+s4], $0x190, $0x38;
	[tilespmem:$0x1A720] =	vst v63  }
0x4a: {  	_ =	swait.ge [sflag:s14], $0x190  }
0x4b: {  	[sflag:s14] =	ssyncset.done $0x0  }
0x4c: {  	s31 =	sadd.s32 s22, s11;
	[sflag:s14] =	ssyncadd.s32 $0xFFFFFE70  }
0x4d: {  	[tilespmem:s17], [sflag:$0x2] =	stream.linear.gather [hbm4b:s31+s4], $0x190, $0x38;
	[tilespmem:$0x1A720] =	vst v63  }
0x4e: {  	_ =	swait.ge [sflag:s14], $0x190  }
0x4f: {  	[sflag:s14] =	ssyncset.done $0x0  }
0x50: {  	[sflag:s14] =	ssyncadd.s32 $0xFFFFFE70  }
0x51: {  	[tilespmem:s15], [sflag:$0x1] =	stream.indirect.gather [spmem:s2], $0x40, s16, s18, $0xb8;
	[tilespmem:$0x1A720] =	vst v63  }
0x52: {  	_ =	swait.ge [sflag:s19], $0x6400  }
0x53: {  	[sflag:s19] =	ssyncset.done $0x0  }
0x54: {  	[sflag:s19] =	ssyncadd.s32 $0xFFFF9C00  }
0x55: {  	[spmem:s3] =	stream.indirect.scatter.add.f32 [tilespmem:s15], [sflag:$0x2], $0x40, s17, s18, $0xb8;
	[tilespmem:$0x1A720] =	vst v63  }
0x56: {  	_ =	swait.ge [sflag:s14], $0x6400  }
0x57: {  	s21 =	sadd.s32 $0x1, s21;
	[sflag:s14] =	ssyncset.done $0x0  }
0x58: {  	p0 =	sne.s32 s21, s10;
	[sflag:s14] =	ssyncadd.s32 $0xFFFF9C00  }
.Ltmp2:
0x59: {  	[bflag:$0x0] =	sbarrier.arrive $0xFFFF;
	(pc) =	sbr.rel @p0 .LBB2_1-.Ltmp2, $4  }
0x5a: {  	[hbm:s9], [sflag:s6] =	dma.local [spmem:s20], $0x1400  }
0x5b: {  	_ =	swait.ge [sflag:s14], $0x1400  }
0x5c: {  	[sflag:s14] =	ssyncset.done $0x0  }
0x5d: {  	[sflag:s14] =	ssyncadd.s32 $0xFFFFEC00  }
0x5e: {  	_ =	sfence.sel $0x180000  }
0x5f: {  	[bflag:$0x0] =	sbarrier.arrive $0xFFFF  }
0x60: {  	p0 =	sne.s32 s1, $0x0;
	_ =	strace $0x90000050  }
0x61: {  	s0 =	sadd.s32 @!p0 $0x100000, s0;
	[bflag:$0x2] =	sbarrier.arrive $0xFFFF  }
0x62: {  	[sflag:s0] =	ssyncadd.tile.s32 @!p0 $0x1;
	_ =	shalt  }
.Lfunc_end2:
_tile_overlayer_lowered:
.L_overlay_start_2:
0x63: {  	(tag) =	ssettag $0x2  }
0x64: {  	s0 =	rddreg [dreg:$0x0];
	s2 =	stileid.u32  }
0x65: {  	s1 =	rddreg [dreg:$0x1];
	p0 =	sne.s32 s2, $0x0  }
0x66: {  	s3 =	rddreg [dreg:$0x2];
	[bflag:$0x3] =	sbarrier.arrive $0xFFFF;
	s2 =	simm.s32 @!p0 $0x1C02  }
0x67: {  	[timem:s3], [sflag:s2] =	dma.local @!p0 [hbm:s0], s1  }
0x68: {  	s0 =	simm.s32 @!p0 $0x2  }
0x69: {  	_ =	swait.ge @!p0 [sflag:s0], s1  }
0x6a: {  	s1 =	ssub.s32 @!p0 $0x0, s1;
	[sflag:s0] =	ssyncset.done @!p0 $0x0  }
0x6b: {  	[sflag:s0] =	ssyncadd.s32 @!p0 s1  }
0x6c: {  	[bflag:$0x3] =	sbarrier.arrive $0xFFFF  }
0x6d: {  	_ =	shalt  }

// kernel: kernel.24.cloned.1.call-start
scs
__scs_entry_jumppad:
0x0: {  	(pc) =	sbr.rel $0x88, $3  }
0x1: {  	(tag) =	ssettag $0x0;
	lr =	simm.s32 $0x1  }
0x2: {  	[smem:$0x3F8E] =	sst lr;
	_ =	strace $0xD0000000  }
0x3: {  	_ = 	snop  }
0x4: {  	_ = 	snop  }
0x5: {  	_ = 	snop  }
0x6: {  	_ = 	snop  }
0x7: {  	_ = 	snop  }
__scs_overlays_trampoline_lowered:
0x8: {  	[smem:$0x3F9D] =	sst s0  }
0x9: {  	[smem:$0x3F9E] =	sst s1  }
0xa: {  	[smem:$0x3F9F] =	sst s2  }
0xb: {  	[smem:$0x3FA0] =	sst s3  }
0xc: {  	[smem:$0x3FA1] =	sst s4  }
0xd: {  	[smem:$0x3FA2] =	sst s5  }
0xe: {  	[smem:$0x3FA3] =	sst s6  }
0xf: {  	[smem:$0x3FA4] =	sst s7  }
0x10: {  	[smem:$0x3FA5] =	sst s8  }
0x11: {  	[smem:$0x3FA6] =	sst s9;
	s0 =	simm.s32 @!p0 $0x0  }
0x12: {  	s1 =	sld [smem:$0x3F8C];
	s0 =	simm.s32 @p0 $0x1  }
0x13: {  	[smem:$0x3FA7] =	sst s0;
	s0 =	simm.s32 @!p1 $0x0  }
0x14: {  	s2 =	sld [smem:$0x3F8B];
	s0 =	simm.s32 @p1 $0x1  }
0x15: {  	[smem:$0x3FA8] =	sst s0;
	s0 =	simm.s32 @!p2 $0x0  }
0x16: {  	s3 =	sld [smem:$0x3FDB];
	s0 =	simm.s32 @p2 $0x1  }
0x17: {  	s4 =	simm.s32 $0x1BF5;
	[smem:$0x3FAA] =	sst s0  }
0x18: {  	s0 =	sld [smem:$0x3F8D];
	_ =	swait.ge [sflag:s4], $0x0  }
0x19: {  	s7 =	sld [smem:$0x3F8E]  }
0x1a: {  	s8 =	sadd.s32 $0xFFFFE003, lr  }
0x1b: {  	s9 =	sadd.s32 $0xFFFFFEF7, lr;
	s5 =	simm.s32 $0xFFFFFFFF;
	p2 =	slt.u32 s8, $0xFFFFF086  }
0x1c: {  	p1 =	slt.u32 s9, $0xF7A;
	s5 =	simm.s32 @!p2 $0x0  }
0x1d: {  	s5 =	simm.s32 @p1 $0x1;
	p0 =	seq.s32 s7, s2  }
0x1e: {  	s7 =	smul.u32 @!p0 $0xF7A, s2;
	p2 =	seq.s32 @!p0 s5, $0x0  }
0x1f: {  	s9 =	smul.u32 $0xF7A, s1;
	s8 =	simm.s32 @!p0 $0x1BF5;
	p2 =	por !p2, p0  }
0x20: {  	[sflag:s8] =	ssyncset.s32 @!p0 $0xFFFFF086;
	s6 =	sadd.s32 @!p0 s3, s7;
	s7 =	simm.s32 @!p0 $0x108  }
0x21: {  	s3 =	sadd.s32 s3, s9;
	s6 =	sadd.s32 @!p0 $0x88, s6;
	s7 =	simm.s32 @p2 $0x1082  }
0x22: {  	[simem:s7], [sflag:s8] =	dma.local @!p0 [hbm:s6], $0xF7A  }
0x23: {  	s9 =	sor.u32 $0xD0000000, s2;
	s6 =	simm.s32 $0x108;
	_ =	swait.ge @!p0 [sflag:s8], $0x0  }
0x24: {  	s3 =	sadd.s32 $0x88, s3;
	s6 =	simm.s32 @!p1 $0x1082;
	[sflag:s4] =	ssyncset.s32 $0xFFFFF086  }
0x25: {  	[simem:s6], [sflag:s4] =	dma.local [hbm:s3], $0xF7A  }
0x26: {  	[smem:$0x3F8E] =	sst s1;
	(tag) =	ssettag s2;
	_ =	strace s9  }
0x27: {  	s1 =	sld [smem:$0x3F9E]  }
0x28: {  	s2 =	sld [smem:$0x3F9F]  }
0x29: {  	s4 =	sld [smem:$0x3FA1]  }
0x2a: {  	p0 =	seq.s32 s5, $0x0;
	s5 =	sld [smem:$0x3FA2]  }
0x2b: {  	s6 =	sld [smem:$0x3FA3]  }
0x2c: {  	s7 =	sld [smem:$0x3FA4]  }
0x2d: {  	s3 =	simm.s32 $0x108;
	s8 =	sld [smem:$0x3FA5]  }
0x2e: {  	s3 =	simm.s32 @!p0 $0x1082;
	s9 =	sld [smem:$0x3FA6]  }
0x2f: {  	lr =	sadd.s32 s0, s3;
	s0 =	sld [smem:$0x3F9D]  }
0x30: {  	s3 =	sld [smem:$0x3FA0]  }
0x31: {  	[smem:$0x3FA9] =	sst s10  }
0x32: {  	s10 =	sld [smem:$0x3FA7];
	_ =	sdelay $0x3  }
0x33: {  	p0 =	seq.s32 s10, $0x1;
	s10 =	sld [smem:$0x3FA9];
	_ =	sdelay $0x3  }
0x34: {  	[smem:$0x3FA9] =	sst s10  }
0x35: {  	s10 =	sld [smem:$0x3FA8];
	_ =	sdelay $0x3  }
0x36: {  	p1 =	seq.s32 s10, $0x1;
	s10 =	sld [smem:$0x3FA9];
	_ =	sdelay $0x3  }
0x37: {  	[smem:$0x3FA9] =	sst s10  }
0x38: {  	s10 =	sld [smem:$0x3FAA]  }
0x39: {  	_ = 	snop;
	(pc) =	sbr.ind lr, $3  }
0x3a: {  	_ = 	snop  }
0x3b: {  	_ = 	snop  }
0x3c: {  	p2 =	seq.s32 s10, $0x1;
	s10 =	sld [smem:$0x3FA9]  }
0x3d: {  	_ =	shalt  }
0x3e: {  	_ =	shalt  }
0x3f: {  	_ =	shalt  }
0x40: {  	_ =	shalt  }
0x41: {  	_ =	shalt  }
0x42: {  	_ =	shalt  }
0x43: {  	_ =	shalt  }
0x44: {  	_ =	shalt  }
0x45: {  	_ =	shalt  }
0x46: {  	_ =	shalt  }
0x47: {  	_ =	shalt  }
0x48: {  	_ =	shalt  }
0x49: {  	_ =	shalt  }
0x4a: {  	_ =	shalt  }
0x4b: {  	_ =	shalt  }
0x4c: {  	_ =	shalt  }
0x4d: {  	_ =	shalt  }
0x4e: {  	_ =	shalt  }
0x4f: {  	_ =	shalt  }
0x50: {  	_ =	shalt  }
0x51: {  	_ =	shalt  }
0x52: {  	_ =	shalt  }
0x53: {  	_ =	shalt  }
0x54: {  	_ =	shalt  }
0x55: {  	_ =	shalt  }
0x56: {  	_ =	shalt  }
0x57: {  	_ =	shalt  }
0x58: {  	_ =	shalt  }
0x59: {  	_ =	shalt  }
0x5a: {  	_ =	shalt  }
0x5b: {  	_ =	shalt  }
0x5c: {  	_ =	shalt  }
0x5d: {  	_ =	shalt  }
0x5e: {  	_ =	shalt  }
0x5f: {  	_ =	shalt  }
0x60: {  	_ =	shalt  }
0x61: {  	_ =	shalt  }
0x62: {  	_ =	shalt  }
0x63: {  	_ =	shalt  }
0x64: {  	_ =	shalt  }
0x65: {  	_ =	shalt  }
0x66: {  	_ =	shalt  }
0x67: {  	_ =	shalt  }
0x68: {  	_ =	shalt  }
0x69: {  	_ =	shalt  }
0x6a: {  	_ =	shalt  }
0x6b: {  	_ =	shalt  }
0x6c: {  	_ =	shalt  }
0x6d: {  	_ =	shalt  }
0x6e: {  	_ =	shalt  }
0x6f: {  	_ =	shalt  }
0x70: {  	_ =	shalt  }
0x71: {  	_ =	shalt  }
0x72: {  	_ =	shalt  }
0x73: {  	_ =	shalt  }
0x74: {  	_ =	shalt  }
0x75: {  	_ =	shalt  }
0x76: {  	_ =	shalt  }
0x77: {  	_ =	shalt  }
0x78: {  	_ =	shalt  }
0x79: {  	_ =	shalt  }
0x7a: {  	_ =	shalt  }
0x7b: {  	_ =	shalt  }
0x7c: {  	_ =	shalt  }
0x7d: {  	_ =	shalt  }
0x7e: {  	_ =	shalt  }
0x7f: {  	_ =	shalt  }
0x80: {  	_ =	shalt  }
0x81: {  	_ =	shalt  }
0x82: {  	_ =	shalt  }
0x83: {  	_ =	shalt  }
0x84: {  	_ =	shalt  }
0x85: {  	_ =	shalt  }
0x86: {  	_ =	shalt  }
0x87: {  	_ =	shalt  }
.Lfunc_end0:
.L_simem_size_0:
called_computation.4_lowered:
.L_overlay_start_0:
0x88: {  	s2 =	sld [smem:$0x3FD9]  }
0x89: {  	s3 =	sld [smem:$0x3FFE];
	_ =	sdelay $0x1  }
0x8a: {  	s1 =	srdreg.scid  }
0x8b: {  	s0 =	sand.u32 $0x1, s1  }
0x8c: {  	s16 =	sshll.u32 s0, $0xA;
	s2 =	sadd.s32 s3, s2  }
0x8d: {  	s2 =	sadd.s32 s2, s16  }
0x8e: {  	[smem:$0x3FB5] =	sst s2  }
0x8f: {  	_ = 	snop  }
0x90: {  	(tm) =	ssettm $0x1  }
0x91: {  	s17 =	sld [smem:$0x3FFB];
	_ =	sdelay $0x3  }
0x92: {  	_ =	strace s17  }
0x93: {  	s2 =	sld [smem:$0x3FFC];
	_ =	sdelay $0x3  }
0x94: {  	_ =	strace s2  }
0x95: {  	s2 =	sld [smem:$0x3FFD];
	_ =	sdelay $0x3  }
0x96: {  	_ =	strace s2  }
0x97: {  	_ =	strace $0x8FFFFFFF  }
0x98: {  	s18 =	sld [smem:$0x3FDB];
	_ =	sdelay $0x1  }
0x99: {  	s19 =	simm.s32 $_scs_section_size  }
0x9a: {  	s4 =	simm.s32 $_size__tile_overlayer_lowered;
	s5 =	simm.s32 $_tile_overlayer_lowered  }
0x9b: {  	s22 =	simm.s32 $0x1BFF;
	s21 =	sshll.u32 s5, $0x1;
	s2 =	sadd.s32 s19, s18  }
0x9c: {  	s6 =	simm.s32 $0x0;
	s20 =	sshll.u32 s4, $0x1;
	s4 =	sadd.s32 s21, s2  }
0x9d: {  	[timem:s6], [sflag:s22] =	dma.local [hbm:s4], s20  }
0x9e: {  	_ =	swait.ge [sflag:s22], s20  }
0x9f: {  	s3 =	ssub.s32 $0x0, s20;
	[sflag:s22] =	ssyncset.done $0x0  }
0xa0: {  	[sflag:s22] =	ssyncadd.s32 s3;
	_ =	sdelay $0x1  }
0xa1: {  	s23 =	simm.s32 $0x1B8B  }
0xa2: {  	_ =	swait.ge [sflag:s23], $0x1  }
0xa3: {  	[sflag:s23] =	ssyncset.done $0x0  }
0xa4: {  	s25 =	simm.s32 $0x1B8E;
	s24 =	sld [smem:$0x3FFE];
	[sflag:s23] =	ssyncadd.s32 $0xFFFFFFFF  }
0xa5: {  	s26 =	simm.s32 $execute0_lowered;
	[smem:$0x3FD2] =	sst s25  }
0xa6: {  	s4 =	sshll.u32 s26, $0x1;
	_ =	strace $0x80000052;
	[dreg:$0x1] =	wrdreg $0xFFFFFFFF  }
0xa7: {  	s28 =	simm.s32 $_size_execute0_lowered;
	s2 =	sadd.s32 s2, s4;
	[dreg:$0x0] =	wrdreg $0x0  }
0xa8: {  	s4 =	sshll.u32 s28, $0x1;
	[dreg:$0x2] =	wrdreg s2  }
0xa9: {  	[dreg:$0x3] =	wrdreg s4  }
0xaa: {  	[dreg:$0x4] =	wrdreg $0xC0  }
0xab: {  	_ =	task [dreg:s6], $0x5FFFF  }
0xac: {  	[dreg:$0x1] =	wrdreg $0xFFFFFFFF  }
0xad: {  	[dreg:$0x0] =	wrdreg $0x60  }
0xae: {  	[dreg:$0x2] =	wrdreg s24  }
0xaf: {  	[dreg:$0x3] =	wrdreg $0x9  }
0xb0: {  	_ =	task.clear_ibuf [dreg:s6], $0x4FFFF;
	_ =	strace $0x90000052  }
0xb1: {  	s29 =	simm.s32 $0x9;
	_ =	strace $0x80000054  }
0xb2: {  	_ =	swait.ge [sflag:s29], $0x1  }
0xb3: {  	[sflag:s29] =	ssyncadd.s32 $0xFFFFFFFF  }
0xb4: {  	_ =	strace $0x90000054  }
0xb5: {  	_ =	sfence  }
0xb6: {  	s30 =	sld [smem:$0x0];
	_ =	sdelay $0x2  }
0xb7: {  	s31 =	sshll.u32 s1, $0xD;
	s1 =	sshrl.u32 s1, $0x2  }
0xb8: {  	s3 =	sand.u32 $0x4000, s31;
	s1 =	sadd.s32 s1, s30  }
0xb9: {  	s0 =	sor.u32 s3, s0;
	s1 =	sshll.u32 s1, $0x11  }
0xba: {  	s0 =	sor.u32 s1, s0  }
0xbb: {  	s0 =	sadd.s32 $0x8F2B, s0  }
0xbc: {  	[sflag:s0] =	ssyncadd.remote.s32 $0x1  }
0xbd: {  	_ =	sfence.sel $0xFFFF  }
0xbe: {  	[dreg:$0x0] =	wrdreg $0xFFFFFFFF;
	(pc) =	sbr.abs _section_cstart, $3  }
0xbf: {  	[dreg:$0x1] =	wrdreg $0xFFFFFFFF  }
0xc0: {  	_ =	task.clear_ibuf [dreg:s6], $0x2FFFF;
	_ =	strace $0x9FFFFFFF  }
0xc1: {  	(tm) =	ssettm $0x7FFFFFFF  }
tec
execute0_lowered:
.L_overlay_start_1:
0x0: {  	(tag) =	ssettag $0x1  }
0x1: {  	s1 =	srdreg.scid  }
0x2: {  	s0 =	stileid.u32;
	s13 =	sand.u32 $0x1, s1  }
0x3: {  	s31 =	sshll.u32 s0, $0xC;
	s2 =	sshll.u32 s13, $0xB  }
0x4: {  	s9 =	rddreg [dreg:$0x0];
	s10 =	sor.u32 s2, s31  }
0x5: {  	s1 =	rddreg [dreg:$0x1];
	s2 =	simm.s32 $0x0;
	s3 =	sshrl.u32 s10, $0x3  }
0x6: {  	[smem:$0x7FF] =	sst s2;
	s3 =	sadd.s32 s3, s9  }
0x7: {  	_ =	strace $0x80000053;
	s4 =	sadd.s32 $0xB5400, s3;
	s3 =	simm.s32 $0x2  }
0x8: {  	[tilespmem:s2], [sflag:$0x2] =	stream.linear.gather [hbm4b:s4+s2], $0x800, $0x38;
	[tilespmem:$0x10800] =	vst v63  }
0x9: {  	_ =	swait.ge [sflag:s3], $0x800  }
0xa: {  	s6 =	simm.s32 $0x200;
	s7 =	simm.s32 $0x800;
	[sflag:s3] =	ssyncset.done $0x0  }
0xb: {  	s8 =	simm.s32 $0x1;
	s5 =	sadd.s32 $0x3600, s9;
	[sflag:s3] =	ssyncadd.s32 $0xFFFFF800  }
0xc: {  	[tilespmem:s7], [sflag:$0x1] =	stream.indirect.gather [hbm4b:s5+s6], $0x80, s2, s6, $0xb8;
	[tilespmem:$0x10800] =	vst v63  }
0xd: {  	s10 =	sshll.u32 s10, $0x4;
	_ =	swait.ge [sflag:s8], $0x10000  }
0xe: {  	s14 =	sadd.s32 s10, s9;
	[sflag:s8] =	ssyncset.done $0x0  }
0xf: {  	s9 =	sadd.s32 $0xB7400, s14;
	[sflag:s8] =	ssyncadd.s32 $0xFFFF0000  }
0x10: {  	[hbm4b:s9+s2] =	stream.linear.scatter [tilespmem:s7], [sflag:$0x2], $0x10000, $0x38;
	[tilespmem:$0x10800] =	vst v63  }
0x11: {  	_ =	swait.ge [sflag:s3], $0x10000  }
0x12: {  	[sflag:s3] =	ssyncset.done $0x0  }
0x13: {  	[sflag:s3] =	ssyncadd.s32 $0xFFFF0000  }
0x14: {  	[tilespmem:s7], [sflag:$0x1] =	stream.indirect.gather [hbm4b:s5+s6], $0x80, s6, s6, $0xb8;
	[tilespmem:$0x10800] =	vst v63  }
0x15: {  	_ =	swait.ge [sflag:s8], $0x10000  }
0x16: {  	[sflag:s8] =	ssyncset.done $0x0  }
0x17: {  	s10 =	sadd.s32 $0xB9400, s14;
	[sflag:s8] =	ssyncadd.s32 $0xFFFF0000  }
0x18: {  	[hbm4b:s10+s2] =	stream.linear.scatter [tilespmem:s7], [sflag:$0x2], $0x10000, $0x38;
	[tilespmem:$0x10800] =	vst v63  }
0x19: {  	_ =	swait.ge [sflag:s3], $0x10000  }
0x1a: {  	[sflag:s3] =	ssyncset.done $0x0  }
0x1b: {  	s11 =	simm.s32 $0x400;
	[sflag:s3] =	ssyncadd.s32 $0xFFFF0000  }
0x1c: {  	[tilespmem:s7], [sflag:$0x1] =	stream.indirect.gather [hbm4b:s5+s6], $0x80, s11, s6, $0xb8;
	[tilespmem:$0x10800] =	vst v63  }
0x1d: {  	_ =	swait.ge [sflag:s8], $0x10000  }
0x1e: {  	[sflag:s8] =	ssyncset.done $0x0  }
0x1f: {  	s15 =	ssub.s32 $0x2, s13;
	s12 =	sadd.s32 $0xBB400, s14;
	[sflag:s8] =	ssyncadd.s32 $0xFFFF0000  }
0x20: {  	[hbm4b:s12+s2] =	stream.linear.scatter [tilespmem:s7], [sflag:$0x2], $0x10000, $0x38;
	[tilespmem:$0x10800] =	vst v63  }
0x21: {  	s16 =	sshrl.u32 s15, $0x1;
	_ =	swait.ge [sflag:s3], $0x10000  }
0x22: {  	s15 =	ssub.s32 s15, s16;
	[sflag:s3] =	ssyncset.done $0x0  }
0x23: {  	s13 =	simm.s32 $0x600;
	s15 =	smax.u32 s15, $0x1;
	[sflag:s3] =	ssyncadd.s32 $0xFFFF0000  }
0x24: {  	[tilespmem:s7], [sflag:$0x1] =	stream.indirect.gather [hbm4b:s5+s6], $0x80, s13, s6, $0xb8;
	[tilespmem:$0x10800] =	vst v63  }
0x25: {  	p0 =	sne.s32 s15, $0x1;
	_ =	swait.ge [sflag:s8], $0x10000  }
.Ltmp0:
0x26: {  	[sflag:s8] =	ssyncset.done $0x0;
	(pc) =	sbr.rel @!p0 .LBB2_2-.Ltmp0, $4  }
0x27: {  	s14 =	sadd.s32 $0xBD400, s14;
	[sflag:s8] =	ssyncadd.s32 $0xFFFF0000  }
0x28: {  	[hbm4b:s14+s2] =	stream.linear.scatter [tilespmem:s7], [sflag:$0x2], $0x10000, $0x38;
	[tilespmem:$0x10800] =	vst v63  }
0x29: {  	_ =	swait.ge [sflag:s3], $0x10000  }
0x2a: {  	s15 =	sadd.s32 $0xFFFFFFFF, s15;
	[sflag:s3] =	ssyncset.done $0x0  }
.LBB2_1:
0x2b: {  	p0 =	sne.s32 s15, $0x1;
	s15 =	sadd.s32 $0xFFFFFFFF, s15;
	[sflag:s3] =	ssyncadd.s32 $0xFFFF0000  }
0x2c: {  	[tilespmem:s2], [sflag:$0x2] =	stream.linear.gather [hbm4b:s4+s2], $0x800, $0x38;
	[tilespmem:$0x10800] =	vst v63  }
0x2d: {  	_ =	swait.ge [sflag:s3], $0x800  }
0x2e: {  	[sflag:s3] =	ssyncset.done $0x0  }
0x2f: {  	[sflag:s3] =	ssyncadd.s32 $0xFFFFF800  }
0x30: {  	[tilespmem:s7], [sflag:$0x1] =	stream.indirect.gather [hbm4b:s5+s6], $0x80, s2, s6, $0xb8;
	[tilespmem:$0x10800] =	vst v63  }
0x31: {  	_ =	swait.ge [sflag:s8], $0x10000  }
0x32: {  	[sflag:s8] =	ssyncset.done $0x0  }
0x33: {  	[sflag:s8] =	ssyncadd.s32 $0xFFFF0000  }
0x34: {  	[hbm4b:s9+s2] =	stream.linear.scatter [tilespmem:s7], [sflag:$0x2], $0x10000, $0x38;
	[tilespmem:$0x10800] =	vst v63  }
0x35: {  	_ =	swait.ge [sflag:s3], $0x10000  }
0x36: {  	[sflag:s3] =	ssyncset.done $0x0  }
0x37: {  	[sflag:s3] =	ssyncadd.s32 $0xFFFF0000  }
0x38: {  	[tilespmem:s7], [sflag:$0x1] =	stream.indirect.gather [hbm4b:s5+s6], $0x80, s6, s6, $0xb8;
	[tilespmem:$0x10800] =	vst v63  }
0x39: {  	_ =	swait.ge [sflag:s8], $0x10000  }
0x3a: {  	[sflag:s8] =	ssyncset.done $0x0  }
0x3b: {  	[sflag:s8] =	ssyncadd.s32 $0xFFFF0000  }
0x3c: {  	[hbm4b:s10+s2] =	stream.linear.scatter [tilespmem:s7], [sflag:$0x2], $0x10000, $0x38;
	[tilespmem:$0x10800] =	vst v63  }
0x3d: {  	_ =	swait.ge [sflag:s3], $0x10000  }
0x3e: {  	[sflag:s3] =	ssyncset.done $0x0  }
0x3f: {  	[sflag:s3] =	ssyncadd.s32 $0xFFFF0000  }
0x40: {  	[tilespmem:s7], [sflag:$0x1] =	stream.indirect.gather [hbm4b:s5+s6], $0x80, s11, s6, $0xb8;
	[tilespmem:$0x10800] =	vst v63  }
0x41: {  	_ =	swait.ge [sflag:s8], $0x10000  }
0x42: {  	[sflag:s8] =	ssyncset.done $0x0  }
0x43: {  	[sflag:s8] =	ssyncadd.s32 $0xFFFF0000  }
0x44: {  	[hbm4b:s12+s2] =	stream.linear.scatter [tilespmem:s7], [sflag:$0x2], $0x10000, $0x38;
	[tilespmem:$0x10800] =	vst v63  }
0x45: {  	_ =	swait.ge [sflag:s3], $0x10000  }
0x46: {  	[sflag:s3] =	ssyncset.done $0x0  }
0x47: {  	[sflag:s3] =	ssyncadd.s32 $0xFFFF0000  }
0x48: {  	[tilespmem:s7], [sflag:$0x1] =	stream.indirect.gather [hbm4b:s5+s6], $0x80, s13, s6, $0xb8;
	[tilespmem:$0x10800] =	vst v63  }
0x49: {  	_ =	swait.ge [sflag:s8], $0x10000  }
.Ltmp1:
0x4a: {  	[sflag:s8] =	ssyncset.done $0x0;
	(pc) =	sbr.rel @p0 .LBB2_1-.Ltmp1, $4  }
0x4b: {  	[sflag:s8] =	ssyncadd.s32 $0xFFFF0000  }
0x4c: {  	[hbm4b:s14+s2] =	stream.linear.scatter [tilespmem:s7], [sflag:$0x2], $0x10000, $0x38;
	[tilespmem:$0x10800] =	vst v63  }
0x4d: {  	_ =	swait.ge [sflag:s3], $0x10000  }
0x4e: {  	[sflag:s3] =	ssyncset.done $0x0  }
.LBB2_2:
0x4f: {  	[sflag:s3] =	ssyncadd.s32 $0xFFFF0000  }
0x50: {  	_ =	sfence.sel $0x180000  }
0x51: {  	[bflag:$0x0] =	sbarrier.arrive $0xFFFF  }
0x52: {  	p0 =	sne.s32 s0, $0x0;
	_ =	strace $0x90000053  }
0x53: {  	s0 =	sadd.s32 @!p0 $0x100000, s1;
	[bflag:$0x2] =	sbarrier.arrive $0xFFFF  }
0x54: {  	[sflag:s0] =	ssyncadd.tile.s32 @!p0 $0x1;
	_ =	shalt  }
.Lfunc_end2:
_tile_overlayer_lowered:
.L_overlay_start_2:
0x55: {  	(tag) =	ssettag $0x2  }
0x56: {  	s0 =	rddreg [dreg:$0x0];
	s2 =	stileid.u32  }
0x57: {  	s1 =	rddreg [dreg:$0x1];
	p0 =	sne.s32 s2, $0x0  }
0x58: {  	s3 =	rddreg [dreg:$0x2];
	[bflag:$0x3] =	sbarrier.arrive $0xFFFF;
	s2 =	simm.s32 @!p0 $0x1C02  }
0x59: {  	[timem:s3], [sflag:s2] =	dma.local @!p0 [hbm:s0], s1  }
0x5a: {  	s0 =	simm.s32 @!p0 $0x2  }
0x5b: {  	_ =	swait.ge @!p0 [sflag:s0], s1  }
0x5c: {  	s1 =	ssub.s32 @!p0 $0x0, s1;
	[sflag:s0] =	ssyncset.done @!p0 $0x0  }
0x5d: {  	[sflag:s0] =	ssyncadd.s32 @!p0 s1  }
0x5e: {  	[bflag:$0x3] =	sbarrier.arrive $0xFFFF  }
0x5f: {  	_ =	shalt  }

</sc_bundles>
